<compile_context>
chip_gen: v7x
topology: tpu7x:2x2x1
jax: 0.10.2.dev20260603
libtpu: 0.0.44.dev20260713+nightly
codegen_flags: <defaults>
</compile_context>

<pallas_src>
import functools

import jax
import jax.numpy as jnp
from jax import lax
from jax.experimental import pallas as pl
from jax.experimental.pallas import tpu as pltpu
from jax.experimental.pallas import tpu_sc as plsc

_SHAPE = (4096, 16384)
_N = _SHAPE[0] * _SHAPE[1]
_K = 671088

_SW = 1 << 20
_NWIN = _N // _SW
_TS = _SW // 16
_CP = 512
_CB = 528

_mesh = plsc.VectorSubcoreMesh(core_axis_name="c", subcore_axis_name="s")


@functools.partial(
    pl.kernel,
    mesh=_mesh,
    compiler_params=pltpu.CompilerParams(needs_layout_passes=False),
    out_type=jax.ShapeDtypeStruct((_N,), jnp.float32),
    scratch_types=[
        pltpu.VMEM_SHARED((_SW,), jnp.float32),
        pltpu.VMEM((_CB,), jnp.int32),
        pltpu.VMEM((_CB,), jnp.float32),
        pltpu.VMEM((_CB,), jnp.int32),
        pltpu.VMEM((_CB,), jnp.float32),
        pltpu.VMEM((80,), jnp.int32),
        pltpu.SemaphoreType.DMA,
        pltpu.SemaphoreType.DMA,
        pltpu.SemaphoreType.DMA,
    ],
)
def _sc_apply(tensor_hbm, idx_hbm, val_hbm, bounds_hbm, out_hbm,
              spmem, ibuf, vbuf, istg, vstg, bounds_v, lsem, csem, ssem):
    c = lax.axis_index("c")
    s = lax.axis_index("s")
    pltpu.sync_copy(bounds_hbm, bounds_v)
    iota = lax.iota(jnp.int32, 16)
    lane16 = jnp.full((16,), 16, dtype=jnp.int32)

    def bound_at(i):
        return jnp.max(plsc.load_gather(bounds_v,
                                        [jnp.full((16,), i, jnp.int32)]))

    @pl.loop(0, _NWIN // 2)
    def _win(wi):
        w = wi * 2 + c
        wlo = w * _SW
        off = s * _TS

        pltpu.async_copy(tensor_hbm.at[pl.ds(wlo + off, _TS)],
                         spmem.at[pl.ds(off, _TS)], lsem).wait()
        plsc.subcore_barrier()

        s_lo = bound_at(w)
        s_hi = bound_at(w + 1)
        n_ch = lax.div(s_hi - s_lo + (_CP - 1), _CP)
        n_mine = jnp.maximum(lax.div(n_ch - s + 15, 16), 0)

        @pl.loop(0, n_mine)
        def _chunk(it):
            g = s_lo + (s + it * 16) * _CP
            a8 = pl.multiple_of(
                jnp.minimum(g - lax.rem(g, 8), _K - _CB), 8)
            pltpu.sync_copy(idx_hbm.at[pl.ds(a8, _CB)], ibuf)
            pltpu.sync_copy(val_hbm.at[pl.ds(a8, _CB)], vbuf)
            for gi in range(_CB // 16):
                sl = pl.ds(gi * 16, 16)
                pos = (a8 + gi * 16) + iota
                iv = ibuf[sl]
                vv = vbuf[sl]
                valid = (pos >= g) & (pos < g + _CP) & (pos < s_hi)
                istg[sl] = jnp.where(valid, iv - wlo,
                                     (gi * 16) * lane16 + iota * 16)
                vstg[sl] = jnp.where(valid, vv, jnp.zeros((16,),
                                                          jnp.float32))
            pltpu.async_copy(vstg, spmem.at[istg], csem, add=True).wait()

        plsc.subcore_barrier()

        pltpu.async_copy(spmem.at[pl.ds(off, _TS)],
                         out_hbm.at[pl.ds(wlo + off, _TS)], ssem).wait()
        plsc.subcore_barrier()


def kernel(tensor, values, indices):
    flat = tensor.reshape(-1)
    idx = indices.astype(jnp.int32)
    edges = jnp.arange(0, _N + 1, _SW, dtype=jnp.int32)
    bounds = jnp.searchsorted(idx, edges).astype(jnp.int32)
    bounds = jnp.pad(bounds, (0, 80 - bounds.shape[0]))
    out = _sc_apply(flat, idx, values, bounds)
    return out.reshape(_SHAPE)

# --- scband reference (transcript-rebuilt; emitter-appended) ---
"""Pipeline reference for scband-sparse-delta-43997644980701 (READ-ONLY COPY).

The authoritative reference and input builder live on the scoring server;
editing this copy changes nothing except your own understanding.
"""

import jax, jax.numpy as jnp
import numpy as np

SHAPE = (4096, 16384)
K = 671088


def setup_inputs(seed: int = 0) -> dict:
    key = jax.random.key(seed)
    k1, k2 = jax.random.split(key)
    tensor = jax.random.normal(k1, SHAPE, dtype=jnp.float32)
    # Learned parameter: sparse delta values (initialized to zeros in the
    # original module; use small normals so the computation is non-trivial).
    values = jax.random.normal(k2, (K,), dtype=jnp.float32) * 0.01
    # Buffer: sorted unique random subset of flat positions (random_subset + sort).
    n = int(np.prod(SHAPE))
    rng = np.random.default_rng(0)
    idx = rng.choice(n, size=K, replace=False)
    indices = jnp.asarray(np.sort(idx), dtype=jnp.int64)
    return {"tensor": tensor, "values": values, "indices": indices}


def reference(tensor, values, indices):
    if tensor.shape != SHAPE:
        raise ValueError(f"SparseDelta has shape {SHAPE}, but is being applied to tensor of shape {tensor.shape}.")
    flat = tensor.reshape(-1)
    # segment_coo(values, sorted unique indices, reduce='sum') over dim_size=numel
    # is a scatter-add of values into a zero buffer of the dense size.
    delta = jnp.zeros((flat.shape[0],), dtype=tensor.dtype).at[indices].add(values.astype(tensor.dtype))
    out = flat + delta
    return out.reshape(tensor.shape)

if __name__ == "__main__":
    import jax
    _d = setup_inputs()
    print(jax.jit(kernel)(*tuple(_d.values())))

</pallas_src>

<mosaic_0001>
#map = affine_map<(d0, d1) -> (0)>
module attributes {stable_mosaic.version = 14 : i64} {
  func.func @_sc_apply(%arg0: i32, %arg1: i32, %arg2: memref<67108864xf32, #tpu.memory_space<hbm>>, %arg3: memref<671088xi32, #tpu.memory_space<hbm>>, %arg4: memref<671088xf32, #tpu.memory_space<hbm>>, %arg5: memref<80xi32, #tpu.memory_space<hbm>>, %arg6: memref<67108864xf32, #tpu.memory_space<hbm>>, %arg7: memref<1048576xf32, #tpu.memory_space<vmem_shared>>, %arg8: memref<528xi32, #tpu.memory_space<vmem>>, %arg9: memref<528xf32, #tpu.memory_space<vmem>>, %arg10: memref<528xi32, #tpu.memory_space<vmem>>, %arg11: memref<528xf32, #tpu.memory_space<vmem>>, %arg12: memref<80xi32, #tpu.memory_space<vmem>>, %arg13: memref<!tpu.dma_semaphore, #tpu.memory_space<semaphore_mem>>, %arg14: memref<!tpu.dma_semaphore, #tpu.memory_space<semaphore_mem>>, %arg15: memref<!tpu.dma_semaphore, #tpu.memory_space<semaphore_mem>>) attributes {dimension_semantics = [#tpu.dimension_semantics<core_parallel>, #tpu.dimension_semantics<subcore_parallel>], iteration_bounds = array<i64: 2, 16>, scalar_prefetch = 0 : i64, scratch_operands = 9 : i64, tpu.core_type = #tpu.core_type<sc_vector_subcore>, window_params = [{transform_indices = #map}, {transform_indices = #map}, {transform_indices = #map}, {transform_indices = #map}, {transform_indices = #map}]} {
    "tpu.region"() ({
      %run_scoped3A = tpu.sem_alloc : memref<!tpu.dma_semaphore, #tpu.memory_space<semaphore_mem>>
      tpu.enqueue_dma source(%arg5 : memref<80xi32, #tpu.memory_space<hbm>>) target(%arg12 : memref<80xi32, #tpu.memory_space<vmem>>) target_semaphore(%run_scoped3A : memref<!tpu.dma_semaphore, #tpu.memory_space<semaphore_mem>>)
      tpu.wait_dma2 semaphore(%run_scoped3A : memref<!tpu.dma_semaphore, #tpu.memory_space<semaphore_mem>>) src(%arg5 : memref<80xi32, #tpu.memory_space<hbm>>) dst(%arg12 : memref<80xi32, #tpu.memory_space<vmem>>)
      tpu.yield
    }) : () -> ()
    %iota3A = tpu.iota {dimensions = array<i32: 0>} : vector<16xi32>
    %broadcast_in_dim3A = arith.constant 16 : i32
    %broadcast_in_dim3A_0 = vector.broadcast %broadcast_in_dim3A : i32 to vector<16xi32>
    %scan3A = arith.constant 0 : i32
    %scan3A_1 = arith.constant 32 : i32
    %scan3A_2 = arith.addi %scan3A, %scan3A_1 : i32
    %scan3A_3 = arith.constant 1 : i32
    scf.for %scan3A_5 = %scan3A to %scan3A_2 step %scan3A_3  : i32 {
      %mul3A = arith.constant 1 : i32
      %mul3A_6 = arith.muli %scan3A_5, %mul3A : i32
      %add3A = arith.constant 0 : i32
      %add3A_7 = arith.addi %add3A, %mul3A_6 : i32
      %mul3A_8 = arith.constant 2 : i32
      %mul3A_9 = arith.muli %add3A_7, %mul3A_8 : i32
      %add3A_10 = arith.addi %mul3A_9, %arg0 : i32
      %mul3A_11 = arith.constant 1048576 : i32
      %mul3A_12 = arith.muli %add3A_10, %mul3A_11 : i32
      %mul3A_13 = arith.constant 65536 : i32
      %mul3A_14 = arith.muli %arg1, %mul3A_13 : i32
      %add3A_15 = arith.addi %mul3A_12, %mul3A_14 : i32
      %dma_start3A = tpu.memref_slice %arg7[%mul3A_14] : memref<1048576xf32, #tpu.memory_space<vmem_shared>> -> memref<65536xf32, #tpu.memory_space<vmem_shared>>
      %dma_start3A_16 = tpu.memref_slice %arg2[%add3A_15] : memref<67108864xf32, #tpu.memory_space<hbm>> -> memref<65536xf32, #tpu.memory_space<hbm>>
      tpu.enqueue_dma source(%dma_start3A_16 : memref<65536xf32, #tpu.memory_space<hbm>>) target(%dma_start3A : memref<65536xf32, #tpu.memory_space<vmem_shared>>) target_semaphore(%arg13 : memref<!tpu.dma_semaphore, #tpu.memory_space<semaphore_mem>>)
      %dma_wait3A = tpu.memref_slice %arg7[%mul3A_14] : memref<1048576xf32, #tpu.memory_space<vmem_shared>> -> memref<65536xf32, #tpu.memory_space<vmem_shared>>
      %dma_wait3A_17 = tpu.memref_slice %arg2[%add3A_15] : memref<67108864xf32, #tpu.memory_space<hbm>> -> memref<65536xf32, #tpu.memory_space<hbm>>
      tpu.wait_dma2 semaphore(%arg13 : memref<!tpu.dma_semaphore, #tpu.memory_space<semaphore_mem>>) src(%dma_wait3A_17 : memref<65536xf32, #tpu.memory_space<hbm>>) dst(%dma_wait3A : memref<65536xf32, #tpu.memory_space<vmem_shared>>)
      %barrier3A = arith.constant 0 : index
      tpu.barrier barrier_id(%barrier3A)
      %broadcast_in_dim3A_18 = vector.broadcast %add3A_10 : i32 to vector<16xi32>
      %gather3A = tpu.vector_load_idx %arg12[%broadcast_in_dim3A_18] : memref<80xi32, #tpu.memory_space<vmem>>[vector<16xi32>], vector<16xi32>,
      %reduce_max3A = arith.constant true
      %reduce_max3A_19 = vector.broadcast %reduce_max3A : i1 to vector<16xi1>
      %reduce_max3A_20 = arith.constant -2147483648 : i32
      %reduce_max3A_21 = vector.broadcast %reduce_max3A_20 : i32 to vector<16xi32>
      %reduce_max3A_22 = arith.xori %gather3A, %reduce_max3A_21 : vector<16xi32>
      %reduce_max3A_23 = tpu.scan <max>, %reduce_max3A_22 masked %reduce_max3A_19 : vector<16xi32>, vector<16xi1> -> vector<16xi32>
      %reduce_max3A_24 = arith.xori %reduce_max3A_23, %reduce_max3A_21 : vector<16xi32>
      %reduce_max3A_25 = vector.extract %reduce_max3A_24[15] : i32 from vector<16xi32>
      %add3A_26 = arith.constant 1 : i32
      %add3A_27 = arith.addi %add3A_10, %add3A_26 : i32
      %broadcast_in_dim3A_28 = vector.broadcast %add3A_27 : i32 to vector<16xi32>
      %gather3A_29 = tpu.vector_load_idx %arg12[%broadcast_in_dim3A_28] : memref<80xi32, #tpu.memory_space<vmem>>[vector<16xi32>], vector<16xi32>,
      %reduce_max3A_30 = arith.constant true
      %reduce_max3A_31 = vector.broadcast %reduce_max3A_30 : i1 to vector<16xi1>
      %reduce_max3A_32 = arith.constant -2147483648 : i32
      %reduce_max3A_33 = vector.broadcast %reduce_max3A_32 : i32 to vector<16xi32>
      %reduce_max3A_34 = arith.xori %gather3A_29, %reduce_max3A_33 : vector<16xi32>
      %reduce_max3A_35 = tpu.scan <max>, %reduce_max3A_34 masked %reduce_max3A_31 : vector<16xi32>, vector<16xi1> -> vector<16xi32>
      %reduce_max3A_36 = arith.xori %reduce_max3A_35, %reduce_max3A_33 : vector<16xi32>
      %reduce_max3A_37 = vector.extract %reduce_max3A_36[15] : i32 from vector<16xi32>
      %sub3A = arith.subi %reduce_max3A_37, %reduce_max3A_25 : i32
      %add3A_38 = arith.constant 511 : i32
      %add3A_39 = arith.addi %sub3A, %add3A_38 : i32
      %div3A = arith.constant 512 : i32
      %div3A_40 = arith.divsi %add3A_39, %div3A : i32
      %sub3A_41 = arith.subi %div3A_40, %arg1 : i32
      %add3A_42 = arith.constant 15 : i32
      %add3A_43 = arith.addi %sub3A_41, %add3A_42 : i32
      %div3A_44 = arith.constant 16 : i32
      %div3A_45 = arith.divsi %add3A_43, %div3A_44 : i32
      %max3A = arith.constant 0 : i32
      %max3A_46 = arith.maxsi %div3A_45, %max3A : i32
      %sub3A_47 = arith.constant 0 : i32
      %sub3A_48 = arith.subi %max3A_46, %sub3A_47 : i32
      %sub3A_49 = arith.constant 1 : i32
      %sub3A_50 = arith.constant 1 : i32
      %sub3A_51 = arith.subi %sub3A_49, %sub3A_50 : i32
      %add3A_52 = arith.addi %sub3A_48, %sub3A_51 : i32
      %div3A_53 = arith.constant 1 : i32
      %div3A_54 = arith.divsi %add3A_52, %div3A_53 : i32
      %while3A = arith.constant 1 : i32
      %while3A_55 = arith.constant 0 : i32
      %while3A_56 = arith.constant 0 : i32
      %while3A_57 = arith.subi %div3A_54, %while3A_56 : i32
      %while3A_58 = arith.addi %while3A_56, %while3A_57 : i32
      %while3A_59 = arith.constant 1 : i32
      %while3A_60 = arith.divsi %while3A_57, %while3A_59 : i32
      %while3A_61 = arith.muli %while3A_60, %while3A_59 : i32
      %while3A_62 = arith.addi %while3A_56, %while3A_61 : i32
      %while3A_63 = arith.constant 1 : i32
      scf.for %while3A_72 = %while3A_56 to %while3A_62 step %while3A_63  : i32 {
        %mul3A_73 = arith.muli %while3A_72, %while3A : i32
        %add3A_74 = arith.addi %while3A_55, %mul3A_73 : i32
        %mul3A_75 = arith.constant 16 : i32
        %mul3A_76 = arith.muli %add3A_74, %mul3A_75 : i32
        %add3A_77 = arith.addi %arg1, %mul3A_76 : i32
        %mul3A_78 = arith.constant 512 : i32
        %mul3A_79 = arith.muli %add3A_77, %mul3A_78 : i32
        %add3A_80 = arith.addi %reduce_max3A_25, %mul3A_79 : i32
        %rem3A = arith.constant 8 : i32
        %rem3A_81 = arith.remsi %add3A_80, %rem3A : i32
        %sub3A_82 = arith.subi %add3A_80, %rem3A_81 : i32
        %min3A = arith.constant 670560 : i32
        %min3A_83 = arith.minsi %sub3A_82, %min3A : i32
        %multiple_of3A = tpu.assume_multiple %min3A_83, 8 : i32
        "tpu.region"() ({
          %run_scoped3A = tpu.sem_alloc : memref<!tpu.dma_semaphore, #tpu.memory_space<semaphore_mem>>
          %dma_start3A_1237 = tpu.memref_slice %arg3[%multiple_of3A] : memref<671088xi32, #tpu.memory_space<hbm>> -> memref<528xi32, #tpu.memory_space<hbm>>
          %dma_start3A_1238 = tpu.memref_slice %arg3[%multiple_of3A] : memref<671088xi32, #tpu.memory_space<hbm>> -> memref<528xi32, #tpu.memory_space<hbm>>
          tpu.enqueue_dma source(%dma_start3A_1238 : memref<528xi32, #tpu.memory_space<hbm>>) target(%arg8 : memref<528xi32, #tpu.memory_space<vmem>>) target_semaphore(%run_scoped3A : memref<!tpu.dma_semaphore, #tpu.memory_space<semaphore_mem>>)
          %dma_wait3A_1239 = tpu.memref_slice %arg3[%multiple_of3A] : memref<671088xi32, #tpu.memory_space<hbm>> -> memref<528xi32, #tpu.memory_space<hbm>>
          %dma_wait3A_1240 = tpu.memref_slice %arg3[%multiple_of3A] : memref<671088xi32, #tpu.memory_space<hbm>> -> memref<528xi32, #tpu.memory_space<hbm>>
          tpu.wait_dma2 semaphore(%run_scoped3A : memref<!tpu.dma_semaphore, #tpu.memory_space<semaphore_mem>>) src(%dma_wait3A_1240 : memref<528xi32, #tpu.memory_space<hbm>>) dst(%arg8 : memref<528xi32, #tpu.memory_space<vmem>>)
          tpu.yield
        }) : () -> ()
        "tpu.region"() ({
          %run_scoped3A = tpu.sem_alloc : memref<!tpu.dma_semaphore, #tpu.memory_space<semaphore_mem>>
          %dma_start3A_1237 = tpu.memref_slice %arg4[%multiple_of3A] : memref<671088xf32, #tpu.memory_space<hbm>> -> memref<528xf32, #tpu.memory_space<hbm>>
          %dma_start3A_1238 = tpu.memref_slice %arg4[%multiple_of3A] : memref<671088xf32, #tpu.memory_space<hbm>> -> memref<528xf32, #tpu.memory_space<hbm>>
          tpu.enqueue_dma source(%dma_start3A_1238 : memref<528xf32, #tpu.memory_space<hbm>>) target(%arg9 : memref<528xf32, #tpu.memory_space<vmem>>) target_semaphore(%run_scoped3A : memref<!tpu.dma_semaphore, #tpu.memory_space<semaphore_mem>>)
          %dma_wait3A_1239 = tpu.memref_slice %arg4[%multiple_of3A] : memref<671088xf32, #tpu.memory_space<hbm>> -> memref<528xf32, #tpu.memory_space<hbm>>
          %dma_wait3A_1240 = tpu.memref_slice %arg4[%multiple_of3A] : memref<671088xf32, #tpu.memory_space<hbm>> -> memref<528xf32, #tpu.memory_space<hbm>>
          tpu.wait_dma2 semaphore(%run_scoped3A : memref<!tpu.dma_semaphore, #tpu.memory_space<semaphore_mem>>) src(%dma_wait3A_1240 : memref<528xf32, #tpu.memory_space<hbm>>) dst(%arg9 : memref<528xf32, #tpu.memory_space<vmem>>)
          tpu.yield
        }) : () -> ()
        %add3A_84 = arith.constant 0 : i32
        %add3A_85 = arith.addi %multiple_of3A, %add3A_84 : i32
        %add3A_86 = vector.broadcast %add3A_85 : i32 to vector<16xi32>
        %add3A_87 = arith.addi %add3A_86, %iota3A : vector<16xi32>
        %get3A = arith.constant 0 : index
        %get3A_88 = tpu.vector_load %arg8[%get3A] {strides = array<i32>} : memref<528xi32, #tpu.memory_space<vmem>>, vector<16xi32>,
        %get3A_89 = arith.constant 0 : index
        %get3A_90 = tpu.vector_load %arg9[%get3A_89] {strides = array<i32>} : memref<528xf32, #tpu.memory_space<vmem>>, vector<16xf32>,
        %ge3A = vector.broadcast %add3A_80 : i32 to vector<16xi32>
        %ge3A_91 = arith.cmpi sge, %add3A_87, %ge3A : vector<16xi32>
        %add3A_92 = arith.constant 512 : i32
        %add3A_93 = arith.addi %add3A_80, %add3A_92 : i32
        %lt3A = vector.broadcast %add3A_93 : i32 to vector<16xi32>
        %lt3A_94 = arith.cmpi slt, %add3A_87, %lt3A : vector<16xi32>
        %and3A = arith.andi %ge3A_91, %lt3A_94 : vector<16xi1>
        %lt3A_95 = vector.broadcast %reduce_max3A_37 : i32 to vector<16xi32>
        %lt3A_96 = arith.cmpi slt, %add3A_87, %lt3A_95 : vector<16xi32>
        %and3A_97 = arith.andi %and3A, %lt3A_96 : vector<16xi1>
        %sub3A_98 = vector.broadcast %mul3A_12 : i32 to vector<16xi32>
        %sub3A_99 = arith.subi %get3A_88, %sub3A_98 : vector<16xi32>
        %mul3A_100 = arith.constant 0 : i32
        %mul3A_101 = vector.broadcast %mul3A_100 : i32 to vector<16xi32>
        %mul3A_102 = arith.muli %mul3A_101, %broadcast_in_dim3A_0 : vector<16xi32>
        %mul3A_103 = arith.constant 16 : i32
        %mul3A_104 = vector.broadcast %mul3A_103 : i32 to vector<16xi32>
        %mul3A_105 = arith.muli %iota3A, %mul3A_104 : vector<16xi32>
        %add3A_106 = arith.addi %mul3A_102, %mul3A_105 : vector<16xi32>
        %select_n3A = arith.select %and3A_97, %sub3A_99, %add3A_106 : vector<16xi1>, vector<16xi32>
        %swap3A = arith.constant 0 : index
        %swap3A_107 = tpu.vector_load %arg10[%swap3A] {strides = array<i32>} : memref<528xi32, #tpu.memory_space<vmem>>, vector<16xi32>,
        tpu.vector_store %arg10[%swap3A], %select_n3A {strides = array<i32>} : memref<528xi32, #tpu.memory_space<vmem>>, vector<16xi32>,
        %broadcast_in_dim3A_108 = arith.constant 0.000000e+00 : f32
        %broadcast_in_dim3A_109 = vector.broadcast %broadcast_in_dim3A_108 : f32 to vector<16xf32>
        %select_n3A_110 = arith.select %and3A_97, %get3A_90, %broadcast_in_dim3A_109 : vector<16xi1>, vector<16xf32>
        %swap3A_111 = arith.constant 0 : index
        %swap3A_112 = tpu.vector_load %arg11[%swap3A_111] {strides = array<i32>} : memref<528xf32, #tpu.memory_space<vmem>>, vector<16xf32>,
        tpu.vector_store %arg11[%swap3A_111], %select_n3A_110 {strides = array<i32>} : memref<528xf32, #tpu.memory_space<vmem>>, vector<16xf32>,
        %add3A_113 = arith.constant 16 : i32
        %add3A_114 = arith.addi %multiple_of3A, %add3A_113 : i32
        %add3A_115 = vector.broadcast %add3A_114 : i32 to vector<16xi32>
        %add3A_116 = arith.addi %add3A_115, %iota3A : vector<16xi32>
        %get3A_117 = arith.constant 16 : index
        %get3A_118 = tpu.vector_load %arg8[%get3A_117] {strides = array<i32>} : memref<528xi32, #tpu.memory_space<vmem>>, vector<16xi32>,
        %get3A_119 = arith.constant 16 : index
        %get3A_120 = tpu.vector_load %arg9[%get3A_119] {strides = array<i32>} : memref<528xf32, #tpu.memory_space<vmem>>, vector<16xf32>,
        %ge3A_121 = vector.broadcast %add3A_80 : i32 to vector<16xi32>
        %ge3A_122 = arith.cmpi sge, %add3A_116, %ge3A_121 : vector<16xi32>
        %add3A_123 = arith.constant 512 : i32
        %add3A_124 = arith.addi %add3A_80, %add3A_123 : i32
        %lt3A_125 = vector.broadcast %add3A_124 : i32 to vector<16xi32>
        %lt3A_126 = arith.cmpi slt, %add3A_116, %lt3A_125 : vector<16xi32>
        %and3A_127 = arith.andi %ge3A_122, %lt3A_126 : vector<16xi1>
        %lt3A_128 = vector.broadcast %reduce_max3A_37 : i32 to vector<16xi32>
        %lt3A_129 = arith.cmpi slt, %add3A_116, %lt3A_128 : vector<16xi32>
        %and3A_130 = arith.andi %and3A_127, %lt3A_129 : vector<16xi1>
        %sub3A_131 = vector.broadcast %mul3A_12 : i32 to vector<16xi32>
        %sub3A_132 = arith.subi %get3A_118, %sub3A_131 : vector<16xi32>
        %mul3A_133 = arith.constant 16 : i32
        %mul3A_134 = vector.broadcast %mul3A_133 : i32 to vector<16xi32>
        %mul3A_135 = arith.muli %mul3A_134, %broadcast_in_dim3A_0 : vector<16xi32>
        %mul3A_136 = arith.constant 16 : i32
        %mul3A_137 = vector.broadcast %mul3A_136 : i32 to vector<16xi32>
        %mul3A_138 = arith.muli %iota3A, %mul3A_137 : vector<16xi32>
        %add3A_139 = arith.addi %mul3A_135, %mul3A_138 : vector<16xi32>
        %select_n3A_140 = arith.select %and3A_130, %sub3A_132, %add3A_139 : vector<16xi1>, vector<16xi32>
        %swap3A_141 = arith.constant 16 : index
        %swap3A_142 = tpu.vector_load %arg10[%swap3A_141] {strides = array<i32>} : memref<528xi32, #tpu.memory_space<vmem>>, vector<16xi32>,
        tpu.vector_store %arg10[%swap3A_141], %select_n3A_140 {strides = array<i32>} : memref<528xi32, #tpu.memory_space<vmem>>, vector<16xi32>,
        %broadcast_in_dim3A_143 = arith.constant 0.000000e+00 : f32
        %broadcast_in_dim3A_144 = vector.broadcast %broadcast_in_dim3A_143 : f32 to vector<16xf32>
        %select_n3A_145 = arith.select %and3A_130, %get3A_120, %broadcast_in_dim3A_144 : vector<16xi1>, vector<16xf32>
        %swap3A_146 = arith.constant 16 : index
        %swap3A_147 = tpu.vector_load %arg11[%swap3A_146] {strides = array<i32>} : memref<528xf32, #tpu.memory_space<vmem>>, vector<16xf32>,
        tpu.vector_store %arg11[%swap3A_146], %select_n3A_145 {strides = array<i32>} : memref<528xf32, #tpu.memory_space<vmem>>, vector<16xf32>,
        %add3A_148 = arith.constant 32 : i32
        %add3A_149 = arith.addi %multiple_of3A, %add3A_148 : i32
        %add3A_150 = vector.broadcast %add3A_149 : i32 to vector<16xi32>
        %add3A_151 = arith.addi %add3A_150, %iota3A : vector<16xi32>
        %get3A_152 = arith.constant 32 : index
        %get3A_153 = tpu.vector_load %arg8[%get3A_152] {strides = array<i32>} : memref<528xi32, #tpu.memory_space<vmem>>, vector<16xi32>,
        %get3A_154 = arith.constant 32 : index
        %get3A_155 = tpu.vector_load %arg9[%get3A_154] {strides = array<i32>} : memref<528xf32, #tpu.memory_space<vmem>>, vector<16xf32>,
        %ge3A_156 = vector.broadcast %add3A_80 : i32 to vector<16xi32>
        %ge3A_157 = arith.cmpi sge, %add3A_151, %ge3A_156 : vector<16xi32>
        %add3A_158 = arith.constant 512 : i32
        %add3A_159 = arith.addi %add3A_80, %add3A_158 : i32
        %lt3A_160 = vector.broadcast %add3A_159 : i32 to vector<16xi32>
        %lt3A_161 = arith.cmpi slt, %add3A_151, %lt3A_160 : vector<16xi32>
        %and3A_162 = arith.andi %ge3A_157, %lt3A_161 : vector<16xi1>
        %lt3A_163 = vector.broadcast %reduce_max3A_37 : i32 to vector<16xi32>
        %lt3A_164 = arith.cmpi slt, %add3A_151, %lt3A_163 : vector<16xi32>
        %and3A_165 = arith.andi %and3A_162, %lt3A_164 : vector<16xi1>
        %sub3A_166 = vector.broadcast %mul3A_12 : i32 to vector<16xi32>
        %sub3A_167 = arith.subi %get3A_153, %sub3A_166 : vector<16xi32>
        %mul3A_168 = arith.constant 32 : i32
        %mul3A_169 = vector.broadcast %mul3A_168 : i32 to vector<16xi32>
        %mul3A_170 = arith.muli %mul3A_169, %broadcast_in_dim3A_0 : vector<16xi32>
        %mul3A_171 = arith.constant 16 : i32
        %mul3A_172 = vector.broadcast %mul3A_171 : i32 to vector<16xi32>
        %mul3A_173 = arith.muli %iota3A, %mul3A_172 : vector<16xi32>
        %add3A_174 = arith.addi %mul3A_170, %mul3A_173 : vector<16xi32>
        %select_n3A_175 = arith.select %and3A_165, %sub3A_167, %add3A_174 : vector<16xi1>, vector<16xi32>
        %swap3A_176 = arith.constant 32 : index
        %swap3A_177 = tpu.vector_load %arg10[%swap3A_176] {strides = array<i32>} : memref<528xi32, #tpu.memory_space<vmem>>, vector<16xi32>,
        tpu.vector_store %arg10[%swap3A_176], %select_n3A_175 {strides = array<i32>} : memref<528xi32, #tpu.memory_space<vmem>>, vector<16xi32>,
        %broadcast_in_dim3A_178 = arith.constant 0.000000e+00 : f32
        %broadcast_in_dim3A_179 = vector.broadcast %broadcast_in_dim3A_178 : f32 to vector<16xf32>
        %select_n3A_180 = arith.select %and3A_165, %get3A_155, %broadcast_in_dim3A_179 : vector<16xi1>, vector<16xf32>
        %swap3A_181 = arith.constant 32 : index
        %swap3A_182 = tpu.vector_load %arg11[%swap3A_181] {strides = array<i32>} : memref<528xf32, #tpu.memory_space<vmem>>, vector<16xf32>,
        tpu.vector_store %arg11[%swap3A_181], %select_n3A_180 {strides = array<i32>} : memref<528xf32, #tpu.memory_space<vmem>>, vector<16xf32>,
        %add3A_183 = arith.constant 48 : i32
        %add3A_184 = arith.addi %multiple_of3A, %add3A_183 : i32
        %add3A_185 = vector.broadcast %add3A_184 : i32 to vector<16xi32>
        %add3A_186 = arith.addi %add3A_185, %iota3A : vector<16xi32>
        %get3A_187 = arith.constant 48 : index
        %get3A_188 = tpu.vector_load %arg8[%get3A_187] {strides = array<i32>} : memref<528xi32, #tpu.memory_space<vmem>>, vector<16xi32>,
        %get3A_189 = arith.constant 48 : index
        %get3A_190 = tpu.vector_load %arg9[%get3A_189] {strides = array<i32>} : memref<528xf32, #tpu.memory_space<vmem>>, vector<16xf32>,
        %ge3A_191 = vector.broadcast %add3A_80 : i32 to vector<16xi32>
        %ge3A_192 = arith.cmpi sge, %add3A_186, %ge3A_191 : vector<16xi32>
        %add3A_193 = arith.constant 512 : i32
        %add3A_194 = arith.addi %add3A_80, %add3A_193 : i32
        %lt3A_195 = vector.broadcast %add3A_194 : i32 to vector<16xi32>
        %lt3A_196 = arith.cmpi slt, %add3A_186, %lt3A_195 : vector<16xi32>
        %and3A_197 = arith.andi %ge3A_192, %lt3A_196 : vector<16xi1>
        %lt3A_198 = vector.broadcast %reduce_max3A_37 : i32 to vector<16xi32>
        %lt3A_199 = arith.cmpi slt, %add3A_186, %lt3A_198 : vector<16xi32>
        %and3A_200 = arith.andi %and3A_197, %lt3A_199 : vector<16xi1>
        %sub3A_201 = vector.broadcast %mul3A_12 : i32 to vector<16xi32>
        %sub3A_202 = arith.subi %get3A_188, %sub3A_201 : vector<16xi32>
        %mul3A_203 = arith.constant 48 : i32
        %mul3A_204 = vector.broadcast %mul3A_203 : i32 to vector<16xi32>
        %mul3A_205 = arith.muli %mul3A_204, %broadcast_in_dim3A_0 : vector<16xi32>
        %mul3A_206 = arith.constant 16 : i32
        %mul3A_207 = vector.broadcast %mul3A_206 : i32 to vector<16xi32>
        %mul3A_208 = arith.muli %iota3A, %mul3A_207 : vector<16xi32>
        %add3A_209 = arith.addi %mul3A_205, %mul3A_208 : vector<16xi32>
        %select_n3A_210 = arith.select %and3A_200, %sub3A_202, %add3A_209 : vector<16xi1>, vector<16xi32>
        %swap3A_211 = arith.constant 48 : index
        %swap3A_212 = tpu.vector_load %arg10[%swap3A_211] {strides = array<i32>} : memref<528xi32, #tpu.memory_space<vmem>>, vector<16xi32>,
        tpu.vector_store %arg10[%swap3A_211], %select_n3A_210 {strides = array<i32>} : memref<528xi32, #tpu.memory_space<vmem>>, vector<16xi32>,
        %broadcast_in_dim3A_213 = arith.constant 0.000000e+00 : f32
        %broadcast_in_dim3A_214 = vector.broadcast %broadcast_in_dim3A_213 : f32 to vector<16xf32>
        %select_n3A_215 = arith.select %and3A_200, %get3A_190, %broadcast_in_dim3A_214 : vector<16xi1>, vector<16xf32>
        %swap3A_216 = arith.constant 48 : index
        %swap3A_217 = tpu.vector_load %arg11[%swap3A_216] {strides = array<i32>} : memref<528xf32, #tpu.memory_space<vmem>>, vector<16xf32>,
        tpu.vector_store %arg11[%swap3A_216], %select_n3A_215 {strides = array<i32>} : memref<528xf32, #tpu.memory_space<vmem>>, vector<16xf32>,
        %add3A_218 = arith.constant 64 : i32
        %add3A_219 = arith.addi %multiple_of3A, %add3A_218 : i32
        %add3A_220 = vector.broadcast %add3A_219 : i32 to vector<16xi32>
        %add3A_221 = arith.addi %add3A_220, %iota3A : vector<16xi32>
        %get3A_222 = arith.constant 64 : index
        %get3A_223 = tpu.vector_load %arg8[%get3A_222] {strides = array<i32>} : memref<528xi32, #tpu.memory_space<vmem>>, vector<16xi32>,
        %get3A_224 = arith.constant 64 : index
        %get3A_225 = tpu.vector_load %arg9[%get3A_224] {strides = array<i32>} : memref<528xf32, #tpu.memory_space<vmem>>, vector<16xf32>,
        %ge3A_226 = vector.broadcast %add3A_80 : i32 to vector<16xi32>
        %ge3A_227 = arith.cmpi sge, %add3A_221, %ge3A_226 : vector<16xi32>
        %add3A_228 = arith.constant 512 : i32
        %add3A_229 = arith.addi %add3A_80, %add3A_228 : i32
        %lt3A_230 = vector.broadcast %add3A_229 : i32 to vector<16xi32>
        %lt3A_231 = arith.cmpi slt, %add3A_221, %lt3A_230 : vector<16xi32>
        %and3A_232 = arith.andi %ge3A_227, %lt3A_231 : vector<16xi1>
        %lt3A_233 = vector.broadcast %reduce_max3A_37 : i32 to vector<16xi32>
        %lt3A_234 = arith.cmpi slt, %add3A_221, %lt3A_233 : vector<16xi32>
        %and3A_235 = arith.andi %and3A_232, %lt3A_234 : vector<16xi1>
        %sub3A_236 = vector.broadcast %mul3A_12 : i32 to vector<16xi32>
        %sub3A_237 = arith.subi %get3A_223, %sub3A_236 : vector<16xi32>
        %mul3A_238 = arith.constant 64 : i32
        %mul3A_239 = vector.broadcast %mul3A_238 : i32 to vector<16xi32>
        %mul3A_240 = arith.muli %mul3A_239, %broadcast_in_dim3A_0 : vector<16xi32>
        %mul3A_241 = arith.constant 16 : i32
        %mul3A_242 = vector.broadcast %mul3A_241 : i32 to vector<16xi32>
        %mul3A_243 = arith.muli %iota3A, %mul3A_242 : vector<16xi32>
        %add3A_244 = arith.addi %mul3A_240, %mul3A_243 : vector<16xi32>
        %select_n3A_245 = arith.select %and3A_235, %sub3A_237, %add3A_244 : vector<16xi1>, vector<16xi32>
        %swap3A_246 = arith.constant 64 : index
        %swap3A_247 = tpu.vector_load %arg10[%swap3A_246] {strides = array<i32>} : memref<528xi32, #tpu.memory_space<vmem>>, vector<16xi32>,
        tpu.vector_store %arg10[%swap3A_246], %select_n3A_245 {strides = array<i32>} : memref<528xi32, #tpu.memory_space<vmem>>, vector<16xi32>,
        %broadcast_in_dim3A_248 = arith.constant 0.000000e+00 : f32
        %broadcast_in_dim3A_249 = vector.broadcast %broadcast_in_dim3A_248 : f32 to vector<16xf32>
        %select_n3A_250 = arith.select %and3A_235, %get3A_225, %broadcast_in_dim3A_249 : vector<16xi1>, vector<16xf32>
        %swap3A_251 = arith.constant 64 : index
        %swap3A_252 = tpu.vector_load %arg11[%swap3A_251] {strides = array<i32>} : memref<528xf32, #tpu.memory_space<vmem>>, vector<16xf32>,
        tpu.vector_store %arg11[%swap3A_251], %select_n3A_250 {strides = array<i32>} : memref<528xf32, #tpu.memory_space<vmem>>, vector<16xf32>,
        %add3A_253 = arith.constant 80 : i32
        %add3A_254 = arith.addi %multiple_of3A, %add3A_253 : i32
        %add3A_255 = vector.broadcast %add3A_254 : i32 to vector<16xi32>
        %add3A_256 = arith.addi %add3A_255, %iota3A : vector<16xi32>
        %get3A_257 = arith.constant 80 : index
        %get3A_258 = tpu.vector_load %arg8[%get3A_257] {strides = array<i32>} : memref<528xi32, #tpu.memory_space<vmem>>, vector<16xi32>,
        %get3A_259 = arith.constant 80 : index
        %get3A_260 = tpu.vector_load %arg9[%get3A_259] {strides = array<i32>} : memref<528xf32, #tpu.memory_space<vmem>>, vector<16xf32>,
        %ge3A_261 = vector.broadcast %add3A_80 : i32 to vector<16xi32>
        %ge3A_262 = arith.cmpi sge, %add3A_256, %ge3A_261 : vector<16xi32>
        %add3A_263 = arith.constant 512 : i32
        %add3A_264 = arith.addi %add3A_80, %add3A_263 : i32
        %lt3A_265 = vector.broadcast %add3A_264 : i32 to vector<16xi32>
        %lt3A_266 = arith.cmpi slt, %add3A_256, %lt3A_265 : vector<16xi32>
        %and3A_267 = arith.andi %ge3A_262, %lt3A_266 : vector<16xi1>
        %lt3A_268 = vector.broadcast %reduce_max3A_37 : i32 to vector<16xi32>
        %lt3A_269 = arith.cmpi slt, %add3A_256, %lt3A_268 : vector<16xi32>
        %and3A_270 = arith.andi %and3A_267, %lt3A_269 : vector<16xi1>
        %sub3A_271 = vector.broadcast %mul3A_12 : i32 to vector<16xi32>
        %sub3A_272 = arith.subi %get3A_258, %sub3A_271 : vector<16xi32>
        %mul3A_273 = arith.constant 80 : i32
        %mul3A_274 = vector.broadcast %mul3A_273 : i32 to vector<16xi32>
        %mul3A_275 = arith.muli %mul3A_274, %broadcast_in_dim3A_0 : vector<16xi32>
        %mul3A_276 = arith.constant 16 : i32
        %mul3A_277 = vector.broadcast %mul3A_276 : i32 to vector<16xi32>
        %mul3A_278 = arith.muli %iota3A, %mul3A_277 : vector<16xi32>
        %add3A_279 = arith.addi %mul3A_275, %mul3A_278 : vector<16xi32>
        %select_n3A_280 = arith.select %and3A_270, %sub3A_272, %add3A_279 : vector<16xi1>, vector<16xi32>
        %swap3A_281 = arith.constant 80 : index
        %swap3A_282 = tpu.vector_load %arg10[%swap3A_281] {strides = array<i32>} : memref<528xi32, #tpu.memory_space<vmem>>, vector<16xi32>,
        tpu.vector_store %arg10[%swap3A_281], %select_n3A_280 {strides = array<i32>} : memref<528xi32, #tpu.memory_space<vmem>>, vector<16xi32>,
        %broadcast_in_dim3A_283 = arith.constant 0.000000e+00 : f32
        %broadcast_in_dim3A_284 = vector.broadcast %broadcast_in_dim3A_283 : f32 to vector<16xf32>
        %select_n3A_285 = arith.select %and3A_270, %get3A_260, %broadcast_in_dim3A_284 : vector<16xi1>, vector<16xf32>
        %swap3A_286 = arith.constant 80 : index
        %swap3A_287 = tpu.vector_load %arg11[%swap3A_286] {strides = array<i32>} : memref<528xf32, #tpu.memory_space<vmem>>, vector<16xf32>,
        tpu.vector_store %arg11[%swap3A_286], %select_n3A_285 {strides = array<i32>} : memref<528xf32, #tpu.memory_space<vmem>>, vector<16xf32>,
        %add3A_288 = arith.constant 96 : i32
        %add3A_289 = arith.addi %multiple_of3A, %add3A_288 : i32
        %add3A_290 = vector.broadcast %add3A_289 : i32 to vector<16xi32>
        %add3A_291 = arith.addi %add3A_290, %iota3A : vector<16xi32>
        %get3A_292 = arith.constant 96 : index
        %get3A_293 = tpu.vector_load %arg8[%get3A_292] {strides = array<i32>} : memref<528xi32, #tpu.memory_space<vmem>>, vector<16xi32>,
        %get3A_294 = arith.constant 96 : index
        %get3A_295 = tpu.vector_load %arg9[%get3A_294] {strides = array<i32>} : memref<528xf32, #tpu.memory_space<vmem>>, vector<16xf32>,
        %ge3A_296 = vector.broadcast %add3A_80 : i32 to vector<16xi32>
        %ge3A_297 = arith.cmpi sge, %add3A_291, %ge3A_296 : vector<16xi32>
        %add3A_298 = arith.constant 512 : i32
        %add3A_299 = arith.addi %add3A_80, %add3A_298 : i32
        %lt3A_300 = vector.broadcast %add3A_299 : i32 to vector<16xi32>
        %lt3A_301 = arith.cmpi slt, %add3A_291, %lt3A_300 : vector<16xi32>
        %and3A_302 = arith.andi %ge3A_297, %lt3A_301 : vector<16xi1>
        %lt3A_303 = vector.broadcast %reduce_max3A_37 : i32 to vector<16xi32>
        %lt3A_304 = arith.cmpi slt, %add3A_291, %lt3A_303 : vector<16xi32>
        %and3A_305 = arith.andi %and3A_302, %lt3A_304 : vector<16xi1>
        %sub3A_306 = vector.broadcast %mul3A_12 : i32 to vector<16xi32>
        %sub3A_307 = arith.subi %get3A_293, %sub3A_306 : vector<16xi32>
        %mul3A_308 = arith.constant 96 : i32
        %mul3A_309 = vector.broadcast %mul3A_308 : i32 to vector<16xi32>
        %mul3A_310 = arith.muli %mul3A_309, %broadcast_in_dim3A_0 : vector<16xi32>
        %mul3A_311 = arith.constant 16 : i32
        %mul3A_312 = vector.broadcast %mul3A_311 : i32 to vector<16xi32>
        %mul3A_313 = arith.muli %iota3A, %mul3A_312 : vector<16xi32>
        %add3A_314 = arith.addi %mul3A_310, %mul3A_313 : vector<16xi32>
        %select_n3A_315 = arith.select %and3A_305, %sub3A_307, %add3A_314 : vector<16xi1>, vector<16xi32>
        %swap3A_316 = arith.constant 96 : index
        %swap3A_317 = tpu.vector_load %arg10[%swap3A_316] {strides = array<i32>} : memref<528xi32, #tpu.memory_space<vmem>>, vector<16xi32>,
        tpu.vector_store %arg10[%swap3A_316], %select_n3A_315 {strides = array<i32>} : memref<528xi32, #tpu.memory_space<vmem>>, vector<16xi32>,
        %broadcast_in_dim3A_318 = arith.constant 0.000000e+00 : f32
        %broadcast_in_dim3A_319 = vector.broadcast %broadcast_in_dim3A_318 : f32 to vector<16xf32>
        %select_n3A_320 = arith.select %and3A_305, %get3A_295, %broadcast_in_dim3A_319 : vector<16xi1>, vector<16xf32>
        %swap3A_321 = arith.constant 96 : index
        %swap3A_322 = tpu.vector_load %arg11[%swap3A_321] {strides = array<i32>} : memref<528xf32, #tpu.memory_space<vmem>>, vector<16xf32>,
        tpu.vector_store %arg11[%swap3A_321], %select_n3A_320 {strides = array<i32>} : memref<528xf32, #tpu.memory_space<vmem>>, vector<16xf32>,
        %add3A_323 = arith.constant 112 : i32
        %add3A_324 = arith.addi %multiple_of3A, %add3A_323 : i32
        %add3A_325 = vector.broadcast %add3A_324 : i32 to vector<16xi32>
        %add3A_326 = arith.addi %add3A_325, %iota3A : vector<16xi32>
        %get3A_327 = arith.constant 112 : index
        %get3A_328 = tpu.vector_load %arg8[%get3A_327] {strides = array<i32>} : memref<528xi32, #tpu.memory_space<vmem>>, vector<16xi32>,
        %get3A_329 = arith.constant 112 : index
        %get3A_330 = tpu.vector_load %arg9[%get3A_329] {strides = array<i32>} : memref<528xf32, #tpu.memory_space<vmem>>, vector<16xf32>,
        %ge3A_331 = vector.broadcast %add3A_80 : i32 to vector<16xi32>
        %ge3A_332 = arith.cmpi sge, %add3A_326, %ge3A_331 : vector<16xi32>
        %add3A_333 = arith.constant 512 : i32
        %add3A_334 = arith.addi %add3A_80, %add3A_333 : i32
        %lt3A_335 = vector.broadcast %add3A_334 : i32 to vector<16xi32>
        %lt3A_336 = arith.cmpi slt, %add3A_326, %lt3A_335 : vector<16xi32>
        %and3A_337 = arith.andi %ge3A_332, %lt3A_336 : vector<16xi1>
        %lt3A_338 = vector.broadcast %reduce_max3A_37 : i32 to vector<16xi32>
        %lt3A_339 = arith.cmpi slt, %add3A_326, %lt3A_338 : vector<16xi32>
        %and3A_340 = arith.andi %and3A_337, %lt3A_339 : vector<16xi1>
        %sub3A_341 = vector.broadcast %mul3A_12 : i32 to vector<16xi32>
        %sub3A_342 = arith.subi %get3A_328, %sub3A_341 : vector<16xi32>
        %mul3A_343 = arith.constant 112 : i32
        %mul3A_344 = vector.broadcast %mul3A_343 : i32 to vector<16xi32>
        %mul3A_345 = arith.muli %mul3A_344, %broadcast_in_dim3A_0 : vector<16xi32>
        %mul3A_346 = arith.constant 16 : i32
        %mul3A_347 = vector.broadcast %mul3A_346 : i32 to vector<16xi32>
        %mul3A_348 = arith.muli %iota3A, %mul3A_347 : vector<16xi32>
        %add3A_349 = arith.addi %mul3A_345, %mul3A_348 : vector<16xi32>
        %select_n3A_350 = arith.select %and3A_340, %sub3A_342, %add3A_349 : vector<16xi1>, vector<16xi32>
        %swap3A_351 = arith.constant 112 : index
        %swap3A_352 = tpu.vector_load %arg10[%swap3A_351] {strides = array<i32>} : memref<528xi32, #tpu.memory_space<vmem>>, vector<16xi32>,
        tpu.vector_store %arg10[%swap3A_351], %select_n3A_350 {strides = array<i32>} : memref<528xi32, #tpu.memory_space<vmem>>, vector<16xi32>,
        %broadcast_in_dim3A_353 = arith.constant 0.000000e+00 : f32
        %broadcast_in_dim3A_354 = vector.broadcast %broadcast_in_dim3A_353 : f32 to vector<16xf32>
        %select_n3A_355 = arith.select %and3A_340, %get3A_330, %broadcast_in_dim3A_354 : vector<16xi1>, vector<16xf32>
        %swap3A_356 = arith.constant 112 : index
        %swap3A_357 = tpu.vector_load %arg11[%swap3A_356] {strides = array<i32>} : memref<528xf32, #tpu.memory_space<vmem>>, vector<16xf32>,
        tpu.vector_store %arg11[%swap3A_356], %select_n3A_355 {strides = array<i32>} : memref<528xf32, #tpu.memory_space<vmem>>, vector<16xf32>,
        %add3A_358 = arith.constant 128 : i32
        %add3A_359 = arith.addi %multiple_of3A, %add3A_358 : i32
        %add3A_360 = vector.broadcast %add3A_359 : i32 to vector<16xi32>
        %add3A_361 = arith.addi %add3A_360, %iota3A : vector<16xi32>
        %get3A_362 = arith.constant 128 : index
        %get3A_363 = tpu.vector_load %arg8[%get3A_362] {strides = array<i32>} : memref<528xi32, #tpu.memory_space<vmem>>, vector<16xi32>,
        %get3A_364 = arith.constant 128 : index
        %get3A_365 = tpu.vector_load %arg9[%get3A_364] {strides = array<i32>} : memref<528xf32, #tpu.memory_space<vmem>>, vector<16xf32>,
        %ge3A_366 = vector.broadcast %add3A_80 : i32 to vector<16xi32>
        %ge3A_367 = arith.cmpi sge, %add3A_361, %ge3A_366 : vector<16xi32>
        %add3A_368 = arith.constant 512 : i32
        %add3A_369 = arith.addi %add3A_80, %add3A_368 : i32
        %lt3A_370 = vector.broadcast %add3A_369 : i32 to vector<16xi32>
        %lt3A_371 = arith.cmpi slt, %add3A_361, %lt3A_370 : vector<16xi32>
        %and3A_372 = arith.andi %ge3A_367, %lt3A_371 : vector<16xi1>
        %lt3A_373 = vector.broadcast %reduce_max3A_37 : i32 to vector<16xi32>
        %lt3A_374 = arith.cmpi slt, %add3A_361, %lt3A_373 : vector<16xi32>
        %and3A_375 = arith.andi %and3A_372, %lt3A_374 : vector<16xi1>
        %sub3A_376 = vector.broadcast %mul3A_12 : i32 to vector<16xi32>
        %sub3A_377 = arith.subi %get3A_363, %sub3A_376 : vector<16xi32>
        %mul3A_378 = arith.constant 128 : i32
        %mul3A_379 = vector.broadcast %mul3A_378 : i32 to vector<16xi32>
        %mul3A_380 = arith.muli %mul3A_379, %broadcast_in_dim3A_0 : vector<16xi32>
        %mul3A_381 = arith.constant 16 : i32
        %mul3A_382 = vector.broadcast %mul3A_381 : i32 to vector<16xi32>
        %mul3A_383 = arith.muli %iota3A, %mul3A_382 : vector<16xi32>
        %add3A_384 = arith.addi %mul3A_380, %mul3A_383 : vector<16xi32>
        %select_n3A_385 = arith.select %and3A_375, %sub3A_377, %add3A_384 : vector<16xi1>, vector<16xi32>
        %swap3A_386 = arith.constant 128 : index
        %swap3A_387 = tpu.vector_load %arg10[%swap3A_386] {strides = array<i32>} : memref<528xi32, #tpu.memory_space<vmem>>, vector<16xi32>,
        tpu.vector_store %arg10[%swap3A_386], %select_n3A_385 {strides = array<i32>} : memref<528xi32, #tpu.memory_space<vmem>>, vector<16xi32>,
        %broadcast_in_dim3A_388 = arith.constant 0.000000e+00 : f32
        %broadcast_in_dim3A_389 = vector.broadcast %broadcast_in_dim3A_388 : f32 to vector<16xf32>
        %select_n3A_390 = arith.select %and3A_375, %get3A_365, %broadcast_in_dim3A_389 : vector<16xi1>, vector<16xf32>
        %swap3A_391 = arith.constant 128 : index
        %swap3A_392 = tpu.vector_load %arg11[%swap3A_391] {strides = array<i32>} : memref<528xf32, #tpu.memory_space<vmem>>, vector<16xf32>,
        tpu.vector_store %arg11[%swap3A_391], %select_n3A_390 {strides = array<i32>} : memref<528xf32, #tpu.memory_space<vmem>>, vector<16xf32>,
        %add3A_393 = arith.constant 144 : i32
        %add3A_394 = arith.addi %multiple_of3A, %add3A_393 : i32
        %add3A_395 = vector.broadcast %add3A_394 : i32 to vector<16xi32>
        %add3A_396 = arith.addi %add3A_395, %iota3A : vector<16xi32>
        %get3A_397 = arith.constant 144 : index
        %get3A_398 = tpu.vector_load %arg8[%get3A_397] {strides = array<i32>} : memref<528xi32, #tpu.memory_space<vmem>>, vector<16xi32>,
        %get3A_399 = arith.constant 144 : index
        %get3A_400 = tpu.vector_load %arg9[%get3A_399] {strides = array<i32>} : memref<528xf32, #tpu.memory_space<vmem>>, vector<16xf32>,
        %ge3A_401 = vector.broadcast %add3A_80 : i32 to vector<16xi32>
        %ge3A_402 = arith.cmpi sge, %add3A_396, %ge3A_401 : vector<16xi32>
        %add3A_403 = arith.constant 512 : i32
        %add3A_404 = arith.addi %add3A_80, %add3A_403 : i32
        %lt3A_405 = vector.broadcast %add3A_404 : i32 to vector<16xi32>
        %lt3A_406 = arith.cmpi slt, %add3A_396, %lt3A_405 : vector<16xi32>
        %and3A_407 = arith.andi %ge3A_402, %lt3A_406 : vector<16xi1>
        %lt3A_408 = vector.broadcast %reduce_max3A_37 : i32 to vector<16xi32>
        %lt3A_409 = arith.cmpi slt, %add3A_396, %lt3A_408 : vector<16xi32>
        %and3A_410 = arith.andi %and3A_407, %lt3A_409 : vector<16xi1>
        %sub3A_411 = vector.broadcast %mul3A_12 : i32 to vector<16xi32>
        %sub3A_412 = arith.subi %get3A_398, %sub3A_411 : vector<16xi32>
        %mul3A_413 = arith.constant 144 : i32
        %mul3A_414 = vector.broadcast %mul3A_413 : i32 to vector<16xi32>
        %mul3A_415 = arith.muli %mul3A_414, %broadcast_in_dim3A_0 : vector<16xi32>
        %mul3A_416 = arith.constant 16 : i32
        %mul3A_417 = vector.broadcast %mul3A_416 : i32 to vector<16xi32>
        %mul3A_418 = arith.muli %iota3A, %mul3A_417 : vector<16xi32>
        %add3A_419 = arith.addi %mul3A_415, %mul3A_418 : vector<16xi32>
        %select_n3A_420 = arith.select %and3A_410, %sub3A_412, %add3A_419 : vector<16xi1>, vector<16xi32>
        %swap3A_421 = arith.constant 144 : index
        %swap3A_422 = tpu.vector_load %arg10[%swap3A_421] {strides = array<i32>} : memref<528xi32, #tpu.memory_space<vmem>>, vector<16xi32>,
        tpu.vector_store %arg10[%swap3A_421], %select_n3A_420 {strides = array<i32>} : memref<528xi32, #tpu.memory_space<vmem>>, vector<16xi32>,
        %broadcast_in_dim3A_423 = arith.constant 0.000000e+00 : f32
        %broadcast_in_dim3A_424 = vector.broadcast %broadcast_in_dim3A_423 : f32 to vector<16xf32>
        %select_n3A_425 = arith.select %and3A_410, %get3A_400, %broadcast_in_dim3A_424 : vector<16xi1>, vector<16xf32>
        %swap3A_426 = arith.constant 144 : index
        %swap3A_427 = tpu.vector_load %arg11[%swap3A_426] {strides = array<i32>} : memref<528xf32, #tpu.memory_space<vmem>>, vector<16xf32>,
        tpu.vector_store %arg11[%swap3A_426], %select_n3A_425 {strides = array<i32>} : memref<528xf32, #tpu.memory_space<vmem>>, vector<16xf32>,
        %add3A_428 = arith.constant 160 : i32
        %add3A_429 = arith.addi %multiple_of3A, %add3A_428 : i32
        %add3A_430 = vector.broadcast %add3A_429 : i32 to vector<16xi32>
        %add3A_431 = arith.addi %add3A_430, %iota3A : vector<16xi32>
        %get3A_432 = arith.constant 160 : index
        %get3A_433 = tpu.vector_load %arg8[%get3A_432] {strides = array<i32>} : memref<528xi32, #tpu.memory_space<vmem>>, vector<16xi32>,
        %get3A_434 = arith.constant 160 : index
        %get3A_435 = tpu.vector_load %arg9[%get3A_434] {strides = array<i32>} : memref<528xf32, #tpu.memory_space<vmem>>, vector<16xf32>,
        %ge3A_436 = vector.broadcast %add3A_80 : i32 to vector<16xi32>
        %ge3A_437 = arith.cmpi sge, %add3A_431, %ge3A_436 : vector<16xi32>
        %add3A_438 = arith.constant 512 : i32
        %add3A_439 = arith.addi %add3A_80, %add3A_438 : i32
        %lt3A_440 = vector.broadcast %add3A_439 : i32 to vector<16xi32>
        %lt3A_441 = arith.cmpi slt, %add3A_431, %lt3A_440 : vector<16xi32>
        %and3A_442 = arith.andi %ge3A_437, %lt3A_441 : vector<16xi1>
        %lt3A_443 = vector.broadcast %reduce_max3A_37 : i32 to vector<16xi32>
        %lt3A_444 = arith.cmpi slt, %add3A_431, %lt3A_443 : vector<16xi32>
        %and3A_445 = arith.andi %and3A_442, %lt3A_444 : vector<16xi1>
        %sub3A_446 = vector.broadcast %mul3A_12 : i32 to vector<16xi32>
        %sub3A_447 = arith.subi %get3A_433, %sub3A_446 : vector<16xi32>
        %mul3A_448 = arith.constant 160 : i32
        %mul3A_449 = vector.broadcast %mul3A_448 : i32 to vector<16xi32>
        %mul3A_450 = arith.muli %mul3A_449, %broadcast_in_dim3A_0 : vector<16xi32>
        %mul3A_451 = arith.constant 16 : i32
        %mul3A_452 = vector.broadcast %mul3A_451 : i32 to vector<16xi32>
        %mul3A_453 = arith.muli %iota3A, %mul3A_452 : vector<16xi32>
        %add3A_454 = arith.addi %mul3A_450, %mul3A_453 : vector<16xi32>
        %select_n3A_455 = arith.select %and3A_445, %sub3A_447, %add3A_454 : vector<16xi1>, vector<16xi32>
        %swap3A_456 = arith.constant 160 : index
        %swap3A_457 = tpu.vector_load %arg10[%swap3A_456] {strides = array<i32>} : memref<528xi32, #tpu.memory_space<vmem>>, vector<16xi32>,
        tpu.vector_store %arg10[%swap3A_456], %select_n3A_455 {strides = array<i32>} : memref<528xi32, #tpu.memory_space<vmem>>, vector<16xi32>,
        %broadcast_in_dim3A_458 = arith.constant 0.000000e+00 : f32
        %broadcast_in_dim3A_459 = vector.broadcast %broadcast_in_dim3A_458 : f32 to vector<16xf32>
        %select_n3A_460 = arith.select %and3A_445, %get3A_435, %broadcast_in_dim3A_459 : vector<16xi1>, vector<16xf32>
        %swap3A_461 = arith.constant 160 : index
        %swap3A_462 = tpu.vector_load %arg11[%swap3A_461] {strides = array<i32>} : memref<528xf32, #tpu.memory_space<vmem>>, vector<16xf32>,
        tpu.vector_store %arg11[%swap3A_461], %select_n3A_460 {strides = array<i32>} : memref<528xf32, #tpu.memory_space<vmem>>, vector<16xf32>,
        %add3A_463 = arith.constant 176 : i32
        %add3A_464 = arith.addi %multiple_of3A, %add3A_463 : i32
        %add3A_465 = vector.broadcast %add3A_464 : i32 to vector<16xi32>
        %add3A_466 = arith.addi %add3A_465, %iota3A : vector<16xi32>
        %get3A_467 = arith.constant 176 : index
        %get3A_468 = tpu.vector_load %arg8[%get3A_467] {strides = array<i32>} : memref<528xi32, #tpu.memory_space<vmem>>, vector<16xi32>,
        %get3A_469 = arith.constant 176 : index
        %get3A_470 = tpu.vector_load %arg9[%get3A_469] {strides = array<i32>} : memref<528xf32, #tpu.memory_space<vmem>>, vector<16xf32>,
        %ge3A_471 = vector.broadcast %add3A_80 : i32 to vector<16xi32>
        %ge3A_472 = arith.cmpi sge, %add3A_466, %ge3A_471 : vector<16xi32>
        %add3A_473 = arith.constant 512 : i32
        %add3A_474 = arith.addi %add3A_80, %add3A_473 : i32
        %lt3A_475 = vector.broadcast %add3A_474 : i32 to vector<16xi32>
        %lt3A_476 = arith.cmpi slt, %add3A_466, %lt3A_475 : vector<16xi32>
        %and3A_477 = arith.andi %ge3A_472, %lt3A_476 : vector<16xi1>
        %lt3A_478 = vector.broadcast %reduce_max3A_37 : i32 to vector<16xi32>
        %lt3A_479 = arith.cmpi slt, %add3A_466, %lt3A_478 : vector<16xi32>
        %and3A_480 = arith.andi %and3A_477, %lt3A_479 : vector<16xi1>
        %sub3A_481 = vector.broadcast %mul3A_12 : i32 to vector<16xi32>
        %sub3A_482 = arith.subi %get3A_468, %sub3A_481 : vector<16xi32>
        %mul3A_483 = arith.constant 176 : i32
        %mul3A_484 = vector.broadcast %mul3A_483 : i32 to vector<16xi32>
        %mul3A_485 = arith.muli %mul3A_484, %broadcast_in_dim3A_0 : vector<16xi32>
        %mul3A_486 = arith.constant 16 : i32
        %mul3A_487 = vector.broadcast %mul3A_486 : i32 to vector<16xi32>
        %mul3A_488 = arith.muli %iota3A, %mul3A_487 : vector<16xi32>
        %add3A_489 = arith.addi %mul3A_485, %mul3A_488 : vector<16xi32>
        %select_n3A_490 = arith.select %and3A_480, %sub3A_482, %add3A_489 : vector<16xi1>, vector<16xi32>
        %swap3A_491 = arith.constant 176 : index
        %swap3A_492 = tpu.vector_load %arg10[%swap3A_491] {strides = array<i32>} : memref<528xi32, #tpu.memory_space<vmem>>, vector<16xi32>,
        tpu.vector_store %arg10[%swap3A_491], %select_n3A_490 {strides = array<i32>} : memref<528xi32, #tpu.memory_space<vmem>>, vector<16xi32>,
        %broadcast_in_dim3A_493 = arith.constant 0.000000e+00 : f32
        %broadcast_in_dim3A_494 = vector.broadcast %broadcast_in_dim3A_493 : f32 to vector<16xf32>
        %select_n3A_495 = arith.select %and3A_480, %get3A_470, %broadcast_in_dim3A_494 : vector<16xi1>, vector<16xf32>
        %swap3A_496 = arith.constant 176 : index
        %swap3A_497 = tpu.vector_load %arg11[%swap3A_496] {strides = array<i32>} : memref<528xf32, #tpu.memory_space<vmem>>, vector<16xf32>,
        tpu.vector_store %arg11[%swap3A_496], %select_n3A_495 {strides = array<i32>} : memref<528xf32, #tpu.memory_space<vmem>>, vector<16xf32>,
        %add3A_498 = arith.constant 192 : i32
        %add3A_499 = arith.addi %multiple_of3A, %add3A_498 : i32
        %add3A_500 = vector.broadcast %add3A_499 : i32 to vector<16xi32>
        %add3A_501 = arith.addi %add3A_500, %iota3A : vector<16xi32>
        %get3A_502 = arith.constant 192 : index
        %get3A_503 = tpu.vector_load %arg8[%get3A_502] {strides = array<i32>} : memref<528xi32, #tpu.memory_space<vmem>>, vector<16xi32>,
        %get3A_504 = arith.constant 192 : index
        %get3A_505 = tpu.vector_load %arg9[%get3A_504] {strides = array<i32>} : memref<528xf32, #tpu.memory_space<vmem>>, vector<16xf32>,
        %ge3A_506 = vector.broadcast %add3A_80 : i32 to vector<16xi32>
        %ge3A_507 = arith.cmpi sge, %add3A_501, %ge3A_506 : vector<16xi32>
        %add3A_508 = arith.constant 512 : i32
        %add3A_509 = arith.addi %add3A_80, %add3A_508 : i32
        %lt3A_510 = vector.broadcast %add3A_509 : i32 to vector<16xi32>
        %lt3A_511 = arith.cmpi slt, %add3A_501, %lt3A_510 : vector<16xi32>
        %and3A_512 = arith.andi %ge3A_507, %lt3A_511 : vector<16xi1>
        %lt3A_513 = vector.broadcast %reduce_max3A_37 : i32 to vector<16xi32>
        %lt3A_514 = arith.cmpi slt, %add3A_501, %lt3A_513 : vector<16xi32>
        %and3A_515 = arith.andi %and3A_512, %lt3A_514 : vector<16xi1>
        %sub3A_516 = vector.broadcast %mul3A_12 : i32 to vector<16xi32>
        %sub3A_517 = arith.subi %get3A_503, %sub3A_516 : vector<16xi32>
        %mul3A_518 = arith.constant 192 : i32
        %mul3A_519 = vector.broadcast %mul3A_518 : i32 to vector<16xi32>
        %mul3A_520 = arith.muli %mul3A_519, %broadcast_in_dim3A_0 : vector<16xi32>
        %mul3A_521 = arith.constant 16 : i32
        %mul3A_522 = vector.broadcast %mul3A_521 : i32 to vector<16xi32>
        %mul3A_523 = arith.muli %iota3A, %mul3A_522 : vector<16xi32>
        %add3A_524 = arith.addi %mul3A_520, %mul3A_523 : vector<16xi32>
        %select_n3A_525 = arith.select %and3A_515, %sub3A_517, %add3A_524 : vector<16xi1>, vector<16xi32>
        %swap3A_526 = arith.constant 192 : index
        %swap3A_527 = tpu.vector_load %arg10[%swap3A_526] {strides = array<i32>} : memref<528xi32, #tpu.memory_space<vmem>>, vector<16xi32>,
        tpu.vector_store %arg10[%swap3A_526], %select_n3A_525 {strides = array<i32>} : memref<528xi32, #tpu.memory_space<vmem>>, vector<16xi32>,
        %broadcast_in_dim3A_528 = arith.constant 0.000000e+00 : f32
        %broadcast_in_dim3A_529 = vector.broadcast %broadcast_in_dim3A_528 : f32 to vector<16xf32>
        %select_n3A_530 = arith.select %and3A_515, %get3A_505, %broadcast_in_dim3A_529 : vector<16xi1>, vector<16xf32>
        %swap3A_531 = arith.constant 192 : index
        %swap3A_532 = tpu.vector_load %arg11[%swap3A_531] {strides = array<i32>} : memref<528xf32, #tpu.memory_space<vmem>>, vector<16xf32>,
        tpu.vector_store %arg11[%swap3A_531], %select_n3A_530 {strides = array<i32>} : memref<528xf32, #tpu.memory_space<vmem>>, vector<16xf32>,
        %add3A_533 = arith.constant 208 : i32
        %add3A_534 = arith.addi %multiple_of3A, %add3A_533 : i32
        %add3A_535 = vector.broadcast %add3A_534 : i32 to vector<16xi32>
        %add3A_536 = arith.addi %add3A_535, %iota3A : vector<16xi32>
        %get3A_537 = arith.constant 208 : index
        %get3A_538 = tpu.vector_load %arg8[%get3A_537] {strides = array<i32>} : memref<528xi32, #tpu.memory_space<vmem>>, vector<16xi32>,
        %get3A_539 = arith.constant 208 : index
        %get3A_540 = tpu.vector_load %arg9[%get3A_539] {strides = array<i32>} : memref<528xf32, #tpu.memory_space<vmem>>, vector<16xf32>,
        %ge3A_541 = vector.broadcast %add3A_80 : i32 to vector<16xi32>
        %ge3A_542 = arith.cmpi sge, %add3A_536, %ge3A_541 : vector<16xi32>
        %add3A_543 = arith.constant 512 : i32
        %add3A_544 = arith.addi %add3A_80, %add3A_543 : i32
        %lt3A_545 = vector.broadcast %add3A_544 : i32 to vector<16xi32>
        %lt3A_546 = arith.cmpi slt, %add3A_536, %lt3A_545 : vector<16xi32>
        %and3A_547 = arith.andi %ge3A_542, %lt3A_546 : vector<16xi1>
        %lt3A_548 = vector.broadcast %reduce_max3A_37 : i32 to vector<16xi32>
        %lt3A_549 = arith.cmpi slt, %add3A_536, %lt3A_548 : vector<16xi32>
        %and3A_550 = arith.andi %and3A_547, %lt3A_549 : vector<16xi1>
        %sub3A_551 = vector.broadcast %mul3A_12 : i32 to vector<16xi32>
        %sub3A_552 = arith.subi %get3A_538, %sub3A_551 : vector<16xi32>
        %mul3A_553 = arith.constant 208 : i32
        %mul3A_554 = vector.broadcast %mul3A_553 : i32 to vector<16xi32>
        %mul3A_555 = arith.muli %mul3A_554, %broadcast_in_dim3A_0 : vector<16xi32>
        %mul3A_556 = arith.constant 16 : i32
        %mul3A_557 = vector.broadcast %mul3A_556 : i32 to vector<16xi32>
        %mul3A_558 = arith.muli %iota3A, %mul3A_557 : vector<16xi32>
        %add3A_559 = arith.addi %mul3A_555, %mul3A_558 : vector<16xi32>
        %select_n3A_560 = arith.select %and3A_550, %sub3A_552, %add3A_559 : vector<16xi1>, vector<16xi32>
        %swap3A_561 = arith.constant 208 : index
        %swap3A_562 = tpu.vector_load %arg10[%swap3A_561] {strides = array<i32>} : memref<528xi32, #tpu.memory_space<vmem>>, vector<16xi32>,
        tpu.vector_store %arg10[%swap3A_561], %select_n3A_560 {strides = array<i32>} : memref<528xi32, #tpu.memory_space<vmem>>, vector<16xi32>,
        %broadcast_in_dim3A_563 = arith.constant 0.000000e+00 : f32
        %broadcast_in_dim3A_564 = vector.broadcast %broadcast_in_dim3A_563 : f32 to vector<16xf32>
        %select_n3A_565 = arith.select %and3A_550, %get3A_540, %broadcast_in_dim3A_564 : vector<16xi1>, vector<16xf32>
        %swap3A_566 = arith.constant 208 : index
        %swap3A_567 = tpu.vector_load %arg11[%swap3A_566] {strides = array<i32>} : memref<528xf32, #tpu.memory_space<vmem>>, vector<16xf32>,
        tpu.vector_store %arg11[%swap3A_566], %select_n3A_565 {strides = array<i32>} : memref<528xf32, #tpu.memory_space<vmem>>, vector<16xf32>,
        %add3A_568 = arith.constant 224 : i32
        %add3A_569 = arith.addi %multiple_of3A, %add3A_568 : i32
        %add3A_570 = vector.broadcast %add3A_569 : i32 to vector<16xi32>
        %add3A_571 = arith.addi %add3A_570, %iota3A : vector<16xi32>
        %get3A_572 = arith.constant 224 : index
        %get3A_573 = tpu.vector_load %arg8[%get3A_572] {strides = array<i32>} : memref<528xi32, #tpu.memory_space<vmem>>, vector<16xi32>,
        %get3A_574 = arith.constant 224 : index
        %get3A_575 = tpu.vector_load %arg9[%get3A_574] {strides = array<i32>} : memref<528xf32, #tpu.memory_space<vmem>>, vector<16xf32>,
        %ge3A_576 = vector.broadcast %add3A_80 : i32 to vector<16xi32>
        %ge3A_577 = arith.cmpi sge, %add3A_571, %ge3A_576 : vector<16xi32>
        %add3A_578 = arith.constant 512 : i32
        %add3A_579 = arith.addi %add3A_80, %add3A_578 : i32
        %lt3A_580 = vector.broadcast %add3A_579 : i32 to vector<16xi32>
        %lt3A_581 = arith.cmpi slt, %add3A_571, %lt3A_580 : vector<16xi32>
        %and3A_582 = arith.andi %ge3A_577, %lt3A_581 : vector<16xi1>
        %lt3A_583 = vector.broadcast %reduce_max3A_37 : i32 to vector<16xi32>
        %lt3A_584 = arith.cmpi slt, %add3A_571, %lt3A_583 : vector<16xi32>
        %and3A_585 = arith.andi %and3A_582, %lt3A_584 : vector<16xi1>
        %sub3A_586 = vector.broadcast %mul3A_12 : i32 to vector<16xi32>
        %sub3A_587 = arith.subi %get3A_573, %sub3A_586 : vector<16xi32>
        %mul3A_588 = arith.constant 224 : i32
        %mul3A_589 = vector.broadcast %mul3A_588 : i32 to vector<16xi32>
        %mul3A_590 = arith.muli %mul3A_589, %broadcast_in_dim3A_0 : vector<16xi32>
        %mul3A_591 = arith.constant 16 : i32
        %mul3A_592 = vector.broadcast %mul3A_591 : i32 to vector<16xi32>
        %mul3A_593 = arith.muli %iota3A, %mul3A_592 : vector<16xi32>
        %add3A_594 = arith.addi %mul3A_590, %mul3A_593 : vector<16xi32>
        %select_n3A_595 = arith.select %and3A_585, %sub3A_587, %add3A_594 : vector<16xi1>, vector<16xi32>
        %swap3A_596 = arith.constant 224 : index
        %swap3A_597 = tpu.vector_load %arg10[%swap3A_596] {strides = array<i32>} : memref<528xi32, #tpu.memory_space<vmem>>, vector<16xi32>,
        tpu.vector_store %arg10[%swap3A_596], %select_n3A_595 {strides = array<i32>} : memref<528xi32, #tpu.memory_space<vmem>>, vector<16xi32>,
        %broadcast_in_dim3A_598 = arith.constant 0.000000e+00 : f32
        %broadcast_in_dim3A_599 = vector.broadcast %broadcast_in_dim3A_598 : f32 to vector<16xf32>
        %select_n3A_600 = arith.select %and3A_585, %get3A_575, %broadcast_in_dim3A_599 : vector<16xi1>, vector<16xf32>
        %swap3A_601 = arith.constant 224 : index
        %swap3A_602 = tpu.vector_load %arg11[%swap3A_601] {strides = array<i32>} : memref<528xf32, #tpu.memory_space<vmem>>, vector<16xf32>,
        tpu.vector_store %arg11[%swap3A_601], %select_n3A_600 {strides = array<i32>} : memref<528xf32, #tpu.memory_space<vmem>>, vector<16xf32>,
        %add3A_603 = arith.constant 240 : i32
        %add3A_604 = arith.addi %multiple_of3A, %add3A_603 : i32
        %add3A_605 = vector.broadcast %add3A_604 : i32 to vector<16xi32>
        %add3A_606 = arith.addi %add3A_605, %iota3A : vector<16xi32>
        %get3A_607 = arith.constant 240 : index
        %get3A_608 = tpu.vector_load %arg8[%get3A_607] {strides = array<i32>} : memref<528xi32, #tpu.memory_space<vmem>>, vector<16xi32>,
        %get3A_609 = arith.constant 240 : index
        %get3A_610 = tpu.vector_load %arg9[%get3A_609] {strides = array<i32>} : memref<528xf32, #tpu.memory_space<vmem>>, vector<16xf32>,
        %ge3A_611 = vector.broadcast %add3A_80 : i32 to vector<16xi32>
        %ge3A_612 = arith.cmpi sge, %add3A_606, %ge3A_611 : vector<16xi32>
        %add3A_613 = arith.constant 512 : i32
        %add3A_614 = arith.addi %add3A_80, %add3A_613 : i32
        %lt3A_615 = vector.broadcast %add3A_614 : i32 to vector<16xi32>
        %lt3A_616 = arith.cmpi slt, %add3A_606, %lt3A_615 : vector<16xi32>
        %and3A_617 = arith.andi %ge3A_612, %lt3A_616 : vector<16xi1>
        %lt3A_618 = vector.broadcast %reduce_max3A_37 : i32 to vector<16xi32>
        %lt3A_619 = arith.cmpi slt, %add3A_606, %lt3A_618 : vector<16xi32>
        %and3A_620 = arith.andi %and3A_617, %lt3A_619 : vector<16xi1>
        %sub3A_621 = vector.broadcast %mul3A_12 : i32 to vector<16xi32>
        %sub3A_622 = arith.subi %get3A_608, %sub3A_621 : vector<16xi32>
        %mul3A_623 = arith.constant 240 : i32
        %mul3A_624 = vector.broadcast %mul3A_623 : i32 to vector<16xi32>
        %mul3A_625 = arith.muli %mul3A_624, %broadcast_in_dim3A_0 : vector<16xi32>
        %mul3A_626 = arith.constant 16 : i32
        %mul3A_627 = vector.broadcast %mul3A_626 : i32 to vector<16xi32>
        %mul3A_628 = arith.muli %iota3A, %mul3A_627 : vector<16xi32>
        %add3A_629 = arith.addi %mul3A_625, %mul3A_628 : vector<16xi32>
        %select_n3A_630 = arith.select %and3A_620, %sub3A_622, %add3A_629 : vector<16xi1>, vector<16xi32>
        %swap3A_631 = arith.constant 240 : index
        %swap3A_632 = tpu.vector_load %arg10[%swap3A_631] {strides = array<i32>} : memref<528xi32, #tpu.memory_space<vmem>>, vector<16xi32>,
        tpu.vector_store %arg10[%swap3A_631], %select_n3A_630 {strides = array<i32>} : memref<528xi32, #tpu.memory_space<vmem>>, vector<16xi32>,
        %broadcast_in_dim3A_633 = arith.constant 0.000000e+00 : f32
        %broadcast_in_dim3A_634 = vector.broadcast %broadcast_in_dim3A_633 : f32 to vector<16xf32>
        %select_n3A_635 = arith.select %and3A_620, %get3A_610, %broadcast_in_dim3A_634 : vector<16xi1>, vector<16xf32>
        %swap3A_636 = arith.constant 240 : index
        %swap3A_637 = tpu.vector_load %arg11[%swap3A_636] {strides = array<i32>} : memref<528xf32, #tpu.memory_space<vmem>>, vector<16xf32>,
        tpu.vector_store %arg11[%swap3A_636], %select_n3A_635 {strides = array<i32>} : memref<528xf32, #tpu.memory_space<vmem>>, vector<16xf32>,
        %add3A_638 = arith.constant 256 : i32
        %add3A_639 = arith.addi %multiple_of3A, %add3A_638 : i32
        %add3A_640 = vector.broadcast %add3A_639 : i32 to vector<16xi32>
        %add3A_641 = arith.addi %add3A_640, %iota3A : vector<16xi32>
        %get3A_642 = arith.constant 256 : index
        %get3A_643 = tpu.vector_load %arg8[%get3A_642] {strides = array<i32>} : memref<528xi32, #tpu.memory_space<vmem>>, vector<16xi32>,
        %get3A_644 = arith.constant 256 : index
        %get3A_645 = tpu.vector_load %arg9[%get3A_644] {strides = array<i32>} : memref<528xf32, #tpu.memory_space<vmem>>, vector<16xf32>,
        %ge3A_646 = vector.broadcast %add3A_80 : i32 to vector<16xi32>
        %ge3A_647 = arith.cmpi sge, %add3A_641, %ge3A_646 : vector<16xi32>
        %add3A_648 = arith.constant 512 : i32
        %add3A_649 = arith.addi %add3A_80, %add3A_648 : i32
        %lt3A_650 = vector.broadcast %add3A_649 : i32 to vector<16xi32>
        %lt3A_651 = arith.cmpi slt, %add3A_641, %lt3A_650 : vector<16xi32>
        %and3A_652 = arith.andi %ge3A_647, %lt3A_651 : vector<16xi1>
        %lt3A_653 = vector.broadcast %reduce_max3A_37 : i32 to vector<16xi32>
        %lt3A_654 = arith.cmpi slt, %add3A_641, %lt3A_653 : vector<16xi32>
        %and3A_655 = arith.andi %and3A_652, %lt3A_654 : vector<16xi1>
        %sub3A_656 = vector.broadcast %mul3A_12 : i32 to vector<16xi32>
        %sub3A_657 = arith.subi %get3A_643, %sub3A_656 : vector<16xi32>
        %mul3A_658 = arith.constant 256 : i32
        %mul3A_659 = vector.broadcast %mul3A_658 : i32 to vector<16xi32>
        %mul3A_660 = arith.muli %mul3A_659, %broadcast_in_dim3A_0 : vector<16xi32>
        %mul3A_661 = arith.constant 16 : i32
        %mul3A_662 = vector.broadcast %mul3A_661 : i32 to vector<16xi32>
        %mul3A_663 = arith.muli %iota3A, %mul3A_662 : vector<16xi32>
        %add3A_664 = arith.addi %mul3A_660, %mul3A_663 : vector<16xi32>
        %select_n3A_665 = arith.select %and3A_655, %sub3A_657, %add3A_664 : vector<16xi1>, vector<16xi32>
        %swap3A_666 = arith.constant 256 : index
        %swap3A_667 = tpu.vector_load %arg10[%swap3A_666] {strides = array<i32>} : memref<528xi32, #tpu.memory_space<vmem>>, vector<16xi32>,
        tpu.vector_store %arg10[%swap3A_666], %select_n3A_665 {strides = array<i32>} : memref<528xi32, #tpu.memory_space<vmem>>, vector<16xi32>,
        %broadcast_in_dim3A_668 = arith.constant 0.000000e+00 : f32
        %broadcast_in_dim3A_669 = vector.broadcast %broadcast_in_dim3A_668 : f32 to vector<16xf32>
        %select_n3A_670 = arith.select %and3A_655, %get3A_645, %broadcast_in_dim3A_669 : vector<16xi1>, vector<16xf32>
        %swap3A_671 = arith.constant 256 : index
        %swap3A_672 = tpu.vector_load %arg11[%swap3A_671] {strides = array<i32>} : memref<528xf32, #tpu.memory_space<vmem>>, vector<16xf32>,
        tpu.vector_store %arg11[%swap3A_671], %select_n3A_670 {strides = array<i32>} : memref<528xf32, #tpu.memory_space<vmem>>, vector<16xf32>,
        %add3A_673 = arith.constant 272 : i32
        %add3A_674 = arith.addi %multiple_of3A, %add3A_673 : i32
        %add3A_675 = vector.broadcast %add3A_674 : i32 to vector<16xi32>
        %add3A_676 = arith.addi %add3A_675, %iota3A : vector<16xi32>
        %get3A_677 = arith.constant 272 : index
        %get3A_678 = tpu.vector_load %arg8[%get3A_677] {strides = array<i32>} : memref<528xi32, #tpu.memory_space<vmem>>, vector<16xi32>,
        %get3A_679 = arith.constant 272 : index
        %get3A_680 = tpu.vector_load %arg9[%get3A_679] {strides = array<i32>} : memref<528xf32, #tpu.memory_space<vmem>>, vector<16xf32>,
        %ge3A_681 = vector.broadcast %add3A_80 : i32 to vector<16xi32>
        %ge3A_682 = arith.cmpi sge, %add3A_676, %ge3A_681 : vector<16xi32>
        %add3A_683 = arith.constant 512 : i32
        %add3A_684 = arith.addi %add3A_80, %add3A_683 : i32
        %lt3A_685 = vector.broadcast %add3A_684 : i32 to vector<16xi32>
        %lt3A_686 = arith.cmpi slt, %add3A_676, %lt3A_685 : vector<16xi32>
        %and3A_687 = arith.andi %ge3A_682, %lt3A_686 : vector<16xi1>
        %lt3A_688 = vector.broadcast %reduce_max3A_37 : i32 to vector<16xi32>
        %lt3A_689 = arith.cmpi slt, %add3A_676, %lt3A_688 : vector<16xi32>
        %and3A_690 = arith.andi %and3A_687, %lt3A_689 : vector<16xi1>
        %sub3A_691 = vector.broadcast %mul3A_12 : i32 to vector<16xi32>
        %sub3A_692 = arith.subi %get3A_678, %sub3A_691 : vector<16xi32>
        %mul3A_693 = arith.constant 272 : i32
        %mul3A_694 = vector.broadcast %mul3A_693 : i32 to vector<16xi32>
        %mul3A_695 = arith.muli %mul3A_694, %broadcast_in_dim3A_0 : vector<16xi32>
        %mul3A_696 = arith.constant 16 : i32
        %mul3A_697 = vector.broadcast %mul3A_696 : i32 to vector<16xi32>
        %mul3A_698 = arith.muli %iota3A, %mul3A_697 : vector<16xi32>
        %add3A_699 = arith.addi %mul3A_695, %mul3A_698 : vector<16xi32>
        %select_n3A_700 = arith.select %and3A_690, %sub3A_692, %add3A_699 : vector<16xi1>, vector<16xi32>
        %swap3A_701 = arith.constant 272 : index
        %swap3A_702 = tpu.vector_load %arg10[%swap3A_701] {strides = array<i32>} : memref<528xi32, #tpu.memory_space<vmem>>, vector<16xi32>,
        tpu.vector_store %arg10[%swap3A_701], %select_n3A_700 {strides = array<i32>} : memref<528xi32, #tpu.memory_space<vmem>>, vector<16xi32>,
        %broadcast_in_dim3A_703 = arith.constant 0.000000e+00 : f32
        %broadcast_in_dim3A_704 = vector.broadcast %broadcast_in_dim3A_703 : f32 to vector<16xf32>
        %select_n3A_705 = arith.select %and3A_690, %get3A_680, %broadcast_in_dim3A_704 : vector<16xi1>, vector<16xf32>
        %swap3A_706 = arith.constant 272 : index
        %swap3A_707 = tpu.vector_load %arg11[%swap3A_706] {strides = array<i32>} : memref<528xf32, #tpu.memory_space<vmem>>, vector<16xf32>,
        tpu.vector_store %arg11[%swap3A_706], %select_n3A_705 {strides = array<i32>} : memref<528xf32, #tpu.memory_space<vmem>>, vector<16xf32>,
        %add3A_708 = arith.constant 288 : i32
        %add3A_709 = arith.addi %multiple_of3A, %add3A_708 : i32
        %add3A_710 = vector.broadcast %add3A_709 : i32 to vector<16xi32>
        %add3A_711 = arith.addi %add3A_710, %iota3A : vector<16xi32>
        %get3A_712 = arith.constant 288 : index
        %get3A_713 = tpu.vector_load %arg8[%get3A_712] {strides = array<i32>} : memref<528xi32, #tpu.memory_space<vmem>>, vector<16xi32>,
        %get3A_714 = arith.constant 288 : index
        %get3A_715 = tpu.vector_load %arg9[%get3A_714] {strides = array<i32>} : memref<528xf32, #tpu.memory_space<vmem>>, vector<16xf32>,
        %ge3A_716 = vector.broadcast %add3A_80 : i32 to vector<16xi32>
        %ge3A_717 = arith.cmpi sge, %add3A_711, %ge3A_716 : vector<16xi32>
        %add3A_718 = arith.constant 512 : i32
        %add3A_719 = arith.addi %add3A_80, %add3A_718 : i32
        %lt3A_720 = vector.broadcast %add3A_719 : i32 to vector<16xi32>
        %lt3A_721 = arith.cmpi slt, %add3A_711, %lt3A_720 : vector<16xi32>
        %and3A_722 = arith.andi %ge3A_717, %lt3A_721 : vector<16xi1>
        %lt3A_723 = vector.broadcast %reduce_max3A_37 : i32 to vector<16xi32>
        %lt3A_724 = arith.cmpi slt, %add3A_711, %lt3A_723 : vector<16xi32>
        %and3A_725 = arith.andi %and3A_722, %lt3A_724 : vector<16xi1>
        %sub3A_726 = vector.broadcast %mul3A_12 : i32 to vector<16xi32>
        %sub3A_727 = arith.subi %get3A_713, %sub3A_726 : vector<16xi32>
        %mul3A_728 = arith.constant 288 : i32
        %mul3A_729 = vector.broadcast %mul3A_728 : i32 to vector<16xi32>
        %mul3A_730 = arith.muli %mul3A_729, %broadcast_in_dim3A_0 : vector<16xi32>
        %mul3A_731 = arith.constant 16 : i32
        %mul3A_732 = vector.broadcast %mul3A_731 : i32 to vector<16xi32>
        %mul3A_733 = arith.muli %iota3A, %mul3A_732 : vector<16xi32>
        %add3A_734 = arith.addi %mul3A_730, %mul3A_733 : vector<16xi32>
        %select_n3A_735 = arith.select %and3A_725, %sub3A_727, %add3A_734 : vector<16xi1>, vector<16xi32>
        %swap3A_736 = arith.constant 288 : index
        %swap3A_737 = tpu.vector_load %arg10[%swap3A_736] {strides = array<i32>} : memref<528xi32, #tpu.memory_space<vmem>>, vector<16xi32>,
        tpu.vector_store %arg10[%swap3A_736], %select_n3A_735 {strides = array<i32>} : memref<528xi32, #tpu.memory_space<vmem>>, vector<16xi32>,
        %broadcast_in_dim3A_738 = arith.constant 0.000000e+00 : f32
        %broadcast_in_dim3A_739 = vector.broadcast %broadcast_in_dim3A_738 : f32 to vector<16xf32>
        %select_n3A_740 = arith.select %and3A_725, %get3A_715, %broadcast_in_dim3A_739 : vector<16xi1>, vector<16xf32>
        %swap3A_741 = arith.constant 288 : index
        %swap3A_742 = tpu.vector_load %arg11[%swap3A_741] {strides = array<i32>} : memref<528xf32, #tpu.memory_space<vmem>>, vector<16xf32>,
        tpu.vector_store %arg11[%swap3A_741], %select_n3A_740 {strides = array<i32>} : memref<528xf32, #tpu.memory_space<vmem>>, vector<16xf32>,
        %add3A_743 = arith.constant 304 : i32
        %add3A_744 = arith.addi %multiple_of3A, %add3A_743 : i32
        %add3A_745 = vector.broadcast %add3A_744 : i32 to vector<16xi32>
        %add3A_746 = arith.addi %add3A_745, %iota3A : vector<16xi32>
        %get3A_747 = arith.constant 304 : index
        %get3A_748 = tpu.vector_load %arg8[%get3A_747] {strides = array<i32>} : memref<528xi32, #tpu.memory_space<vmem>>, vector<16xi32>,
        %get3A_749 = arith.constant 304 : index
        %get3A_750 = tpu.vector_load %arg9[%get3A_749] {strides = array<i32>} : memref<528xf32, #tpu.memory_space<vmem>>, vector<16xf32>,
        %ge3A_751 = vector.broadcast %add3A_80 : i32 to vector<16xi32>
        %ge3A_752 = arith.cmpi sge, %add3A_746, %ge3A_751 : vector<16xi32>
        %add3A_753 = arith.constant 512 : i32
        %add3A_754 = arith.addi %add3A_80, %add3A_753 : i32
        %lt3A_755 = vector.broadcast %add3A_754 : i32 to vector<16xi32>
        %lt3A_756 = arith.cmpi slt, %add3A_746, %lt3A_755 : vector<16xi32>
        %and3A_757 = arith.andi %ge3A_752, %lt3A_756 : vector<16xi1>
        %lt3A_758 = vector.broadcast %reduce_max3A_37 : i32 to vector<16xi32>
        %lt3A_759 = arith.cmpi slt, %add3A_746, %lt3A_758 : vector<16xi32>
        %and3A_760 = arith.andi %and3A_757, %lt3A_759 : vector<16xi1>
        %sub3A_761 = vector.broadcast %mul3A_12 : i32 to vector<16xi32>
        %sub3A_762 = arith.subi %get3A_748, %sub3A_761 : vector<16xi32>
        %mul3A_763 = arith.constant 304 : i32
        %mul3A_764 = vector.broadcast %mul3A_763 : i32 to vector<16xi32>
        %mul3A_765 = arith.muli %mul3A_764, %broadcast_in_dim3A_0 : vector<16xi32>
        %mul3A_766 = arith.constant 16 : i32
        %mul3A_767 = vector.broadcast %mul3A_766 : i32 to vector<16xi32>
        %mul3A_768 = arith.muli %iota3A, %mul3A_767 : vector<16xi32>
        %add3A_769 = arith.addi %mul3A_765, %mul3A_768 : vector<16xi32>
        %select_n3A_770 = arith.select %and3A_760, %sub3A_762, %add3A_769 : vector<16xi1>, vector<16xi32>
        %swap3A_771 = arith.constant 304 : index
        %swap3A_772 = tpu.vector_load %arg10[%swap3A_771] {strides = array<i32>} : memref<528xi32, #tpu.memory_space<vmem>>, vector<16xi32>,
        tpu.vector_store %arg10[%swap3A_771], %select_n3A_770 {strides = array<i32>} : memref<528xi32, #tpu.memory_space<vmem>>, vector<16xi32>,
        %broadcast_in_dim3A_773 = arith.constant 0.000000e+00 : f32
        %broadcast_in_dim3A_774 = vector.broadcast %broadcast_in_dim3A_773 : f32 to vector<16xf32>
        %select_n3A_775 = arith.select %and3A_760, %get3A_750, %broadcast_in_dim3A_774 : vector<16xi1>, vector<16xf32>
        %swap3A_776 = arith.constant 304 : index
        %swap3A_777 = tpu.vector_load %arg11[%swap3A_776] {strides = array<i32>} : memref<528xf32, #tpu.memory_space<vmem>>, vector<16xf32>,
        tpu.vector_store %arg11[%swap3A_776], %select_n3A_775 {strides = array<i32>} : memref<528xf32, #tpu.memory_space<vmem>>, vector<16xf32>,
        %add3A_778 = arith.constant 320 : i32
        %add3A_779 = arith.addi %multiple_of3A, %add3A_778 : i32
        %add3A_780 = vector.broadcast %add3A_779 : i32 to vector<16xi32>
        %add3A_781 = arith.addi %add3A_780, %iota3A : vector<16xi32>
        %get3A_782 = arith.constant 320 : index
        %get3A_783 = tpu.vector_load %arg8[%get3A_782] {strides = array<i32>} : memref<528xi32, #tpu.memory_space<vmem>>, vector<16xi32>,
        %get3A_784 = arith.constant 320 : index
        %get3A_785 = tpu.vector_load %arg9[%get3A_784] {strides = array<i32>} : memref<528xf32, #tpu.memory_space<vmem>>, vector<16xf32>,
        %ge3A_786 = vector.broadcast %add3A_80 : i32 to vector<16xi32>
        %ge3A_787 = arith.cmpi sge, %add3A_781, %ge3A_786 : vector<16xi32>
        %add3A_788 = arith.constant 512 : i32
        %add3A_789 = arith.addi %add3A_80, %add3A_788 : i32
        %lt3A_790 = vector.broadcast %add3A_789 : i32 to vector<16xi32>
        %lt3A_791 = arith.cmpi slt, %add3A_781, %lt3A_790 : vector<16xi32>
        %and3A_792 = arith.andi %ge3A_787, %lt3A_791 : vector<16xi1>
        %lt3A_793 = vector.broadcast %reduce_max3A_37 : i32 to vector<16xi32>
        %lt3A_794 = arith.cmpi slt, %add3A_781, %lt3A_793 : vector<16xi32>
        %and3A_795 = arith.andi %and3A_792, %lt3A_794 : vector<16xi1>
        %sub3A_796 = vector.broadcast %mul3A_12 : i32 to vector<16xi32>
        %sub3A_797 = arith.subi %get3A_783, %sub3A_796 : vector<16xi32>
        %mul3A_798 = arith.constant 320 : i32
        %mul3A_799 = vector.broadcast %mul3A_798 : i32 to vector<16xi32>
        %mul3A_800 = arith.muli %mul3A_799, %broadcast_in_dim3A_0 : vector<16xi32>
        %mul3A_801 = arith.constant 16 : i32
        %mul3A_802 = vector.broadcast %mul3A_801 : i32 to vector<16xi32>
        %mul3A_803 = arith.muli %iota3A, %mul3A_802 : vector<16xi32>
        %add3A_804 = arith.addi %mul3A_800, %mul3A_803 : vector<16xi32>
        %select_n3A_805 = arith.select %and3A_795, %sub3A_797, %add3A_804 : vector<16xi1>, vector<16xi32>
        %swap3A_806 = arith.constant 320 : index
        %swap3A_807 = tpu.vector_load %arg10[%swap3A_806] {strides = array<i32>} : memref<528xi32, #tpu.memory_space<vmem>>, vector<16xi32>,
        tpu.vector_store %arg10[%swap3A_806], %select_n3A_805 {strides = array<i32>} : memref<528xi32, #tpu.memory_space<vmem>>, vector<16xi32>,
        %broadcast_in_dim3A_808 = arith.constant 0.000000e+00 : f32
        %broadcast_in_dim3A_809 = vector.broadcast %broadcast_in_dim3A_808 : f32 to vector<16xf32>
        %select_n3A_810 = arith.select %and3A_795, %get3A_785, %broadcast_in_dim3A_809 : vector<16xi1>, vector<16xf32>
        %swap3A_811 = arith.constant 320 : index
        %swap3A_812 = tpu.vector_load %arg11[%swap3A_811] {strides = array<i32>} : memref<528xf32, #tpu.memory_space<vmem>>, vector<16xf32>,
        tpu.vector_store %arg11[%swap3A_811], %select_n3A_810 {strides = array<i32>} : memref<528xf32, #tpu.memory_space<vmem>>, vector<16xf32>,
        %add3A_813 = arith.constant 336 : i32
        %add3A_814 = arith.addi %multiple_of3A, %add3A_813 : i32
        %add3A_815 = vector.broadcast %add3A_814 : i32 to vector<16xi32>
        %add3A_816 = arith.addi %add3A_815, %iota3A : vector<16xi32>
        %get3A_817 = arith.constant 336 : index
        %get3A_818 = tpu.vector_load %arg8[%get3A_817] {strides = array<i32>} : memref<528xi32, #tpu.memory_space<vmem>>, vector<16xi32>,
        %get3A_819 = arith.constant 336 : index
        %get3A_820 = tpu.vector_load %arg9[%get3A_819] {strides = array<i32>} : memref<528xf32, #tpu.memory_space<vmem>>, vector<16xf32>,
        %ge3A_821 = vector.broadcast %add3A_80 : i32 to vector<16xi32>
        %ge3A_822 = arith.cmpi sge, %add3A_816, %ge3A_821 : vector<16xi32>
        %add3A_823 = arith.constant 512 : i32
        %add3A_824 = arith.addi %add3A_80, %add3A_823 : i32
        %lt3A_825 = vector.broadcast %add3A_824 : i32 to vector<16xi32>
        %lt3A_826 = arith.cmpi slt, %add3A_816, %lt3A_825 : vector<16xi32>
        %and3A_827 = arith.andi %ge3A_822, %lt3A_826 : vector<16xi1>
        %lt3A_828 = vector.broadcast %reduce_max3A_37 : i32 to vector<16xi32>
        %lt3A_829 = arith.cmpi slt, %add3A_816, %lt3A_828 : vector<16xi32>
        %and3A_830 = arith.andi %and3A_827, %lt3A_829 : vector<16xi1>
        %sub3A_831 = vector.broadcast %mul3A_12 : i32 to vector<16xi32>
        %sub3A_832 = arith.subi %get3A_818, %sub3A_831 : vector<16xi32>
        %mul3A_833 = arith.constant 336 : i32
        %mul3A_834 = vector.broadcast %mul3A_833 : i32 to vector<16xi32>
        %mul3A_835 = arith.muli %mul3A_834, %broadcast_in_dim3A_0 : vector<16xi32>
        %mul3A_836 = arith.constant 16 : i32
        %mul3A_837 = vector.broadcast %mul3A_836 : i32 to vector<16xi32>
        %mul3A_838 = arith.muli %iota3A, %mul3A_837 : vector<16xi32>
        %add3A_839 = arith.addi %mul3A_835, %mul3A_838 : vector<16xi32>
        %select_n3A_840 = arith.select %and3A_830, %sub3A_832, %add3A_839 : vector<16xi1>, vector<16xi32>
        %swap3A_841 = arith.constant 336 : index
        %swap3A_842 = tpu.vector_load %arg10[%swap3A_841] {strides = array<i32>} : memref<528xi32, #tpu.memory_space<vmem>>, vector<16xi32>,
        tpu.vector_store %arg10[%swap3A_841], %select_n3A_840 {strides = array<i32>} : memref<528xi32, #tpu.memory_space<vmem>>, vector<16xi32>,
        %broadcast_in_dim3A_843 = arith.constant 0.000000e+00 : f32
        %broadcast_in_dim3A_844 = vector.broadcast %broadcast_in_dim3A_843 : f32 to vector<16xf32>
        %select_n3A_845 = arith.select %and3A_830, %get3A_820, %broadcast_in_dim3A_844 : vector<16xi1>, vector<16xf32>
        %swap3A_846 = arith.constant 336 : index
        %swap3A_847 = tpu.vector_load %arg11[%swap3A_846] {strides = array<i32>} : memref<528xf32, #tpu.memory_space<vmem>>, vector<16xf32>,
        tpu.vector_store %arg11[%swap3A_846], %select_n3A_845 {strides = array<i32>} : memref<528xf32, #tpu.memory_space<vmem>>, vector<16xf32>,
        %add3A_848 = arith.constant 352 : i32
        %add3A_849 = arith.addi %multiple_of3A, %add3A_848 : i32
        %add3A_850 = vector.broadcast %add3A_849 : i32 to vector<16xi32>
        %add3A_851 = arith.addi %add3A_850, %iota3A : vector<16xi32>
        %get3A_852 = arith.constant 352 : index
        %get3A_853 = tpu.vector_load %arg8[%get3A_852] {strides = array<i32>} : memref<528xi32, #tpu.memory_space<vmem>>, vector<16xi32>,
        %get3A_854 = arith.constant 352 : index
        %get3A_855 = tpu.vector_load %arg9[%get3A_854] {strides = array<i32>} : memref<528xf32, #tpu.memory_space<vmem>>, vector<16xf32>,
        %ge3A_856 = vector.broadcast %add3A_80 : i32 to vector<16xi32>
        %ge3A_857 = arith.cmpi sge, %add3A_851, %ge3A_856 : vector<16xi32>
        %add3A_858 = arith.constant 512 : i32
        %add3A_859 = arith.addi %add3A_80, %add3A_858 : i32
        %lt3A_860 = vector.broadcast %add3A_859 : i32 to vector<16xi32>
        %lt3A_861 = arith.cmpi slt, %add3A_851, %lt3A_860 : vector<16xi32>
        %and3A_862 = arith.andi %ge3A_857, %lt3A_861 : vector<16xi1>
        %lt3A_863 = vector.broadcast %reduce_max3A_37 : i32 to vector<16xi32>
        %lt3A_864 = arith.cmpi slt, %add3A_851, %lt3A_863 : vector<16xi32>
        %and3A_865 = arith.andi %and3A_862, %lt3A_864 : vector<16xi1>
        %sub3A_866 = vector.broadcast %mul3A_12 : i32 to vector<16xi32>
        %sub3A_867 = arith.subi %get3A_853, %sub3A_866 : vector<16xi32>
        %mul3A_868 = arith.constant 352 : i32
        %mul3A_869 = vector.broadcast %mul3A_868 : i32 to vector<16xi32>
        %mul3A_870 = arith.muli %mul3A_869, %broadcast_in_dim3A_0 : vector<16xi32>
        %mul3A_871 = arith.constant 16 : i32
        %mul3A_872 = vector.broadcast %mul3A_871 : i32 to vector<16xi32>
        %mul3A_873 = arith.muli %iota3A, %mul3A_872 : vector<16xi32>
        %add3A_874 = arith.addi %mul3A_870, %mul3A_873 : vector<16xi32>
        %select_n3A_875 = arith.select %and3A_865, %sub3A_867, %add3A_874 : vector<16xi1>, vector<16xi32>
        %swap3A_876 = arith.constant 352 : index
        %swap3A_877 = tpu.vector_load %arg10[%swap3A_876] {strides = array<i32>} : memref<528xi32, #tpu.memory_space<vmem>>, vector<16xi32>,
        tpu.vector_store %arg10[%swap3A_876], %select_n3A_875 {strides = array<i32>} : memref<528xi32, #tpu.memory_space<vmem>>, vector<16xi32>,
        %broadcast_in_dim3A_878 = arith.constant 0.000000e+00 : f32
        %broadcast_in_dim3A_879 = vector.broadcast %broadcast_in_dim3A_878 : f32 to vector<16xf32>
        %select_n3A_880 = arith.select %and3A_865, %get3A_855, %broadcast_in_dim3A_879 : vector<16xi1>, vector<16xf32>
        %swap3A_881 = arith.constant 352 : index
        %swap3A_882 = tpu.vector_load %arg11[%swap3A_881] {strides = array<i32>} : memref<528xf32, #tpu.memory_space<vmem>>, vector<16xf32>,
        tpu.vector_store %arg11[%swap3A_881], %select_n3A_880 {strides = array<i32>} : memref<528xf32, #tpu.memory_space<vmem>>, vector<16xf32>,
        %add3A_883 = arith.constant 368 : i32
        %add3A_884 = arith.addi %multiple_of3A, %add3A_883 : i32
        %add3A_885 = vector.broadcast %add3A_884 : i32 to vector<16xi32>
        %add3A_886 = arith.addi %add3A_885, %iota3A : vector<16xi32>
        %get3A_887 = arith.constant 368 : index
        %get3A_888 = tpu.vector_load %arg8[%get3A_887] {strides = array<i32>} : memref<528xi32, #tpu.memory_space<vmem>>, vector<16xi32>,
        %get3A_889 = arith.constant 368 : index
        %get3A_890 = tpu.vector_load %arg9[%get3A_889] {strides = array<i32>} : memref<528xf32, #tpu.memory_space<vmem>>, vector<16xf32>,
        %ge3A_891 = vector.broadcast %add3A_80 : i32 to vector<16xi32>
        %ge3A_892 = arith.cmpi sge, %add3A_886, %ge3A_891 : vector<16xi32>
        %add3A_893 = arith.constant 512 : i32
        %add3A_894 = arith.addi %add3A_80, %add3A_893 : i32
        %lt3A_895 = vector.broadcast %add3A_894 : i32 to vector<16xi32>
        %lt3A_896 = arith.cmpi slt, %add3A_886, %lt3A_895 : vector<16xi32>
        %and3A_897 = arith.andi %ge3A_892, %lt3A_896 : vector<16xi1>
        %lt3A_898 = vector.broadcast %reduce_max3A_37 : i32 to vector<16xi32>
        %lt3A_899 = arith.cmpi slt, %add3A_886, %lt3A_898 : vector<16xi32>
        %and3A_900 = arith.andi %and3A_897, %lt3A_899 : vector<16xi1>
        %sub3A_901 = vector.broadcast %mul3A_12 : i32 to vector<16xi32>
        %sub3A_902 = arith.subi %get3A_888, %sub3A_901 : vector<16xi32>
        %mul3A_903 = arith.constant 368 : i32
        %mul3A_904 = vector.broadcast %mul3A_903 : i32 to vector<16xi32>
        %mul3A_905 = arith.muli %mul3A_904, %broadcast_in_dim3A_0 : vector<16xi32>
        %mul3A_906 = arith.constant 16 : i32
        %mul3A_907 = vector.broadcast %mul3A_906 : i32 to vector<16xi32>
        %mul3A_908 = arith.muli %iota3A, %mul3A_907 : vector<16xi32>
        %add3A_909 = arith.addi %mul3A_905, %mul3A_908 : vector<16xi32>
        %select_n3A_910 = arith.select %and3A_900, %sub3A_902, %add3A_909 : vector<16xi1>, vector<16xi32>
        %swap3A_911 = arith.constant 368 : index
        %swap3A_912 = tpu.vector_load %arg10[%swap3A_911] {strides = array<i32>} : memref<528xi32, #tpu.memory_space<vmem>>, vector<16xi32>,
        tpu.vector_store %arg10[%swap3A_911], %select_n3A_910 {strides = array<i32>} : memref<528xi32, #tpu.memory_space<vmem>>, vector<16xi32>,
        %broadcast_in_dim3A_913 = arith.constant 0.000000e+00 : f32
        %broadcast_in_dim3A_914 = vector.broadcast %broadcast_in_dim3A_913 : f32 to vector<16xf32>
        %select_n3A_915 = arith.select %and3A_900, %get3A_890, %broadcast_in_dim3A_914 : vector<16xi1>, vector<16xf32>
        %swap3A_916 = arith.constant 368 : index
        %swap3A_917 = tpu.vector_load %arg11[%swap3A_916] {strides = array<i32>} : memref<528xf32, #tpu.memory_space<vmem>>, vector<16xf32>,
        tpu.vector_store %arg11[%swap3A_916], %select_n3A_915 {strides = array<i32>} : memref<528xf32, #tpu.memory_space<vmem>>, vector<16xf32>,
        %add3A_918 = arith.constant 384 : i32
        %add3A_919 = arith.addi %multiple_of3A, %add3A_918 : i32
        %add3A_920 = vector.broadcast %add3A_919 : i32 to vector<16xi32>
        %add3A_921 = arith.addi %add3A_920, %iota3A : vector<16xi32>
        %get3A_922 = arith.constant 384 : index
        %get3A_923 = tpu.vector_load %arg8[%get3A_922] {strides = array<i32>} : memref<528xi32, #tpu.memory_space<vmem>>, vector<16xi32>,
        %get3A_924 = arith.constant 384 : index
        %get3A_925 = tpu.vector_load %arg9[%get3A_924] {strides = array<i32>} : memref<528xf32, #tpu.memory_space<vmem>>, vector<16xf32>,
        %ge3A_926 = vector.broadcast %add3A_80 : i32 to vector<16xi32>
        %ge3A_927 = arith.cmpi sge, %add3A_921, %ge3A_926 : vector<16xi32>
        %add3A_928 = arith.constant 512 : i32
        %add3A_929 = arith.addi %add3A_80, %add3A_928 : i32
        %lt3A_930 = vector.broadcast %add3A_929 : i32 to vector<16xi32>
        %lt3A_931 = arith.cmpi slt, %add3A_921, %lt3A_930 : vector<16xi32>
        %and3A_932 = arith.andi %ge3A_927, %lt3A_931 : vector<16xi1>
        %lt3A_933 = vector.broadcast %reduce_max3A_37 : i32 to vector<16xi32>
        %lt3A_934 = arith.cmpi slt, %add3A_921, %lt3A_933 : vector<16xi32>
        %and3A_935 = arith.andi %and3A_932, %lt3A_934 : vector<16xi1>
        %sub3A_936 = vector.broadcast %mul3A_12 : i32 to vector<16xi32>
        %sub3A_937 = arith.subi %get3A_923, %sub3A_936 : vector<16xi32>
        %mul3A_938 = arith.constant 384 : i32
        %mul3A_939 = vector.broadcast %mul3A_938 : i32 to vector<16xi32>
        %mul3A_940 = arith.muli %mul3A_939, %broadcast_in_dim3A_0 : vector<16xi32>
        %mul3A_941 = arith.constant 16 : i32
        %mul3A_942 = vector.broadcast %mul3A_941 : i32 to vector<16xi32>
        %mul3A_943 = arith.muli %iota3A, %mul3A_942 : vector<16xi32>
        %add3A_944 = arith.addi %mul3A_940, %mul3A_943 : vector<16xi32>
        %select_n3A_945 = arith.select %and3A_935, %sub3A_937, %add3A_944 : vector<16xi1>, vector<16xi32>
        %swap3A_946 = arith.constant 384 : index
        %swap3A_947 = tpu.vector_load %arg10[%swap3A_946] {strides = array<i32>} : memref<528xi32, #tpu.memory_space<vmem>>, vector<16xi32>,
        tpu.vector_store %arg10[%swap3A_946], %select_n3A_945 {strides = array<i32>} : memref<528xi32, #tpu.memory_space<vmem>>, vector<16xi32>,
        %broadcast_in_dim3A_948 = arith.constant 0.000000e+00 : f32
        %broadcast_in_dim3A_949 = vector.broadcast %broadcast_in_dim3A_948 : f32 to vector<16xf32>
        %select_n3A_950 = arith.select %and3A_935, %get3A_925, %broadcast_in_dim3A_949 : vector<16xi1>, vector<16xf32>
        %swap3A_951 = arith.constant 384 : index
        %swap3A_952 = tpu.vector_load %arg11[%swap3A_951] {strides = array<i32>} : memref<528xf32, #tpu.memory_space<vmem>>, vector<16xf32>,
        tpu.vector_store %arg11[%swap3A_951], %select_n3A_950 {strides = array<i32>} : memref<528xf32, #tpu.memory_space<vmem>>, vector<16xf32>,
        %add3A_953 = arith.constant 400 : i32
        %add3A_954 = arith.addi %multiple_of3A, %add3A_953 : i32
        %add3A_955 = vector.broadcast %add3A_954 : i32 to vector<16xi32>
        %add3A_956 = arith.addi %add3A_955, %iota3A : vector<16xi32>
        %get3A_957 = arith.constant 400 : index
        %get3A_958 = tpu.vector_load %arg8[%get3A_957] {strides = array<i32>} : memref<528xi32, #tpu.memory_space<vmem>>, vector<16xi32>,
        %get3A_959 = arith.constant 400 : index
        %get3A_960 = tpu.vector_load %arg9[%get3A_959] {strides = array<i32>} : memref<528xf32, #tpu.memory_space<vmem>>, vector<16xf32>,
        %ge3A_961 = vector.broadcast %add3A_80 : i32 to vector<16xi32>
        %ge3A_962 = arith.cmpi sge, %add3A_956, %ge3A_961 : vector<16xi32>
        %add3A_963 = arith.constant 512 : i32
        %add3A_964 = arith.addi %add3A_80, %add3A_963 : i32
        %lt3A_965 = vector.broadcast %add3A_964 : i32 to vector<16xi32>
        %lt3A_966 = arith.cmpi slt, %add3A_956, %lt3A_965 : vector<16xi32>
        %and3A_967 = arith.andi %ge3A_962, %lt3A_966 : vector<16xi1>
        %lt3A_968 = vector.broadcast %reduce_max3A_37 : i32 to vector<16xi32>
        %lt3A_969 = arith.cmpi slt, %add3A_956, %lt3A_968 : vector<16xi32>
        %and3A_970 = arith.andi %and3A_967, %lt3A_969 : vector<16xi1>
        %sub3A_971 = vector.broadcast %mul3A_12 : i32 to vector<16xi32>
        %sub3A_972 = arith.subi %get3A_958, %sub3A_971 : vector<16xi32>
        %mul3A_973 = arith.constant 400 : i32
        %mul3A_974 = vector.broadcast %mul3A_973 : i32 to vector<16xi32>
        %mul3A_975 = arith.muli %mul3A_974, %broadcast_in_dim3A_0 : vector<16xi32>
        %mul3A_976 = arith.constant 16 : i32
        %mul3A_977 = vector.broadcast %mul3A_976 : i32 to vector<16xi32>
        %mul3A_978 = arith.muli %iota3A, %mul3A_977 : vector<16xi32>
        %add3A_979 = arith.addi %mul3A_975, %mul3A_978 : vector<16xi32>
        %select_n3A_980 = arith.select %and3A_970, %sub3A_972, %add3A_979 : vector<16xi1>, vector<16xi32>
        %swap3A_981 = arith.constant 400 : index
        %swap3A_982 = tpu.vector_load %arg10[%swap3A_981] {strides = array<i32>} : memref<528xi32, #tpu.memory_space<vmem>>, vector<16xi32>,
        tpu.vector_store %arg10[%swap3A_981], %select_n3A_980 {strides = array<i32>} : memref<528xi32, #tpu.memory_space<vmem>>, vector<16xi32>,
        %broadcast_in_dim3A_983 = arith.constant 0.000000e+00 : f32
        %broadcast_in_dim3A_984 = vector.broadcast %broadcast_in_dim3A_983 : f32 to vector<16xf32>
        %select_n3A_985 = arith.select %and3A_970, %get3A_960, %broadcast_in_dim3A_984 : vector<16xi1>, vector<16xf32>
        %swap3A_986 = arith.constant 400 : index
        %swap3A_987 = tpu.vector_load %arg11[%swap3A_986] {strides = array<i32>} : memref<528xf32, #tpu.memory_space<vmem>>, vector<16xf32>,
        tpu.vector_store %arg11[%swap3A_986], %select_n3A_985 {strides = array<i32>} : memref<528xf32, #tpu.memory_space<vmem>>, vector<16xf32>,
        %add3A_988 = arith.constant 416 : i32
        %add3A_989 = arith.addi %multiple_of3A, %add3A_988 : i32
        %add3A_990 = vector.broadcast %add3A_989 : i32 to vector<16xi32>
        %add3A_991 = arith.addi %add3A_990, %iota3A : vector<16xi32>
        %get3A_992 = arith.constant 416 : index
        %get3A_993 = tpu.vector_load %arg8[%get3A_992] {strides = array<i32>} : memref<528xi32, #tpu.memory_space<vmem>>, vector<16xi32>,
        %get3A_994 = arith.constant 416 : index
        %get3A_995 = tpu.vector_load %arg9[%get3A_994] {strides = array<i32>} : memref<528xf32, #tpu.memory_space<vmem>>, vector<16xf32>,
        %ge3A_996 = vector.broadcast %add3A_80 : i32 to vector<16xi32>
        %ge3A_997 = arith.cmpi sge, %add3A_991, %ge3A_996 : vector<16xi32>
        %add3A_998 = arith.constant 512 : i32
        %add3A_999 = arith.addi %add3A_80, %add3A_998 : i32
        %lt3A_1000 = vector.broadcast %add3A_999 : i32 to vector<16xi32>
        %lt3A_1001 = arith.cmpi slt, %add3A_991, %lt3A_1000 : vector<16xi32>
        %and3A_1002 = arith.andi %ge3A_997, %lt3A_1001 : vector<16xi1>
        %lt3A_1003 = vector.broadcast %reduce_max3A_37 : i32 to vector<16xi32>
        %lt3A_1004 = arith.cmpi slt, %add3A_991, %lt3A_1003 : vector<16xi32>
        %and3A_1005 = arith.andi %and3A_1002, %lt3A_1004 : vector<16xi1>
        %sub3A_1006 = vector.broadcast %mul3A_12 : i32 to vector<16xi32>
        %sub3A_1007 = arith.subi %get3A_993, %sub3A_1006 : vector<16xi32>
        %mul3A_1008 = arith.constant 416 : i32
        %mul3A_1009 = vector.broadcast %mul3A_1008 : i32 to vector<16xi32>
        %mul3A_1010 = arith.muli %mul3A_1009, %broadcast_in_dim3A_0 : vector<16xi32>
        %mul3A_1011 = arith.constant 16 : i32
        %mul3A_1012 = vector.broadcast %mul3A_1011 : i32 to vector<16xi32>
        %mul3A_1013 = arith.muli %iota3A, %mul3A_1012 : vector<16xi32>
        %add3A_1014 = arith.addi %mul3A_1010, %mul3A_1013 : vector<16xi32>
        %select_n3A_1015 = arith.select %and3A_1005, %sub3A_1007, %add3A_1014 : vector<16xi1>, vector<16xi32>
        %swap3A_1016 = arith.constant 416 : index
        %swap3A_1017 = tpu.vector_load %arg10[%swap3A_1016] {strides = array<i32>} : memref<528xi32, #tpu.memory_space<vmem>>, vector<16xi32>,
        tpu.vector_store %arg10[%swap3A_1016], %select_n3A_1015 {strides = array<i32>} : memref<528xi32, #tpu.memory_space<vmem>>, vector<16xi32>,
        %broadcast_in_dim3A_1018 = arith.constant 0.000000e+00 : f32
        %broadcast_in_dim3A_1019 = vector.broadcast %broadcast_in_dim3A_1018 : f32 to vector<16xf32>
        %select_n3A_1020 = arith.select %and3A_1005, %get3A_995, %broadcast_in_dim3A_1019 : vector<16xi1>, vector<16xf32>
        %swap3A_1021 = arith.constant 416 : index
        %swap3A_1022 = tpu.vector_load %arg11[%swap3A_1021] {strides = array<i32>} : memref<528xf32, #tpu.memory_space<vmem>>, vector<16xf32>,
        tpu.vector_store %arg11[%swap3A_1021], %select_n3A_1020 {strides = array<i32>} : memref<528xf32, #tpu.memory_space<vmem>>, vector<16xf32>,
        %add3A_1023 = arith.constant 432 : i32
        %add3A_1024 = arith.addi %multiple_of3A, %add3A_1023 : i32
        %add3A_1025 = vector.broadcast %add3A_1024 : i32 to vector<16xi32>
        %add3A_1026 = arith.addi %add3A_1025, %iota3A : vector<16xi32>
        %get3A_1027 = arith.constant 432 : index
        %get3A_1028 = tpu.vector_load %arg8[%get3A_1027] {strides = array<i32>} : memref<528xi32, #tpu.memory_space<vmem>>, vector<16xi32>,
        %get3A_1029 = arith.constant 432 : index
        %get3A_1030 = tpu.vector_load %arg9[%get3A_1029] {strides = array<i32>} : memref<528xf32, #tpu.memory_space<vmem>>, vector<16xf32>,
        %ge3A_1031 = vector.broadcast %add3A_80 : i32 to vector<16xi32>
        %ge3A_1032 = arith.cmpi sge, %add3A_1026, %ge3A_1031 : vector<16xi32>
        %add3A_1033 = arith.constant 512 : i32
        %add3A_1034 = arith.addi %add3A_80, %add3A_1033 : i32
        %lt3A_1035 = vector.broadcast %add3A_1034 : i32 to vector<16xi32>
        %lt3A_1036 = arith.cmpi slt, %add3A_1026, %lt3A_1035 : vector<16xi32>
        %and3A_1037 = arith.andi %ge3A_1032, %lt3A_1036 : vector<16xi1>
        %lt3A_1038 = vector.broadcast %reduce_max3A_37 : i32 to vector<16xi32>
        %lt3A_1039 = arith.cmpi slt, %add3A_1026, %lt3A_1038 : vector<16xi32>
        %and3A_1040 = arith.andi %and3A_1037, %lt3A_1039 : vector<16xi1>
        %sub3A_1041 = vector.broadcast %mul3A_12 : i32 to vector<16xi32>
        %sub3A_1042 = arith.subi %get3A_1028, %sub3A_1041 : vector<16xi32>
        %mul3A_1043 = arith.constant 432 : i32
        %mul3A_1044 = vector.broadcast %mul3A_1043 : i32 to vector<16xi32>
        %mul3A_1045 = arith.muli %mul3A_1044, %broadcast_in_dim3A_0 : vector<16xi32>
        %mul3A_1046 = arith.constant 16 : i32
        %mul3A_1047 = vector.broadcast %mul3A_1046 : i32 to vector<16xi32>
        %mul3A_1048 = arith.muli %iota3A, %mul3A_1047 : vector<16xi32>
        %add3A_1049 = arith.addi %mul3A_1045, %mul3A_1048 : vector<16xi32>
        %select_n3A_1050 = arith.select %and3A_1040, %sub3A_1042, %add3A_1049 : vector<16xi1>, vector<16xi32>
        %swap3A_1051 = arith.constant 432 : index
        %swap3A_1052 = tpu.vector_load %arg10[%swap3A_1051] {strides = array<i32>} : memref<528xi32, #tpu.memory_space<vmem>>, vector<16xi32>,
        tpu.vector_store %arg10[%swap3A_1051], %select_n3A_1050 {strides = array<i32>} : memref<528xi32, #tpu.memory_space<vmem>>, vector<16xi32>,
        %broadcast_in_dim3A_1053 = arith.constant 0.000000e+00 : f32
        %broadcast_in_dim3A_1054 = vector.broadcast %broadcast_in_dim3A_1053 : f32 to vector<16xf32>
        %select_n3A_1055 = arith.select %and3A_1040, %get3A_1030, %broadcast_in_dim3A_1054 : vector<16xi1>, vector<16xf32>
        %swap3A_1056 = arith.constant 432 : index
        %swap3A_1057 = tpu.vector_load %arg11[%swap3A_1056] {strides = array<i32>} : memref<528xf32, #tpu.memory_space<vmem>>, vector<16xf32>,
        tpu.vector_store %arg11[%swap3A_1056], %select_n3A_1055 {strides = array<i32>} : memref<528xf32, #tpu.memory_space<vmem>>, vector<16xf32>,
        %add3A_1058 = arith.constant 448 : i32
        %add3A_1059 = arith.addi %multiple_of3A, %add3A_1058 : i32
        %add3A_1060 = vector.broadcast %add3A_1059 : i32 to vector<16xi32>
        %add3A_1061 = arith.addi %add3A_1060, %iota3A : vector<16xi32>
        %get3A_1062 = arith.constant 448 : index
        %get3A_1063 = tpu.vector_load %arg8[%get3A_1062] {strides = array<i32>} : memref<528xi32, #tpu.memory_space<vmem>>, vector<16xi32>,
        %get3A_1064 = arith.constant 448 : index
        %get3A_1065 = tpu.vector_load %arg9[%get3A_1064] {strides = array<i32>} : memref<528xf32, #tpu.memory_space<vmem>>, vector<16xf32>,
        %ge3A_1066 = vector.broadcast %add3A_80 : i32 to vector<16xi32>
        %ge3A_1067 = arith.cmpi sge, %add3A_1061, %ge3A_1066 : vector<16xi32>
        %add3A_1068 = arith.constant 512 : i32
        %add3A_1069 = arith.addi %add3A_80, %add3A_1068 : i32
        %lt3A_1070 = vector.broadcast %add3A_1069 : i32 to vector<16xi32>
        %lt3A_1071 = arith.cmpi slt, %add3A_1061, %lt3A_1070 : vector<16xi32>
        %and3A_1072 = arith.andi %ge3A_1067, %lt3A_1071 : vector<16xi1>
        %lt3A_1073 = vector.broadcast %reduce_max3A_37 : i32 to vector<16xi32>
        %lt3A_1074 = arith.cmpi slt, %add3A_1061, %lt3A_1073 : vector<16xi32>
        %and3A_1075 = arith.andi %and3A_1072, %lt3A_1074 : vector<16xi1>
        %sub3A_1076 = vector.broadcast %mul3A_12 : i32 to vector<16xi32>
        %sub3A_1077 = arith.subi %get3A_1063, %sub3A_1076 : vector<16xi32>
        %mul3A_1078 = arith.constant 448 : i32
        %mul3A_1079 = vector.broadcast %mul3A_1078 : i32 to vector<16xi32>
        %mul3A_1080 = arith.muli %mul3A_1079, %broadcast_in_dim3A_0 : vector<16xi32>
        %mul3A_1081 = arith.constant 16 : i32
        %mul3A_1082 = vector.broadcast %mul3A_1081 : i32 to vector<16xi32>
        %mul3A_1083 = arith.muli %iota3A, %mul3A_1082 : vector<16xi32>
        %add3A_1084 = arith.addi %mul3A_1080, %mul3A_1083 : vector<16xi32>
        %select_n3A_1085 = arith.select %and3A_1075, %sub3A_1077, %add3A_1084 : vector<16xi1>, vector<16xi32>
        %swap3A_1086 = arith.constant 448 : index
        %swap3A_1087 = tpu.vector_load %arg10[%swap3A_1086] {strides = array<i32>} : memref<528xi32, #tpu.memory_space<vmem>>, vector<16xi32>,
        tpu.vector_store %arg10[%swap3A_1086], %select_n3A_1085 {strides = array<i32>} : memref<528xi32, #tpu.memory_space<vmem>>, vector<16xi32>,
        %broadcast_in_dim3A_1088 = arith.constant 0.000000e+00 : f32
        %broadcast_in_dim3A_1089 = vector.broadcast %broadcast_in_dim3A_1088 : f32 to vector<16xf32>
        %select_n3A_1090 = arith.select %and3A_1075, %get3A_1065, %broadcast_in_dim3A_1089 : vector<16xi1>, vector<16xf32>
        %swap3A_1091 = arith.constant 448 : index
        %swap3A_1092 = tpu.vector_load %arg11[%swap3A_1091] {strides = array<i32>} : memref<528xf32, #tpu.memory_space<vmem>>, vector<16xf32>,
        tpu.vector_store %arg11[%swap3A_1091], %select_n3A_1090 {strides = array<i32>} : memref<528xf32, #tpu.memory_space<vmem>>, vector<16xf32>,
        %add3A_1093 = arith.constant 464 : i32
        %add3A_1094 = arith.addi %multiple_of3A, %add3A_1093 : i32
        %add3A_1095 = vector.broadcast %add3A_1094 : i32 to vector<16xi32>
        %add3A_1096 = arith.addi %add3A_1095, %iota3A : vector<16xi32>
        %get3A_1097 = arith.constant 464 : index
        %get3A_1098 = tpu.vector_load %arg8[%get3A_1097] {strides = array<i32>} : memref<528xi32, #tpu.memory_space<vmem>>, vector<16xi32>,
        %get3A_1099 = arith.constant 464 : index
        %get3A_1100 = tpu.vector_load %arg9[%get3A_1099] {strides = array<i32>} : memref<528xf32, #tpu.memory_space<vmem>>, vector<16xf32>,
        %ge3A_1101 = vector.broadcast %add3A_80 : i32 to vector<16xi32>
        %ge3A_1102 = arith.cmpi sge, %add3A_1096, %ge3A_1101 : vector<16xi32>
        %add3A_1103 = arith.constant 512 : i32
        %add3A_1104 = arith.addi %add3A_80, %add3A_1103 : i32
        %lt3A_1105 = vector.broadcast %add3A_1104 : i32 to vector<16xi32>
        %lt3A_1106 = arith.cmpi slt, %add3A_1096, %lt3A_1105 : vector<16xi32>
        %and3A_1107 = arith.andi %ge3A_1102, %lt3A_1106 : vector<16xi1>
        %lt3A_1108 = vector.broadcast %reduce_max3A_37 : i32 to vector<16xi32>
        %lt3A_1109 = arith.cmpi slt, %add3A_1096, %lt3A_1108 : vector<16xi32>
        %and3A_1110 = arith.andi %and3A_1107, %lt3A_1109 : vector<16xi1>
        %sub3A_1111 = vector.broadcast %mul3A_12 : i32 to vector<16xi32>
        %sub3A_1112 = arith.subi %get3A_1098, %sub3A_1111 : vector<16xi32>
        %mul3A_1113 = arith.constant 464 : i32
        %mul3A_1114 = vector.broadcast %mul3A_1113 : i32 to vector<16xi32>
        %mul3A_1115 = arith.muli %mul3A_1114, %broadcast_in_dim3A_0 : vector<16xi32>
        %mul3A_1116 = arith.constant 16 : i32
        %mul3A_1117 = vector.broadcast %mul3A_1116 : i32 to vector<16xi32>
        %mul3A_1118 = arith.muli %iota3A, %mul3A_1117 : vector<16xi32>
        %add3A_1119 = arith.addi %mul3A_1115, %mul3A_1118 : vector<16xi32>
        %select_n3A_1120 = arith.select %and3A_1110, %sub3A_1112, %add3A_1119 : vector<16xi1>, vector<16xi32>
        %swap3A_1121 = arith.constant 464 : index
        %swap3A_1122 = tpu.vector_load %arg10[%swap3A_1121] {strides = array<i32>} : memref<528xi32, #tpu.memory_space<vmem>>, vector<16xi32>,
        tpu.vector_store %arg10[%swap3A_1121], %select_n3A_1120 {strides = array<i32>} : memref<528xi32, #tpu.memory_space<vmem>>, vector<16xi32>,
        %broadcast_in_dim3A_1123 = arith.constant 0.000000e+00 : f32
        %broadcast_in_dim3A_1124 = vector.broadcast %broadcast_in_dim3A_1123 : f32 to vector<16xf32>
        %select_n3A_1125 = arith.select %and3A_1110, %get3A_1100, %broadcast_in_dim3A_1124 : vector<16xi1>, vector<16xf32>
        %swap3A_1126 = arith.constant 464 : index
        %swap3A_1127 = tpu.vector_load %arg11[%swap3A_1126] {strides = array<i32>} : memref<528xf32, #tpu.memory_space<vmem>>, vector<16xf32>,
        tpu.vector_store %arg11[%swap3A_1126], %select_n3A_1125 {strides = array<i32>} : memref<528xf32, #tpu.memory_space<vmem>>, vector<16xf32>,
        %add3A_1128 = arith.constant 480 : i32
        %add3A_1129 = arith.addi %multiple_of3A, %add3A_1128 : i32
        %add3A_1130 = vector.broadcast %add3A_1129 : i32 to vector<16xi32>
        %add3A_1131 = arith.addi %add3A_1130, %iota3A : vector<16xi32>
        %get3A_1132 = arith.constant 480 : index
        %get3A_1133 = tpu.vector_load %arg8[%get3A_1132] {strides = array<i32>} : memref<528xi32, #tpu.memory_space<vmem>>, vector<16xi32>,
        %get3A_1134 = arith.constant 480 : index
        %get3A_1135 = tpu.vector_load %arg9[%get3A_1134] {strides = array<i32>} : memref<528xf32, #tpu.memory_space<vmem>>, vector<16xf32>,
        %ge3A_1136 = vector.broadcast %add3A_80 : i32 to vector<16xi32>
        %ge3A_1137 = arith.cmpi sge, %add3A_1131, %ge3A_1136 : vector<16xi32>
        %add3A_1138 = arith.constant 512 : i32
        %add3A_1139 = arith.addi %add3A_80, %add3A_1138 : i32
        %lt3A_1140 = vector.broadcast %add3A_1139 : i32 to vector<16xi32>
        %lt3A_1141 = arith.cmpi slt, %add3A_1131, %lt3A_1140 : vector<16xi32>
        %and3A_1142 = arith.andi %ge3A_1137, %lt3A_1141 : vector<16xi1>
        %lt3A_1143 = vector.broadcast %reduce_max3A_37 : i32 to vector<16xi32>
        %lt3A_1144 = arith.cmpi slt, %add3A_1131, %lt3A_1143 : vector<16xi32>
        %and3A_1145 = arith.andi %and3A_1142, %lt3A_1144 : vector<16xi1>
        %sub3A_1146 = vector.broadcast %mul3A_12 : i32 to vector<16xi32>
        %sub3A_1147 = arith.subi %get3A_1133, %sub3A_1146 : vector<16xi32>
        %mul3A_1148 = arith.constant 480 : i32
        %mul3A_1149 = vector.broadcast %mul3A_1148 : i32 to vector<16xi32>
        %mul3A_1150 = arith.muli %mul3A_1149, %broadcast_in_dim3A_0 : vector<16xi32>
        %mul3A_1151 = arith.constant 16 : i32
        %mul3A_1152 = vector.broadcast %mul3A_1151 : i32 to vector<16xi32>
        %mul3A_1153 = arith.muli %iota3A, %mul3A_1152 : vector<16xi32>
        %add3A_1154 = arith.addi %mul3A_1150, %mul3A_1153 : vector<16xi32>
        %select_n3A_1155 = arith.select %and3A_1145, %sub3A_1147, %add3A_1154 : vector<16xi1>, vector<16xi32>
        %swap3A_1156 = arith.constant 480 : index
        %swap3A_1157 = tpu.vector_load %arg10[%swap3A_1156] {strides = array<i32>} : memref<528xi32, #tpu.memory_space<vmem>>, vector<16xi32>,
        tpu.vector_store %arg10[%swap3A_1156], %select_n3A_1155 {strides = array<i32>} : memref<528xi32, #tpu.memory_space<vmem>>, vector<16xi32>,
        %broadcast_in_dim3A_1158 = arith.constant 0.000000e+00 : f32
        %broadcast_in_dim3A_1159 = vector.broadcast %broadcast_in_dim3A_1158 : f32 to vector<16xf32>
        %select_n3A_1160 = arith.select %and3A_1145, %get3A_1135, %broadcast_in_dim3A_1159 : vector<16xi1>, vector<16xf32>
        %swap3A_1161 = arith.constant 480 : index
        %swap3A_1162 = tpu.vector_load %arg11[%swap3A_1161] {strides = array<i32>} : memref<528xf32, #tpu.memory_space<vmem>>, vector<16xf32>,
        tpu.vector_store %arg11[%swap3A_1161], %select_n3A_1160 {strides = array<i32>} : memref<528xf32, #tpu.memory_space<vmem>>, vector<16xf32>,
        %add3A_1163 = arith.constant 496 : i32
        %add3A_1164 = arith.addi %multiple_of3A, %add3A_1163 : i32
        %add3A_1165 = vector.broadcast %add3A_1164 : i32 to vector<16xi32>
        %add3A_1166 = arith.addi %add3A_1165, %iota3A : vector<16xi32>
        %get3A_1167 = arith.constant 496 : index
        %get3A_1168 = tpu.vector_load %arg8[%get3A_1167] {strides = array<i32>} : memref<528xi32, #tpu.memory_space<vmem>>, vector<16xi32>,
        %get3A_1169 = arith.constant 496 : index
        %get3A_1170 = tpu.vector_load %arg9[%get3A_1169] {strides = array<i32>} : memref<528xf32, #tpu.memory_space<vmem>>, vector<16xf32>,
        %ge3A_1171 = vector.broadcast %add3A_80 : i32 to vector<16xi32>
        %ge3A_1172 = arith.cmpi sge, %add3A_1166, %ge3A_1171 : vector<16xi32>
        %add3A_1173 = arith.constant 512 : i32
        %add3A_1174 = arith.addi %add3A_80, %add3A_1173 : i32
        %lt3A_1175 = vector.broadcast %add3A_1174 : i32 to vector<16xi32>
        %lt3A_1176 = arith.cmpi slt, %add3A_1166, %lt3A_1175 : vector<16xi32>
        %and3A_1177 = arith.andi %ge3A_1172, %lt3A_1176 : vector<16xi1>
        %lt3A_1178 = vector.broadcast %reduce_max3A_37 : i32 to vector<16xi32>
        %lt3A_1179 = arith.cmpi slt, %add3A_1166, %lt3A_1178 : vector<16xi32>
        %and3A_1180 = arith.andi %and3A_1177, %lt3A_1179 : vector<16xi1>
        %sub3A_1181 = vector.broadcast %mul3A_12 : i32 to vector<16xi32>
        %sub3A_1182 = arith.subi %get3A_1168, %sub3A_1181 : vector<16xi32>
        %mul3A_1183 = arith.constant 496 : i32
        %mul3A_1184 = vector.broadcast %mul3A_1183 : i32 to vector<16xi32>
        %mul3A_1185 = arith.muli %mul3A_1184, %broadcast_in_dim3A_0 : vector<16xi32>
        %mul3A_1186 = arith.constant 16 : i32
        %mul3A_1187 = vector.broadcast %mul3A_1186 : i32 to vector<16xi32>
        %mul3A_1188 = arith.muli %iota3A, %mul3A_1187 : vector<16xi32>
        %add3A_1189 = arith.addi %mul3A_1185, %mul3A_1188 : vector<16xi32>
        %select_n3A_1190 = arith.select %and3A_1180, %sub3A_1182, %add3A_1189 : vector<16xi1>, vector<16xi32>
        %swap3A_1191 = arith.constant 496 : index
        %swap3A_1192 = tpu.vector_load %arg10[%swap3A_1191] {strides = array<i32>} : memref<528xi32, #tpu.memory_space<vmem>>, vector<16xi32>,
        tpu.vector_store %arg10[%swap3A_1191], %select_n3A_1190 {strides = array<i32>} : memref<528xi32, #tpu.memory_space<vmem>>, vector<16xi32>,
        %broadcast_in_dim3A_1193 = arith.constant 0.000000e+00 : f32
        %broadcast_in_dim3A_1194 = vector.broadcast %broadcast_in_dim3A_1193 : f32 to vector<16xf32>
        %select_n3A_1195 = arith.select %and3A_1180, %get3A_1170, %broadcast_in_dim3A_1194 : vector<16xi1>, vector<16xf32>
        %swap3A_1196 = arith.constant 496 : index
        %swap3A_1197 = tpu.vector_load %arg11[%swap3A_1196] {strides = array<i32>} : memref<528xf32, #tpu.memory_space<vmem>>, vector<16xf32>,
        tpu.vector_store %arg11[%swap3A_1196], %select_n3A_1195 {strides = array<i32>} : memref<528xf32, #tpu.memory_space<vmem>>, vector<16xf32>,
        %add3A_1198 = arith.constant 512 : i32
        %add3A_1199 = arith.addi %multiple_of3A, %add3A_1198 : i32
        %add3A_1200 = vector.broadcast %add3A_1199 : i32 to vector<16xi32>
        %add3A_1201 = arith.addi %add3A_1200, %iota3A : vector<16xi32>
        %get3A_1202 = arith.constant 512 : index
        %get3A_1203 = tpu.vector_load %arg8[%get3A_1202] {strides = array<i32>} : memref<528xi32, #tpu.memory_space<vmem>>, vector<16xi32>,
        %get3A_1204 = arith.constant 512 : index
        %get3A_1205 = tpu.vector_load %arg9[%get3A_1204] {strides = array<i32>} : memref<528xf32, #tpu.memory_space<vmem>>, vector<16xf32>,
        %ge3A_1206 = vector.broadcast %add3A_80 : i32 to vector<16xi32>
        %ge3A_1207 = arith.cmpi sge, %add3A_1201, %ge3A_1206 : vector<16xi32>
        %add3A_1208 = arith.constant 512 : i32
        %add3A_1209 = arith.addi %add3A_80, %add3A_1208 : i32
        %lt3A_1210 = vector.broadcast %add3A_1209 : i32 to vector<16xi32>
        %lt3A_1211 = arith.cmpi slt, %add3A_1201, %lt3A_1210 : vector<16xi32>
        %and3A_1212 = arith.andi %ge3A_1207, %lt3A_1211 : vector<16xi1>
        %lt3A_1213 = vector.broadcast %reduce_max3A_37 : i32 to vector<16xi32>
        %lt3A_1214 = arith.cmpi slt, %add3A_1201, %lt3A_1213 : vector<16xi32>
        %and3A_1215 = arith.andi %and3A_1212, %lt3A_1214 : vector<16xi1>
        %sub3A_1216 = vector.broadcast %mul3A_12 : i32 to vector<16xi32>
        %sub3A_1217 = arith.subi %get3A_1203, %sub3A_1216 : vector<16xi32>
        %mul3A_1218 = arith.constant 512 : i32
        %mul3A_1219 = vector.broadcast %mul3A_1218 : i32 to vector<16xi32>
        %mul3A_1220 = arith.muli %mul3A_1219, %broadcast_in_dim3A_0 : vector<16xi32>
        %mul3A_1221 = arith.constant 16 : i32
        %mul3A_1222 = vector.broadcast %mul3A_1221 : i32 to vector<16xi32>
        %mul3A_1223 = arith.muli %iota3A, %mul3A_1222 : vector<16xi32>
        %add3A_1224 = arith.addi %mul3A_1220, %mul3A_1223 : vector<16xi32>
        %select_n3A_1225 = arith.select %and3A_1215, %sub3A_1217, %add3A_1224 : vector<16xi1>, vector<16xi32>
        %swap3A_1226 = arith.constant 512 : index
        %swap3A_1227 = tpu.vector_load %arg10[%swap3A_1226] {strides = array<i32>} : memref<528xi32, #tpu.memory_space<vmem>>, vector<16xi32>,
        tpu.vector_store %arg10[%swap3A_1226], %select_n3A_1225 {strides = array<i32>} : memref<528xi32, #tpu.memory_space<vmem>>, vector<16xi32>,
        %broadcast_in_dim3A_1228 = arith.constant 0.000000e+00 : f32
        %broadcast_in_dim3A_1229 = vector.broadcast %broadcast_in_dim3A_1228 : f32 to vector<16xf32>
        %select_n3A_1230 = arith.select %and3A_1215, %get3A_1205, %broadcast_in_dim3A_1229 : vector<16xi1>, vector<16xf32>
        %swap3A_1231 = arith.constant 512 : index
        %swap3A_1232 = tpu.vector_load %arg11[%swap3A_1231] {strides = array<i32>} : memref<528xf32, #tpu.memory_space<vmem>>, vector<16xf32>,
        tpu.vector_store %arg11[%swap3A_1231], %select_n3A_1230 {strides = array<i32>} : memref<528xf32, #tpu.memory_space<vmem>>, vector<16xf32>,
        %dma_start3A_1233 = arith.constant 0 : i32
        %dma_start3A_1234 = tpu.memref_slice %arg7[%dma_start3A_1233] : memref<1048576xf32, #tpu.memory_space<vmem_shared>> -> memref<1048576xf32, #tpu.memory_space<vmem_shared>>
        tpu.enqueue_indirect_dma source(%arg11 : memref<528xf32, #tpu.memory_space<vmem>>) target(%dma_start3A_1234 : memref<1048576xf32, #tpu.memory_space<vmem_shared>>) offsets(%arg10 : memref<528xi32, #tpu.memory_space<vmem>>) semaphore(%arg14 : memref<!tpu.dma_semaphore, #tpu.memory_space<semaphore_mem>>) {add = true}
        %dma_wait3A_1235 = arith.constant 0 : i32
        %dma_wait3A_1236 = tpu.memref_slice %arg7[%dma_wait3A_1235] : memref<1048576xf32, #tpu.memory_space<vmem_shared>> -> memref<1048576xf32, #tpu.memory_space<vmem_shared>>
        tpu.wait_indirect_dma semaphore(%arg14 : memref<!tpu.dma_semaphore, #tpu.memory_space<semaphore_mem>>) src(%arg11 : memref<528xf32, #tpu.memory_space<vmem>>) dst(%dma_wait3A_1236 : memref<1048576xf32, #tpu.memory_space<vmem_shared>>)
      }
      %while3A_64 = arith.constant 1 : i32
      scf.for %while3A_72 = %while3A_62 to %while3A_58 step %while3A_64  : i32 {
        %mul3A_73 = arith.muli %while3A_72, %while3A : i32
        %add3A_74 = arith.addi %while3A_55, %mul3A_73 : i32
        %mul3A_75 = arith.constant 16 : i32
        %mul3A_76 = arith.muli %add3A_74, %mul3A_75 : i32
        %add3A_77 = arith.addi %arg1, %mul3A_76 : i32
        %mul3A_78 = arith.constant 512 : i32
        %mul3A_79 = arith.muli %add3A_77, %mul3A_78 : i32
        %add3A_80 = arith.addi %reduce_max3A_25, %mul3A_79 : i32
        %rem3A = arith.constant 8 : i32
        %rem3A_81 = arith.remsi %add3A_80, %rem3A : i32
        %sub3A_82 = arith.subi %add3A_80, %rem3A_81 : i32
        %min3A = arith.constant 670560 : i32
        %min3A_83 = arith.minsi %sub3A_82, %min3A : i32
        %multiple_of3A = tpu.assume_multiple %min3A_83, 8 : i32
        "tpu.region"() ({
          %run_scoped3A = tpu.sem_alloc : memref<!tpu.dma_semaphore, #tpu.memory_space<semaphore_mem>>
          %dma_start3A_1237 = tpu.memref_slice %arg3[%multiple_of3A] : memref<671088xi32, #tpu.memory_space<hbm>> -> memref<528xi32, #tpu.memory_space<hbm>>
          %dma_start3A_1238 = tpu.memref_slice %arg3[%multiple_of3A] : memref<671088xi32, #tpu.memory_space<hbm>> -> memref<528xi32, #tpu.memory_space<hbm>>
          tpu.enqueue_dma source(%dma_start3A_1238 : memref<528xi32, #tpu.memory_space<hbm>>) target(%arg8 : memref<528xi32, #tpu.memory_space<vmem>>) target_semaphore(%run_scoped3A : memref<!tpu.dma_semaphore, #tpu.memory_space<semaphore_mem>>)
          %dma_wait3A_1239 = tpu.memref_slice %arg3[%multiple_of3A] : memref<671088xi32, #tpu.memory_space<hbm>> -> memref<528xi32, #tpu.memory_space<hbm>>
          %dma_wait3A_1240 = tpu.memref_slice %arg3[%multiple_of3A] : memref<671088xi32, #tpu.memory_space<hbm>> -> memref<528xi32, #tpu.memory_space<hbm>>
          tpu.wait_dma2 semaphore(%run_scoped3A : memref<!tpu.dma_semaphore, #tpu.memory_space<semaphore_mem>>) src(%dma_wait3A_1240 : memref<528xi32, #tpu.memory_space<hbm>>) dst(%arg8 : memref<528xi32, #tpu.memory_space<vmem>>)
          tpu.yield
        }) : () -> ()
        "tpu.region"() ({
          %run_scoped3A = tpu.sem_alloc : memref<!tpu.dma_semaphore, #tpu.memory_space<semaphore_mem>>
          %dma_start3A_1237 = tpu.memref_slice %arg4[%multiple_of3A] : memref<671088xf32, #tpu.memory_space<hbm>> -> memref<528xf32, #tpu.memory_space<hbm>>
          %dma_start3A_1238 = tpu.memref_slice %arg4[%multiple_of3A] : memref<671088xf32, #tpu.memory_space<hbm>> -> memref<528xf32, #tpu.memory_space<hbm>>
          tpu.enqueue_dma source(%dma_start3A_1238 : memref<528xf32, #tpu.memory_space<hbm>>) target(%arg9 : memref<528xf32, #tpu.memory_space<vmem>>) target_semaphore(%run_scoped3A : memref<!tpu.dma_semaphore, #tpu.memory_space<semaphore_mem>>)
          %dma_wait3A_1239 = tpu.memref_slice %arg4[%multiple_of3A] : memref<671088xf32, #tpu.memory_space<hbm>> -> memref<528xf32, #tpu.memory_space<hbm>>
          %dma_wait3A_1240 = tpu.memref_slice %arg4[%multiple_of3A] : memref<671088xf32, #tpu.memory_space<hbm>> -> memref<528xf32, #tpu.memory_space<hbm>>
          tpu.wait_dma2 semaphore(%run_scoped3A : memref<!tpu.dma_semaphore, #tpu.memory_space<semaphore_mem>>) src(%dma_wait3A_1240 : memref<528xf32, #tpu.memory_space<hbm>>) dst(%arg9 : memref<528xf32, #tpu.memory_space<vmem>>)
          tpu.yield
        }) : () -> ()
        %add3A_84 = arith.constant 0 : i32
        %add3A_85 = arith.addi %multiple_of3A, %add3A_84 : i32
        %add3A_86 = vector.broadcast %add3A_85 : i32 to vector<16xi32>
        %add3A_87 = arith.addi %add3A_86, %iota3A : vector<16xi32>
        %get3A = arith.constant 0 : index
        %get3A_88 = tpu.vector_load %arg8[%get3A] {strides = array<i32>} : memref<528xi32, #tpu.memory_space<vmem>>, vector<16xi32>,
        %get3A_89 = arith.constant 0 : index
        %get3A_90 = tpu.vector_load %arg9[%get3A_89] {strides = array<i32>} : memref<528xf32, #tpu.memory_space<vmem>>, vector<16xf32>,
        %ge3A = vector.broadcast %add3A_80 : i32 to vector<16xi32>
        %ge3A_91 = arith.cmpi sge, %add3A_87, %ge3A : vector<16xi32>
        %add3A_92 = arith.constant 512 : i32
        %add3A_93 = arith.addi %add3A_80, %add3A_92 : i32
        %lt3A = vector.broadcast %add3A_93 : i32 to vector<16xi32>
        %lt3A_94 = arith.cmpi slt, %add3A_87, %lt3A : vector<16xi32>
        %and3A = arith.andi %ge3A_91, %lt3A_94 : vector<16xi1>
        %lt3A_95 = vector.broadcast %reduce_max3A_37 : i32 to vector<16xi32>
        %lt3A_96 = arith.cmpi slt, %add3A_87, %lt3A_95 : vector<16xi32>
        %and3A_97 = arith.andi %and3A, %lt3A_96 : vector<16xi1>
        %sub3A_98 = vector.broadcast %mul3A_12 : i32 to vector<16xi32>
        %sub3A_99 = arith.subi %get3A_88, %sub3A_98 : vector<16xi32>
        %mul3A_100 = arith.constant 0 : i32
        %mul3A_101 = vector.broadcast %mul3A_100 : i32 to vector<16xi32>
        %mul3A_102 = arith.muli %mul3A_101, %broadcast_in_dim3A_0 : vector<16xi32>
        %mul3A_103 = arith.constant 16 : i32
        %mul3A_104 = vector.broadcast %mul3A_103 : i32 to vector<16xi32>
        %mul3A_105 = arith.muli %iota3A, %mul3A_104 : vector<16xi32>
        %add3A_106 = arith.addi %mul3A_102, %mul3A_105 : vector<16xi32>
        %select_n3A = arith.select %and3A_97, %sub3A_99, %add3A_106 : vector<16xi1>, vector<16xi32>
        %swap3A = arith.constant 0 : index
        %swap3A_107 = tpu.vector_load %arg10[%swap3A] {strides = array<i32>} : memref<528xi32, #tpu.memory_space<vmem>>, vector<16xi32>,
        tpu.vector_store %arg10[%swap3A], %select_n3A {strides = array<i32>} : memref<528xi32, #tpu.memory_space<vmem>>, vector<16xi32>,
        %broadcast_in_dim3A_108 = arith.constant 0.000000e+00 : f32
        %broadcast_in_dim3A_109 = vector.broadcast %broadcast_in_dim3A_108 : f32 to vector<16xf32>
        %select_n3A_110 = arith.select %and3A_97, %get3A_90, %broadcast_in_dim3A_109 : vector<16xi1>, vector<16xf32>
        %swap3A_111 = arith.constant 0 : index
        %swap3A_112 = tpu.vector_load %arg11[%swap3A_111] {strides = array<i32>} : memref<528xf32, #tpu.memory_space<vmem>>, vector<16xf32>,
        tpu.vector_store %arg11[%swap3A_111], %select_n3A_110 {strides = array<i32>} : memref<528xf32, #tpu.memory_space<vmem>>, vector<16xf32>,
        %add3A_113 = arith.constant 16 : i32
        %add3A_114 = arith.addi %multiple_of3A, %add3A_113 : i32
        %add3A_115 = vector.broadcast %add3A_114 : i32 to vector<16xi32>
        %add3A_116 = arith.addi %add3A_115, %iota3A : vector<16xi32>
        %get3A_117 = arith.constant 16 : index
        %get3A_118 = tpu.vector_load %arg8[%get3A_117] {strides = array<i32>} : memref<528xi32, #tpu.memory_space<vmem>>, vector<16xi32>,
        %get3A_119 = arith.constant 16 : index
        %get3A_120 = tpu.vector_load %arg9[%get3A_119] {strides = array<i32>} : memref<528xf32, #tpu.memory_space<vmem>>, vector<16xf32>,
        %ge3A_121 = vector.broadcast %add3A_80 : i32 to vector<16xi32>
        %ge3A_122 = arith.cmpi sge, %add3A_116, %ge3A_121 : vector<16xi32>
        %add3A_123 = arith.constant 512 : i32
        %add3A_124 = arith.addi %add3A_80, %add3A_123 : i32
        %lt3A_125 = vector.broadcast %add3A_124 : i32 to vector<16xi32>
        %lt3A_126 = arith.cmpi slt, %add3A_116, %lt3A_125 : vector<16xi32>
        %and3A_127 = arith.andi %ge3A_122, %lt3A_126 : vector<16xi1>
        %lt3A_128 = vector.broadcast %reduce_max3A_37 : i32 to vector<16xi32>
        %lt3A_129 = arith.cmpi slt, %add3A_116, %lt3A_128 : vector<16xi32>
        %and3A_130 = arith.andi %and3A_127, %lt3A_129 : vector<16xi1>
        %sub3A_131 = vector.broadcast %mul3A_12 : i32 to vector<16xi32>
        %sub3A_132 = arith.subi %get3A_118, %sub3A_131 : vector<16xi32>
        %mul3A_133 = arith.constant 16 : i32
        %mul3A_134 = vector.broadcast %mul3A_133 : i32 to vector<16xi32>
        %mul3A_135 = arith.muli %mul3A_134, %broadcast_in_dim3A_0 : vector<16xi32>
        %mul3A_136 = arith.constant 16 : i32
        %mul3A_137 = vector.broadcast %mul3A_136 : i32 to vector<16xi32>
        %mul3A_138 = arith.muli %iota3A, %mul3A_137 : vector<16xi32>
        %add3A_139 = arith.addi %mul3A_135, %mul3A_138 : vector<16xi32>
        %select_n3A_140 = arith.select %and3A_130, %sub3A_132, %add3A_139 : vector<16xi1>, vector<16xi32>
        %swap3A_141 = arith.constant 16 : index
        %swap3A_142 = tpu.vector_load %arg10[%swap3A_141] {strides = array<i32>} : memref<528xi32, #tpu.memory_space<vmem>>, vector<16xi32>,
        tpu.vector_store %arg10[%swap3A_141], %select_n3A_140 {strides = array<i32>} : memref<528xi32, #tpu.memory_space<vmem>>, vector<16xi32>,
        %broadcast_in_dim3A_143 = arith.constant 0.000000e+00 : f32
        %broadcast_in_dim3A_144 = vector.broadcast %broadcast_in_dim3A_143 : f32 to vector<16xf32>
        %select_n3A_145 = arith.select %and3A_130, %get3A_120, %broadcast_in_dim3A_144 : vector<16xi1>, vector<16xf32>
        %swap3A_146 = arith.constant 16 : index
        %swap3A_147 = tpu.vector_load %arg11[%swap3A_146] {strides = array<i32>} : memref<528xf32, #tpu.memory_space<vmem>>, vector<16xf32>,
        tpu.vector_store %arg11[%swap3A_146], %select_n3A_145 {strides = array<i32>} : memref<528xf32, #tpu.memory_space<vmem>>, vector<16xf32>,
        %add3A_148 = arith.constant 32 : i32
        %add3A_149 = arith.addi %multiple_of3A, %add3A_148 : i32
        %add3A_150 = vector.broadcast %add3A_149 : i32 to vector<16xi32>
        %add3A_151 = arith.addi %add3A_150, %iota3A : vector<16xi32>
        %get3A_152 = arith.constant 32 : index
        %get3A_153 = tpu.vector_load %arg8[%get3A_152] {strides = array<i32>} : memref<528xi32, #tpu.memory_space<vmem>>, vector<16xi32>,
        %get3A_154 = arith.constant 32 : index
        %get3A_155 = tpu.vector_load %arg9[%get3A_154] {strides = array<i32>} : memref<528xf32, #tpu.memory_space<vmem>>, vector<16xf32>,
        %ge3A_156 = vector.broadcast %add3A_80 : i32 to vector<16xi32>
        %ge3A_157 = arith.cmpi sge, %add3A_151, %ge3A_156 : vector<16xi32>
        %add3A_158 = arith.constant 512 : i32
        %add3A_159 = arith.addi %add3A_80, %add3A_158 : i32
        %lt3A_160 = vector.broadcast %add3A_159 : i32 to vector<16xi32>
        %lt3A_161 = arith.cmpi slt, %add3A_151, %lt3A_160 : vector<16xi32>
        %and3A_162 = arith.andi %ge3A_157, %lt3A_161 : vector<16xi1>
        %lt3A_163 = vector.broadcast %reduce_max3A_37 : i32 to vector<16xi32>
        %lt3A_164 = arith.cmpi slt, %add3A_151, %lt3A_163 : vector<16xi32>
        %and3A_165 = arith.andi %and3A_162, %lt3A_164 : vector<16xi1>
        %sub3A_166 = vector.broadcast %mul3A_12 : i32 to vector<16xi32>
        %sub3A_167 = arith.subi %get3A_153, %sub3A_166 : vector<16xi32>
        %mul3A_168 = arith.constant 32 : i32
        %mul3A_169 = vector.broadcast %mul3A_168 : i32 to vector<16xi32>
        %mul3A_170 = arith.muli %mul3A_169, %broadcast_in_dim3A_0 : vector<16xi32>
        %mul3A_171 = arith.constant 16 : i32
        %mul3A_172 = vector.broadcast %mul3A_171 : i32 to vector<16xi32>
        %mul3A_173 = arith.muli %iota3A, %mul3A_172 : vector<16xi32>
        %add3A_174 = arith.addi %mul3A_170, %mul3A_173 : vector<16xi32>
        %select_n3A_175 = arith.select %and3A_165, %sub3A_167, %add3A_174 : vector<16xi1>, vector<16xi32>
        %swap3A_176 = arith.constant 32 : index
        %swap3A_177 = tpu.vector_load %arg10[%swap3A_176] {strides = array<i32>} : memref<528xi32, #tpu.memory_space<vmem>>, vector<16xi32>,
        tpu.vector_store %arg10[%swap3A_176], %select_n3A_175 {strides = array<i32>} : memref<528xi32, #tpu.memory_space<vmem>>, vector<16xi32>,
        %broadcast_in_dim3A_178 = arith.constant 0.000000e+00 : f32
        %broadcast_in_dim3A_179 = vector.broadcast %broadcast_in_dim3A_178 : f32 to vector<16xf32>
        %select_n3A_180 = arith.select %and3A_165, %get3A_155, %broadcast_in_dim3A_179 : vector<16xi1>, vector<16xf32>
        %swap3A_181 = arith.constant 32 : index
        %swap3A_182 = tpu.vector_load %arg11[%swap3A_181] {strides = array<i32>} : memref<528xf32, #tpu.memory_space<vmem>>, vector<16xf32>,
        tpu.vector_store %arg11[%swap3A_181], %select_n3A_180 {strides = array<i32>} : memref<528xf32, #tpu.memory_space<vmem>>, vector<16xf32>,
        %add3A_183 = arith.constant 48 : i32
        %add3A_184 = arith.addi %multiple_of3A, %add3A_183 : i32
        %add3A_185 = vector.broadcast %add3A_184 : i32 to vector<16xi32>
        %add3A_186 = arith.addi %add3A_185, %iota3A : vector<16xi32>
        %get3A_187 = arith.constant 48 : index
        %get3A_188 = tpu.vector_load %arg8[%get3A_187] {strides = array<i32>} : memref<528xi32, #tpu.memory_space<vmem>>, vector<16xi32>,
        %get3A_189 = arith.constant 48 : index
        %get3A_190 = tpu.vector_load %arg9[%get3A_189] {strides = array<i32>} : memref<528xf32, #tpu.memory_space<vmem>>, vector<16xf32>,
        %ge3A_191 = vector.broadcast %add3A_80 : i32 to vector<16xi32>
        %ge3A_192 = arith.cmpi sge, %add3A_186, %ge3A_191 : vector<16xi32>
        %add3A_193 = arith.constant 512 : i32
        %add3A_194 = arith.addi %add3A_80, %add3A_193 : i32
        %lt3A_195 = vector.broadcast %add3A_194 : i32 to vector<16xi32>
        %lt3A_196 = arith.cmpi slt, %add3A_186, %lt3A_195 : vector<16xi32>
        %and3A_197 = arith.andi %ge3A_192, %lt3A_196 : vector<16xi1>
        %lt3A_198 = vector.broadcast %reduce_max3A_37 : i32 to vector<16xi32>
        %lt3A_199 = arith.cmpi slt, %add3A_186, %lt3A_198 : vector<16xi32>
        %and3A_200 = arith.andi %and3A_197, %lt3A_199 : vector<16xi1>
        %sub3A_201 = vector.broadcast %mul3A_12 : i32 to vector<16xi32>
        %sub3A_202 = arith.subi %get3A_188, %sub3A_201 : vector<16xi32>
        %mul3A_203 = arith.constant 48 : i32
        %mul3A_204 = vector.broadcast %mul3A_203 : i32 to vector<16xi32>
        %mul3A_205 = arith.muli %mul3A_204, %broadcast_in_dim3A_0 : vector<16xi32>
        %mul3A_206 = arith.constant 16 : i32
        %mul3A_207 = vector.broadcast %mul3A_206 : i32 to vector<16xi32>
        %mul3A_208 = arith.muli %iota3A, %mul3A_207 : vector<16xi32>
        %add3A_209 = arith.addi %mul3A_205, %mul3A_208 : vector<16xi32>
        %select_n3A_210 = arith.select %and3A_200, %sub3A_202, %add3A_209 : vector<16xi1>, vector<16xi32>
        %swap3A_211 = arith.constant 48 : index
        %swap3A_212 = tpu.vector_load %arg10[%swap3A_211] {strides = array<i32>} : memref<528xi32, #tpu.memory_space<vmem>>, vector<16xi32>,
        tpu.vector_store %arg10[%swap3A_211], %select_n3A_210 {strides = array<i32>} : memref<528xi32, #tpu.memory_space<vmem>>, vector<16xi32>,
        %broadcast_in_dim3A_213 = arith.constant 0.000000e+00 : f32
        %broadcast_in_dim3A_214 = vector.broadcast %broadcast_in_dim3A_213 : f32 to vector<16xf32>
        %select_n3A_215 = arith.select %and3A_200, %get3A_190, %broadcast_in_dim3A_214 : vector<16xi1>, vector<16xf32>
        %swap3A_216 = arith.constant 48 : index
        %swap3A_217 = tpu.vector_load %arg11[%swap3A_216] {strides = array<i32>} : memref<528xf32, #tpu.memory_space<vmem>>, vector<16xf32>,
        tpu.vector_store %arg11[%swap3A_216], %select_n3A_215 {strides = array<i32>} : memref<528xf32, #tpu.memory_space<vmem>>, vector<16xf32>,
        %add3A_218 = arith.constant 64 : i32
        %add3A_219 = arith.addi %multiple_of3A, %add3A_218 : i32
        %add3A_220 = vector.broadcast %add3A_219 : i32 to vector<16xi32>
        %add3A_221 = arith.addi %add3A_220, %iota3A : vector<16xi32>
        %get3A_222 = arith.constant 64 : index
        %get3A_223 = tpu.vector_load %arg8[%get3A_222] {strides = array<i32>} : memref<528xi32, #tpu.memory_space<vmem>>, vector<16xi32>,
        %get3A_224 = arith.constant 64 : index
        %get3A_225 = tpu.vector_load %arg9[%get3A_224] {strides = array<i32>} : memref<528xf32, #tpu.memory_space<vmem>>, vector<16xf32>,
        %ge3A_226 = vector.broadcast %add3A_80 : i32 to vector<16xi32>
        %ge3A_227 = arith.cmpi sge, %add3A_221, %ge3A_226 : vector<16xi32>
        %add3A_228 = arith.constant 512 : i32
        %add3A_229 = arith.addi %add3A_80, %add3A_228 : i32
        %lt3A_230 = vector.broadcast %add3A_229 : i32 to vector<16xi32>
        %lt3A_231 = arith.cmpi slt, %add3A_221, %lt3A_230 : vector<16xi32>
        %and3A_232 = arith.andi %ge3A_227, %lt3A_231 : vector<16xi1>
        %lt3A_233 = vector.broadcast %reduce_max3A_37 : i32 to vector<16xi32>
        %lt3A_234 = arith.cmpi slt, %add3A_221, %lt3A_233 : vector<16xi32>
        %and3A_235 = arith.andi %and3A_232, %lt3A_234 : vector<16xi1>
        %sub3A_236 = vector.broadcast %mul3A_12 : i32 to vector<16xi32>
        %sub3A_237 = arith.subi %get3A_223, %sub3A_236 : vector<16xi32>
        %mul3A_238 = arith.constant 64 : i32
        %mul3A_239 = vector.broadcast %mul3A_238 : i32 to vector<16xi32>
        %mul3A_240 = arith.muli %mul3A_239, %broadcast_in_dim3A_0 : vector<16xi32>
        %mul3A_241 = arith.constant 16 : i32
        %mul3A_242 = vector.broadcast %mul3A_241 : i32 to vector<16xi32>
        %mul3A_243 = arith.muli %iota3A, %mul3A_242 : vector<16xi32>
        %add3A_244 = arith.addi %mul3A_240, %mul3A_243 : vector<16xi32>
        %select_n3A_245 = arith.select %and3A_235, %sub3A_237, %add3A_244 : vector<16xi1>, vector<16xi32>
        %swap3A_246 = arith.constant 64 : index
        %swap3A_247 = tpu.vector_load %arg10[%swap3A_246] {strides = array<i32>} : memref<528xi32, #tpu.memory_space<vmem>>, vector<16xi32>,
        tpu.vector_store %arg10[%swap3A_246], %select_n3A_245 {strides = array<i32>} : memref<528xi32, #tpu.memory_space<vmem>>, vector<16xi32>,
        %broadcast_in_dim3A_248 = arith.constant 0.000000e+00 : f32
        %broadcast_in_dim3A_249 = vector.broadcast %broadcast_in_dim3A_248 : f32 to vector<16xf32>
        %select_n3A_250 = arith.select %and3A_235, %get3A_225, %broadcast_in_dim3A_249 : vector<16xi1>, vector<16xf32>
        %swap3A_251 = arith.constant 64 : index
        %swap3A_252 = tpu.vector_load %arg11[%swap3A_251] {strides = array<i32>} : memref<528xf32, #tpu.memory_space<vmem>>, vector<16xf32>,
        tpu.vector_store %arg11[%swap3A_251], %select_n3A_250 {strides = array<i32>} : memref<528xf32, #tpu.memory_space<vmem>>, vector<16xf32>,
        %add3A_253 = arith.constant 80 : i32
        %add3A_254 = arith.addi %multiple_of3A, %add3A_253 : i32
        %add3A_255 = vector.broadcast %add3A_254 : i32 to vector<16xi32>
        %add3A_256 = arith.addi %add3A_255, %iota3A : vector<16xi32>
        %get3A_257 = arith.constant 80 : index
        %get3A_258 = tpu.vector_load %arg8[%get3A_257] {strides = array<i32>} : memref<528xi32, #tpu.memory_space<vmem>>, vector<16xi32>,
        %get3A_259 = arith.constant 80 : index
        %get3A_260 = tpu.vector_load %arg9[%get3A_259] {strides = array<i32>} : memref<528xf32, #tpu.memory_space<vmem>>, vector<16xf32>,
        %ge3A_261 = vector.broadcast %add3A_80 : i32 to vector<16xi32>
        %ge3A_262 = arith.cmpi sge, %add3A_256, %ge3A_261 : vector<16xi32>
        %add3A_263 = arith.constant 512 : i32
        %add3A_264 = arith.addi %add3A_80, %add3A_263 : i32
        %lt3A_265 = vector.broadcast %add3A_264 : i32 to vector<16xi32>
        %lt3A_266 = arith.cmpi slt, %add3A_256, %lt3A_265 : vector<16xi32>
        %and3A_267 = arith.andi %ge3A_262, %lt3A_266 : vector<16xi1>
        %lt3A_268 = vector.broadcast %reduce_max3A_37 : i32 to vector<16xi32>
        %lt3A_269 = arith.cmpi slt, %add3A_256, %lt3A_268 : vector<16xi32>
        %and3A_270 = arith.andi %and3A_267, %lt3A_269 : vector<16xi1>
        %sub3A_271 = vector.broadcast %mul3A_12 : i32 to vector<16xi32>
        %sub3A_272 = arith.subi %get3A_258, %sub3A_271 : vector<16xi32>
        %mul3A_273 = arith.constant 80 : i32
        %mul3A_274 = vector.broadcast %mul3A_273 : i32 to vector<16xi32>
        %mul3A_275 = arith.muli %mul3A_274, %broadcast_in_dim3A_0 : vector<16xi32>
        %mul3A_276 = arith.constant 16 : i32
        %mul3A_277 = vector.broadcast %mul3A_276 : i32 to vector<16xi32>
        %mul3A_278 = arith.muli %iota3A, %mul3A_277 : vector<16xi32>
        %add3A_279 = arith.addi %mul3A_275, %mul3A_278 : vector<16xi32>
        %select_n3A_280 = arith.select %and3A_270, %sub3A_272, %add3A_279 : vector<16xi1>, vector<16xi32>
        %swap3A_281 = arith.constant 80 : index
        %swap3A_282 = tpu.vector_load %arg10[%swap3A_281] {strides = array<i32>} : memref<528xi32, #tpu.memory_space<vmem>>, vector<16xi32>,
        tpu.vector_store %arg10[%swap3A_281], %select_n3A_280 {strides = array<i32>} : memref<528xi32, #tpu.memory_space<vmem>>, vector<16xi32>,
        %broadcast_in_dim3A_283 = arith.constant 0.000000e+00 : f32
        %broadcast_in_dim3A_284 = vector.broadcast %broadcast_in_dim3A_283 : f32 to vector<16xf32>
        %select_n3A_285 = arith.select %and3A_270, %get3A_260, %broadcast_in_dim3A_284 : vector<16xi1>, vector<16xf32>
        %swap3A_286 = arith.constant 80 : index
        %swap3A_287 = tpu.vector_load %arg11[%swap3A_286] {strides = array<i32>} : memref<528xf32, #tpu.memory_space<vmem>>, vector<16xf32>,
        tpu.vector_store %arg11[%swap3A_286], %select_n3A_285 {strides = array<i32>} : memref<528xf32, #tpu.memory_space<vmem>>, vector<16xf32>,
        %add3A_288 = arith.constant 96 : i32
        %add3A_289 = arith.addi %multiple_of3A, %add3A_288 : i32
        %add3A_290 = vector.broadcast %add3A_289 : i32 to vector<16xi32>
        %add3A_291 = arith.addi %add3A_290, %iota3A : vector<16xi32>
        %get3A_292 = arith.constant 96 : index
        %get3A_293 = tpu.vector_load %arg8[%get3A_292] {strides = array<i32>} : memref<528xi32, #tpu.memory_space<vmem>>, vector<16xi32>,
        %get3A_294 = arith.constant 96 : index
        %get3A_295 = tpu.vector_load %arg9[%get3A_294] {strides = array<i32>} : memref<528xf32, #tpu.memory_space<vmem>>, vector<16xf32>,
        %ge3A_296 = vector.broadcast %add3A_80 : i32 to vector<16xi32>
        %ge3A_297 = arith.cmpi sge, %add3A_291, %ge3A_296 : vector<16xi32>
        %add3A_298 = arith.constant 512 : i32
        %add3A_299 = arith.addi %add3A_80, %add3A_298 : i32
        %lt3A_300 = vector.broadcast %add3A_299 : i32 to vector<16xi32>
        %lt3A_301 = arith.cmpi slt, %add3A_291, %lt3A_300 : vector<16xi32>
        %and3A_302 = arith.andi %ge3A_297, %lt3A_301 : vector<16xi1>
        %lt3A_303 = vector.broadcast %reduce_max3A_37 : i32 to vector<16xi32>
        %lt3A_304 = arith.cmpi slt, %add3A_291, %lt3A_303 : vector<16xi32>
        %and3A_305 = arith.andi %and3A_302, %lt3A_304 : vector<16xi1>
        %sub3A_306 = vector.broadcast %mul3A_12 : i32 to vector<16xi32>
        %sub3A_307 = arith.subi %get3A_293, %sub3A_306 : vector<16xi32>
        %mul3A_308 = arith.constant 96 : i32
        %mul3A_309 = vector.broadcast %mul3A_308 : i32 to vector<16xi32>
        %mul3A_310 = arith.muli %mul3A_309, %broadcast_in_dim3A_0 : vector<16xi32>
        %mul3A_311 = arith.constant 16 : i32
        %mul3A_312 = vector.broadcast %mul3A_311 : i32 to vector<16xi32>
        %mul3A_313 = arith.muli %iota3A, %mul3A_312 : vector<16xi32>
        %add3A_314 = arith.addi %mul3A_310, %mul3A_313 : vector<16xi32>
        %select_n3A_315 = arith.select %and3A_305, %sub3A_307, %add3A_314 : vector<16xi1>, vector<16xi32>
        %swap3A_316 = arith.constant 96 : index
        %swap3A_317 = tpu.vector_load %arg10[%swap3A_316] {strides = array<i32>} : memref<528xi32, #tpu.memory_space<vmem>>, vector<16xi32>,
        tpu.vector_store %arg10[%swap3A_316], %select_n3A_315 {strides = array<i32>} : memref<528xi32, #tpu.memory_space<vmem>>, vector<16xi32>,
        %broadcast_in_dim3A_318 = arith.constant 0.000000e+00 : f32
        %broadcast_in_dim3A_319 = vector.broadcast %broadcast_in_dim3A_318 : f32 to vector<16xf32>
        %select_n3A_320 = arith.select %and3A_305, %get3A_295, %broadcast_in_dim3A_319 : vector<16xi1>, vector<16xf32>
        %swap3A_321 = arith.constant 96 : index
        %swap3A_322 = tpu.vector_load %arg11[%swap3A_321] {strides = array<i32>} : memref<528xf32, #tpu.memory_space<vmem>>, vector<16xf32>,
        tpu.vector_store %arg11[%swap3A_321], %select_n3A_320 {strides = array<i32>} : memref<528xf32, #tpu.memory_space<vmem>>, vector<16xf32>,
        %add3A_323 = arith.constant 112 : i32
        %add3A_324 = arith.addi %multiple_of3A, %add3A_323 : i32
        %add3A_325 = vector.broadcast %add3A_324 : i32 to vector<16xi32>
        %add3A_326 = arith.addi %add3A_325, %iota3A : vector<16xi32>
        %get3A_327 = arith.constant 112 : index
        %get3A_328 = tpu.vector_load %arg8[%get3A_327] {strides = array<i32>} : memref<528xi32, #tpu.memory_space<vmem>>, vector<16xi32>,
        %get3A_329 = arith.constant 112 : index
        %get3A_330 = tpu.vector_load %arg9[%get3A_329] {strides = array<i32>} : memref<528xf32, #tpu.memory_space<vmem>>, vector<16xf32>,
        %ge3A_331 = vector.broadcast %add3A_80 : i32 to vector<16xi32>
        %ge3A_332 = arith.cmpi sge, %add3A_326, %ge3A_331 : vector<16xi32>
        %add3A_333 = arith.constant 512 : i32
        %add3A_334 = arith.addi %add3A_80, %add3A_333 : i32
        %lt3A_335 = vector.broadcast %add3A_334 : i32 to vector<16xi32>
        %lt3A_336 = arith.cmpi slt, %add3A_326, %lt3A_335 : vector<16xi32>
        %and3A_337 = arith.andi %ge3A_332, %lt3A_336 : vector<16xi1>
        %lt3A_338 = vector.broadcast %reduce_max3A_37 : i32 to vector<16xi32>
        %lt3A_339 = arith.cmpi slt, %add3A_326, %lt3A_338 : vector<16xi32>
        %and3A_340 = arith.andi %and3A_337, %lt3A_339 : vector<16xi1>
        %sub3A_341 = vector.broadcast %mul3A_12 : i32 to vector<16xi32>
        %sub3A_342 = arith.subi %get3A_328, %sub3A_341 : vector<16xi32>
        %mul3A_343 = arith.constant 112 : i32
        %mul3A_344 = vector.broadcast %mul3A_343 : i32 to vector<16xi32>
        %mul3A_345 = arith.muli %mul3A_344, %broadcast_in_dim3A_0 : vector<16xi32>
        %mul3A_346 = arith.constant 16 : i32
        %mul3A_347 = vector.broadcast %mul3A_346 : i32 to vector<16xi32>
        %mul3A_348 = arith.muli %iota3A, %mul3A_347 : vector<16xi32>
        %add3A_349 = arith.addi %mul3A_345, %mul3A_348 : vector<16xi32>
        %select_n3A_350 = arith.select %and3A_340, %sub3A_342, %add3A_349 : vector<16xi1>, vector<16xi32>
        %swap3A_351 = arith.constant 112 : index
        %swap3A_352 = tpu.vector_load %arg10[%swap3A_351] {strides = array<i32>} : memref<528xi32, #tpu.memory_space<vmem>>, vector<16xi32>,
        tpu.vector_store %arg10[%swap3A_351], %select_n3A_350 {strides = array<i32>} : memref<528xi32, #tpu.memory_space<vmem>>, vector<16xi32>,
        %broadcast_in_dim3A_353 = arith.constant 0.000000e+00 : f32
        %broadcast_in_dim3A_354 = vector.broadcast %broadcast_in_dim3A_353 : f32 to vector<16xf32>
        %select_n3A_355 = arith.select %and3A_340, %get3A_330, %broadcast_in_dim3A_354 : vector<16xi1>, vector<16xf32>
        %swap3A_356 = arith.constant 112 : index
        %swap3A_357 = tpu.vector_load %arg11[%swap3A_356] {strides = array<i32>} : memref<528xf32, #tpu.memory_space<vmem>>, vector<16xf32>,
        tpu.vector_store %arg11[%swap3A_356], %select_n3A_355 {strides = array<i32>} : memref<528xf32, #tpu.memory_space<vmem>>, vector<16xf32>,
        %add3A_358 = arith.constant 128 : i32
        %add3A_359 = arith.addi %multiple_of3A, %add3A_358 : i32
        %add3A_360 = vector.broadcast %add3A_359 : i32 to vector<16xi32>
        %add3A_361 = arith.addi %add3A_360, %iota3A : vector<16xi32>
        %get3A_362 = arith.constant 128 : index
        %get3A_363 = tpu.vector_load %arg8[%get3A_362] {strides = array<i32>} : memref<528xi32, #tpu.memory_space<vmem>>, vector<16xi32>,
        %get3A_364 = arith.constant 128 : index
        %get3A_365 = tpu.vector_load %arg9[%get3A_364] {strides = array<i32>} : memref<528xf32, #tpu.memory_space<vmem>>, vector<16xf32>,
        %ge3A_366 = vector.broadcast %add3A_80 : i32 to vector<16xi32>
        %ge3A_367 = arith.cmpi sge, %add3A_361, %ge3A_366 : vector<16xi32>
        %add3A_368 = arith.constant 512 : i32
        %add3A_369 = arith.addi %add3A_80, %add3A_368 : i32
        %lt3A_370 = vector.broadcast %add3A_369 : i32 to vector<16xi32>
        %lt3A_371 = arith.cmpi slt, %add3A_361, %lt3A_370 : vector<16xi32>
        %and3A_372 = arith.andi %ge3A_367, %lt3A_371 : vector<16xi1>
        %lt3A_373 = vector.broadcast %reduce_max3A_37 : i32 to vector<16xi32>
        %lt3A_374 = arith.cmpi slt, %add3A_361, %lt3A_373 : vector<16xi32>
        %and3A_375 = arith.andi %and3A_372, %lt3A_374 : vector<16xi1>
        %sub3A_376 = vector.broadcast %mul3A_12 : i32 to vector<16xi32>
        %sub3A_377 = arith.subi %get3A_363, %sub3A_376 : vector<16xi32>
        %mul3A_378 = arith.constant 128 : i32
        %mul3A_379 = vector.broadcast %mul3A_378 : i32 to vector<16xi32>
        %mul3A_380 = arith.muli %mul3A_379, %broadcast_in_dim3A_0 : vector<16xi32>
        %mul3A_381 = arith.constant 16 : i32
        %mul3A_382 = vector.broadcast %mul3A_381 : i32 to vector<16xi32>
        %mul3A_383 = arith.muli %iota3A, %mul3A_382 : vector<16xi32>
        %add3A_384 = arith.addi %mul3A_380, %mul3A_383 : vector<16xi32>
        %select_n3A_385 = arith.select %and3A_375, %sub3A_377, %add3A_384 : vector<16xi1>, vector<16xi32>
        %swap3A_386 = arith.constant 128 : index
        %swap3A_387 = tpu.vector_load %arg10[%swap3A_386] {strides = array<i32>} : memref<528xi32, #tpu.memory_space<vmem>>, vector<16xi32>,
        tpu.vector_store %arg10[%swap3A_386], %select_n3A_385 {strides = array<i32>} : memref<528xi32, #tpu.memory_space<vmem>>, vector<16xi32>,
        %broadcast_in_dim3A_388 = arith.constant 0.000000e+00 : f32
        %broadcast_in_dim3A_389 = vector.broadcast %broadcast_in_dim3A_388 : f32 to vector<16xf32>
        %select_n3A_390 = arith.select %and3A_375, %get3A_365, %broadcast_in_dim3A_389 : vector<16xi1>, vector<16xf32>
        %swap3A_391 = arith.constant 128 : index
        %swap3A_392 = tpu.vector_load %arg11[%swap3A_391] {strides = array<i32>} : memref<528xf32, #tpu.memory_space<vmem>>, vector<16xf32>,
        tpu.vector_store %arg11[%swap3A_391], %select_n3A_390 {strides = array<i32>} : memref<528xf32, #tpu.memory_space<vmem>>, vector<16xf32>,
        %add3A_393 = arith.constant 144 : i32
        %add3A_394 = arith.addi %multiple_of3A, %add3A_393 : i32
        %add3A_395 = vector.broadcast %add3A_394 : i32 to vector<16xi32>
        %add3A_396 = arith.addi %add3A_395, %iota3A : vector<16xi32>
        %get3A_397 = arith.constant 144 : index
        %get3A_398 = tpu.vector_load %arg8[%get3A_397] {strides = array<i32>} : memref<528xi32, #tpu.memory_space<vmem>>, vector<16xi32>,
        %get3A_399 = arith.constant 144 : index
        %get3A_400 = tpu.vector_load %arg9[%get3A_399] {strides = array<i32>} : memref<528xf32, #tpu.memory_space<vmem>>, vector<16xf32>,
        %ge3A_401 = vector.broadcast %add3A_80 : i32 to vector<16xi32>
        %ge3A_402 = arith.cmpi sge, %add3A_396, %ge3A_401 : vector<16xi32>
        %add3A_403 = arith.constant 512 : i32
        %add3A_404 = arith.addi %add3A_80, %add3A_403 : i32
        %lt3A_405 = vector.broadcast %add3A_404 : i32 to vector<16xi32>
        %lt3A_406 = arith.cmpi slt, %add3A_396, %lt3A_405 : vector<16xi32>
        %and3A_407 = arith.andi %ge3A_402, %lt3A_406 : vector<16xi1>
        %lt3A_408 = vector.broadcast %reduce_max3A_37 : i32 to vector<16xi32>
        %lt3A_409 = arith.cmpi slt, %add3A_396, %lt3A_408 : vector<16xi32>
        %and3A_410 = arith.andi %and3A_407, %lt3A_409 : vector<16xi1>
        %sub3A_411 = vector.broadcast %mul3A_12 : i32 to vector<16xi32>
        %sub3A_412 = arith.subi %get3A_398, %sub3A_411 : vector<16xi32>
        %mul3A_413 = arith.constant 144 : i32
        %mul3A_414 = vector.broadcast %mul3A_413 : i32 to vector<16xi32>
        %mul3A_415 = arith.muli %mul3A_414, %broadcast_in_dim3A_0 : vector<16xi32>
        %mul3A_416 = arith.constant 16 : i32
        %mul3A_417 = vector.broadcast %mul3A_416 : i32 to vector<16xi32>
        %mul3A_418 = arith.muli %iota3A, %mul3A_417 : vector<16xi32>
        %add3A_419 = arith.addi %mul3A_415, %mul3A_418 : vector<16xi32>
        %select_n3A_420 = arith.select %and3A_410, %sub3A_412, %add3A_419 : vector<16xi1>, vector<16xi32>
        %swap3A_421 = arith.constant 144 : index
        %swap3A_422 = tpu.vector_load %arg10[%swap3A_421] {strides = array<i32>} : memref<528xi32, #tpu.memory_space<vmem>>, vector<16xi32>,
        tpu.vector_store %arg10[%swap3A_421], %select_n3A_420 {strides = array<i32>} : memref<528xi32, #tpu.memory_space<vmem>>, vector<16xi32>,
        %broadcast_in_dim3A_423 = arith.constant 0.000000e+00 : f32
        %broadcast_in_dim3A_424 = vector.broadcast %broadcast_in_dim3A_423 : f32 to vector<16xf32>
        %select_n3A_425 = arith.select %and3A_410, %get3A_400, %broadcast_in_dim3A_424 : vector<16xi1>, vector<16xf32>
        %swap3A_426 = arith.constant 144 : index
        %swap3A_427 = tpu.vector_load %arg11[%swap3A_426] {strides = array<i32>} : memref<528xf32, #tpu.memory_space<vmem>>, vector<16xf32>,
        tpu.vector_store %arg11[%swap3A_426], %select_n3A_425 {strides = array<i32>} : memref<528xf32, #tpu.memory_space<vmem>>, vector<16xf32>,
        %add3A_428 = arith.constant 160 : i32
        %add3A_429 = arith.addi %multiple_of3A, %add3A_428 : i32
        %add3A_430 = vector.broadcast %add3A_429 : i32 to vector<16xi32>
        %add3A_431 = arith.addi %add3A_430, %iota3A : vector<16xi32>
        %get3A_432 = arith.constant 160 : index
        %get3A_433 = tpu.vector_load %arg8[%get3A_432] {strides = array<i32>} : memref<528xi32, #tpu.memory_space<vmem>>, vector<16xi32>,
        %get3A_434 = arith.constant 160 : index
        %get3A_435 = tpu.vector_load %arg9[%get3A_434] {strides = array<i32>} : memref<528xf32, #tpu.memory_space<vmem>>, vector<16xf32>,
        %ge3A_436 = vector.broadcast %add3A_80 : i32 to vector<16xi32>
        %ge3A_437 = arith.cmpi sge, %add3A_431, %ge3A_436 : vector<16xi32>
        %add3A_438 = arith.constant 512 : i32
        %add3A_439 = arith.addi %add3A_80, %add3A_438 : i32
        %lt3A_440 = vector.broadcast %add3A_439 : i32 to vector<16xi32>
        %lt3A_441 = arith.cmpi slt, %add3A_431, %lt3A_440 : vector<16xi32>
        %and3A_442 = arith.andi %ge3A_437, %lt3A_441 : vector<16xi1>
        %lt3A_443 = vector.broadcast %reduce_max3A_37 : i32 to vector<16xi32>
        %lt3A_444 = arith.cmpi slt, %add3A_431, %lt3A_443 : vector<16xi32>
        %and3A_445 = arith.andi %and3A_442, %lt3A_444 : vector<16xi1>
        %sub3A_446 = vector.broadcast %mul3A_12 : i32 to vector<16xi32>
        %sub3A_447 = arith.subi %get3A_433, %sub3A_446 : vector<16xi32>
        %mul3A_448 = arith.constant 160 : i32
        %mul3A_449 = vector.broadcast %mul3A_448 : i32 to vector<16xi32>
        %mul3A_450 = arith.muli %mul3A_449, %broadcast_in_dim3A_0 : vector<16xi32>
        %mul3A_451 = arith.constant 16 : i32
        %mul3A_452 = vector.broadcast %mul3A_451 : i32 to vector<16xi32>
        %mul3A_453 = arith.muli %iota3A, %mul3A_452 : vector<16xi32>
        %add3A_454 = arith.addi %mul3A_450, %mul3A_453 : vector<16xi32>
        %select_n3A_455 = arith.select %and3A_445, %sub3A_447, %add3A_454 : vector<16xi1>, vector<16xi32>
        %swap3A_456 = arith.constant 160 : index
        %swap3A_457 = tpu.vector_load %arg10[%swap3A_456] {strides = array<i32>} : memref<528xi32, #tpu.memory_space<vmem>>, vector<16xi32>,
        tpu.vector_store %arg10[%swap3A_456], %select_n3A_455 {strides = array<i32>} : memref<528xi32, #tpu.memory_space<vmem>>, vector<16xi32>,
        %broadcast_in_dim3A_458 = arith.constant 0.000000e+00 : f32
        %broadcast_in_dim3A_459 = vector.broadcast %broadcast_in_dim3A_458 : f32 to vector<16xf32>
        %select_n3A_460 = arith.select %and3A_445, %get3A_435, %broadcast_in_dim3A_459 : vector<16xi1>, vector<16xf32>
        %swap3A_461 = arith.constant 160 : index
        %swap3A_462 = tpu.vector_load %arg11[%swap3A_461] {strides = array<i32>} : memref<528xf32, #tpu.memory_space<vmem>>, vector<16xf32>,
        tpu.vector_store %arg11[%swap3A_461], %select_n3A_460 {strides = array<i32>} : memref<528xf32, #tpu.memory_space<vmem>>, vector<16xf32>,
        %add3A_463 = arith.constant 176 : i32
        %add3A_464 = arith.addi %multiple_of3A, %add3A_463 : i32
        %add3A_465 = vector.broadcast %add3A_464 : i32 to vector<16xi32>
        %add3A_466 = arith.addi %add3A_465, %iota3A : vector<16xi32>
        %get3A_467 = arith.constant 176 : index
        %get3A_468 = tpu.vector_load %arg8[%get3A_467] {strides = array<i32>} : memref<528xi32, #tpu.memory_space<vmem>>, vector<16xi32>,
        %get3A_469 = arith.constant 176 : index
        %get3A_470 = tpu.vector_load %arg9[%get3A_469] {strides = array<i32>} : memref<528xf32, #tpu.memory_space<vmem>>, vector<16xf32>,
        %ge3A_471 = vector.broadcast %add3A_80 : i32 to vector<16xi32>
        %ge3A_472 = arith.cmpi sge, %add3A_466, %ge3A_471 : vector<16xi32>
        %add3A_473 = arith.constant 512 : i32
        %add3A_474 = arith.addi %add3A_80, %add3A_473 : i32
        %lt3A_475 = vector.broadcast %add3A_474 : i32 to vector<16xi32>
        %lt3A_476 = arith.cmpi slt, %add3A_466, %lt3A_475 : vector<16xi32>
        %and3A_477 = arith.andi %ge3A_472, %lt3A_476 : vector<16xi1>
        %lt3A_478 = vector.broadcast %reduce_max3A_37 : i32 to vector<16xi32>
        %lt3A_479 = arith.cmpi slt, %add3A_466, %lt3A_478 : vector<16xi32>
        %and3A_480 = arith.andi %and3A_477, %lt3A_479 : vector<16xi1>
        %sub3A_481 = vector.broadcast %mul3A_12 : i32 to vector<16xi32>
        %sub3A_482 = arith.subi %get3A_468, %sub3A_481 : vector<16xi32>
        %mul3A_483 = arith.constant 176 : i32
        %mul3A_484 = vector.broadcast %mul3A_483 : i32 to vector<16xi32>
        %mul3A_485 = arith.muli %mul3A_484, %broadcast_in_dim3A_0 : vector<16xi32>
        %mul3A_486 = arith.constant 16 : i32
        %mul3A_487 = vector.broadcast %mul3A_486 : i32 to vector<16xi32>
        %mul3A_488 = arith.muli %iota3A, %mul3A_487 : vector<16xi32>
        %add3A_489 = arith.addi %mul3A_485, %mul3A_488 : vector<16xi32>
        %select_n3A_490 = arith.select %and3A_480, %sub3A_482, %add3A_489 : vector<16xi1>, vector<16xi32>
        %swap3A_491 = arith.constant 176 : index
        %swap3A_492 = tpu.vector_load %arg10[%swap3A_491] {strides = array<i32>} : memref<528xi32, #tpu.memory_space<vmem>>, vector<16xi32>,
        tpu.vector_store %arg10[%swap3A_491], %select_n3A_490 {strides = array<i32>} : memref<528xi32, #tpu.memory_space<vmem>>, vector<16xi32>,
        %broadcast_in_dim3A_493 = arith.constant 0.000000e+00 : f32
        %broadcast_in_dim3A_494 = vector.broadcast %broadcast_in_dim3A_493 : f32 to vector<16xf32>
        %select_n3A_495 = arith.select %and3A_480, %get3A_470, %broadcast_in_dim3A_494 : vector<16xi1>, vector<16xf32>
        %swap3A_496 = arith.constant 176 : index
        %swap3A_497 = tpu.vector_load %arg11[%swap3A_496] {strides = array<i32>} : memref<528xf32, #tpu.memory_space<vmem>>, vector<16xf32>,
        tpu.vector_store %arg11[%swap3A_496], %select_n3A_495 {strides = array<i32>} : memref<528xf32, #tpu.memory_space<vmem>>, vector<16xf32>,
        %add3A_498 = arith.constant 192 : i32
        %add3A_499 = arith.addi %multiple_of3A, %add3A_498 : i32
        %add3A_500 = vector.broadcast %add3A_499 : i32 to vector<16xi32>
        %add3A_501 = arith.addi %add3A_500, %iota3A : vector<16xi32>
        %get3A_502 = arith.constant 192 : index
        %get3A_503 = tpu.vector_load %arg8[%get3A_502] {strides = array<i32>} : memref<528xi32, #tpu.memory_space<vmem>>, vector<16xi32>,
        %get3A_504 = arith.constant 192 : index
        %get3A_505 = tpu.vector_load %arg9[%get3A_504] {strides = array<i32>} : memref<528xf32, #tpu.memory_space<vmem>>, vector<16xf32>,
        %ge3A_506 = vector.broadcast %add3A_80 : i32 to vector<16xi32>
        %ge3A_507 = arith.cmpi sge, %add3A_501, %ge3A_506 : vector<16xi32>
        %add3A_508 = arith.constant 512 : i32
        %add3A_509 = arith.addi %add3A_80, %add3A_508 : i32
        %lt3A_510 = vector.broadcast %add3A_509 : i32 to vector<16xi32>
        %lt3A_511 = arith.cmpi slt, %add3A_501, %lt3A_510 : vector<16xi32>
        %and3A_512 = arith.andi %ge3A_507, %lt3A_511 : vector<16xi1>
        %lt3A_513 = vector.broadcast %reduce_max3A_37 : i32 to vector<16xi32>
        %lt3A_514 = arith.cmpi slt, %add3A_501, %lt3A_513 : vector<16xi32>
        %and3A_515 = arith.andi %and3A_512, %lt3A_514 : vector<16xi1>
        %sub3A_516 = vector.broadcast %mul3A_12 : i32 to vector<16xi32>
        %sub3A_517 = arith.subi %get3A_503, %sub3A_516 : vector<16xi32>
        %mul3A_518 = arith.constant 192 : i32
        %mul3A_519 = vector.broadcast %mul3A_518 : i32 to vector<16xi32>
        %mul3A_520 = arith.muli %mul3A_519, %broadcast_in_dim3A_0 : vector<16xi32>
        %mul3A_521 = arith.constant 16 : i32
        %mul3A_522 = vector.broadcast %mul3A_521 : i32 to vector<16xi32>
        %mul3A_523 = arith.muli %iota3A, %mul3A_522 : vector<16xi32>
        %add3A_524 = arith.addi %mul3A_520, %mul3A_523 : vector<16xi32>
        %select_n3A_525 = arith.select %and3A_515, %sub3A_517, %add3A_524 : vector<16xi1>, vector<16xi32>
        %swap3A_526 = arith.constant 192 : index
        %swap3A_527 = tpu.vector_load %arg10[%swap3A_526] {strides = array<i32>} : memref<528xi32, #tpu.memory_space<vmem>>, vector<16xi32>,
        tpu.vector_store %arg10[%swap3A_526], %select_n3A_525 {strides = array<i32>} : memref<528xi32, #tpu.memory_space<vmem>>, vector<16xi32>,
        %broadcast_in_dim3A_528 = arith.constant 0.000000e+00 : f32
        %broadcast_in_dim3A_529 = vector.broadcast %broadcast_in_dim3A_528 : f32 to vector<16xf32>
        %select_n3A_530 = arith.select %and3A_515, %get3A_505, %broadcast_in_dim3A_529 : vector<16xi1>, vector<16xf32>
        %swap3A_531 = arith.constant 192 : index
        %swap3A_532 = tpu.vector_load %arg11[%swap3A_531] {strides = array<i32>} : memref<528xf32, #tpu.memory_space<vmem>>, vector<16xf32>,
        tpu.vector_store %arg11[%swap3A_531], %select_n3A_530 {strides = array<i32>} : memref<528xf32, #tpu.memory_space<vmem>>, vector<16xf32>,
        %add3A_533 = arith.constant 208 : i32
        %add3A_534 = arith.addi %multiple_of3A, %add3A_533 : i32
        %add3A_535 = vector.broadcast %add3A_534 : i32 to vector<16xi32>
        %add3A_536 = arith.addi %add3A_535, %iota3A : vector<16xi32>
        %get3A_537 = arith.constant 208 : index
        %get3A_538 = tpu.vector_load %arg8[%get3A_537] {strides = array<i32>} : memref<528xi32, #tpu.memory_space<vmem>>, vector<16xi32>,
        %get3A_539 = arith.constant 208 : index
        %get3A_540 = tpu.vector_load %arg9[%get3A_539] {strides = array<i32>} : memref<528xf32, #tpu.memory_space<vmem>>, vector<16xf32>,
        %ge3A_541 = vector.broadcast %add3A_80 : i32 to vector<16xi32>
        %ge3A_542 = arith.cmpi sge, %add3A_536, %ge3A_541 : vector<16xi32>
        %add3A_543 = arith.constant 512 : i32
        %add3A_544 = arith.addi %add3A_80, %add3A_543 : i32
        %lt3A_545 = vector.broadcast %add3A_544 : i32 to vector<16xi32>
        %lt3A_546 = arith.cmpi slt, %add3A_536, %lt3A_545 : vector<16xi32>
        %and3A_547 = arith.andi %ge3A_542, %lt3A_546 : vector<16xi1>
        %lt3A_548 = vector.broadcast %reduce_max3A_37 : i32 to vector<16xi32>
        %lt3A_549 = arith.cmpi slt, %add3A_536, %lt3A_548 : vector<16xi32>
        %and3A_550 = arith.andi %and3A_547, %lt3A_549 : vector<16xi1>
        %sub3A_551 = vector.broadcast %mul3A_12 : i32 to vector<16xi32>
        %sub3A_552 = arith.subi %get3A_538, %sub3A_551 : vector<16xi32>
        %mul3A_553 = arith.constant 208 : i32
        %mul3A_554 = vector.broadcast %mul3A_553 : i32 to vector<16xi32>
        %mul3A_555 = arith.muli %mul3A_554, %broadcast_in_dim3A_0 : vector<16xi32>
        %mul3A_556 = arith.constant 16 : i32
        %mul3A_557 = vector.broadcast %mul3A_556 : i32 to vector<16xi32>
        %mul3A_558 = arith.muli %iota3A, %mul3A_557 : vector<16xi32>
        %add3A_559 = arith.addi %mul3A_555, %mul3A_558 : vector<16xi32>
        %select_n3A_560 = arith.select %and3A_550, %sub3A_552, %add3A_559 : vector<16xi1>, vector<16xi32>
        %swap3A_561 = arith.constant 208 : index
        %swap3A_562 = tpu.vector_load %arg10[%swap3A_561] {strides = array<i32>} : memref<528xi32, #tpu.memory_space<vmem>>, vector<16xi32>,
        tpu.vector_store %arg10[%swap3A_561], %select_n3A_560 {strides = array<i32>} : memref<528xi32, #tpu.memory_space<vmem>>, vector<16xi32>,
        %broadcast_in_dim3A_563 = arith.constant 0.000000e+00 : f32
        %broadcast_in_dim3A_564 = vector.broadcast %broadcast_in_dim3A_563 : f32 to vector<16xf32>
        %select_n3A_565 = arith.select %and3A_550, %get3A_540, %broadcast_in_dim3A_564 : vector<16xi1>, vector<16xf32>
        %swap3A_566 = arith.constant 208 : index
        %swap3A_567 = tpu.vector_load %arg11[%swap3A_566] {strides = array<i32>} : memref<528xf32, #tpu.memory_space<vmem>>, vector<16xf32>,
        tpu.vector_store %arg11[%swap3A_566], %select_n3A_565 {strides = array<i32>} : memref<528xf32, #tpu.memory_space<vmem>>, vector<16xf32>,
        %add3A_568 = arith.constant 224 : i32
        %add3A_569 = arith.addi %multiple_of3A, %add3A_568 : i32
        %add3A_570 = vector.broadcast %add3A_569 : i32 to vector<16xi32>
        %add3A_571 = arith.addi %add3A_570, %iota3A : vector<16xi32>
        %get3A_572 = arith.constant 224 : index
        %get3A_573 = tpu.vector_load %arg8[%get3A_572] {strides = array<i32>} : memref<528xi32, #tpu.memory_space<vmem>>, vector<16xi32>,
        %get3A_574 = arith.constant 224 : index
        %get3A_575 = tpu.vector_load %arg9[%get3A_574] {strides = array<i32>} : memref<528xf32, #tpu.memory_space<vmem>>, vector<16xf32>,
        %ge3A_576 = vector.broadcast %add3A_80 : i32 to vector<16xi32>
        %ge3A_577 = arith.cmpi sge, %add3A_571, %ge3A_576 : vector<16xi32>
        %add3A_578 = arith.constant 512 : i32
        %add3A_579 = arith.addi %add3A_80, %add3A_578 : i32
        %lt3A_580 = vector.broadcast %add3A_579 : i32 to vector<16xi32>
        %lt3A_581 = arith.cmpi slt, %add3A_571, %lt3A_580 : vector<16xi32>
        %and3A_582 = arith.andi %ge3A_577, %lt3A_581 : vector<16xi1>
        %lt3A_583 = vector.broadcast %reduce_max3A_37 : i32 to vector<16xi32>
        %lt3A_584 = arith.cmpi slt, %add3A_571, %lt3A_583 : vector<16xi32>
        %and3A_585 = arith.andi %and3A_582, %lt3A_584 : vector<16xi1>
        %sub3A_586 = vector.broadcast %mul3A_12 : i32 to vector<16xi32>
        %sub3A_587 = arith.subi %get3A_573, %sub3A_586 : vector<16xi32>
        %mul3A_588 = arith.constant 224 : i32
        %mul3A_589 = vector.broadcast %mul3A_588 : i32 to vector<16xi32>
        %mul3A_590 = arith.muli %mul3A_589, %broadcast_in_dim3A_0 : vector<16xi32>
        %mul3A_591 = arith.constant 16 : i32
        %mul3A_592 = vector.broadcast %mul3A_591 : i32 to vector<16xi32>
        %mul3A_593 = arith.muli %iota3A, %mul3A_592 : vector<16xi32>
        %add3A_594 = arith.addi %mul3A_590, %mul3A_593 : vector<16xi32>
        %select_n3A_595 = arith.select %and3A_585, %sub3A_587, %add3A_594 : vector<16xi1>, vector<16xi32>
        %swap3A_596 = arith.constant 224 : index
        %swap3A_597 = tpu.vector_load %arg10[%swap3A_596] {strides = array<i32>} : memref<528xi32, #tpu.memory_space<vmem>>, vector<16xi32>,
        tpu.vector_store %arg10[%swap3A_596], %select_n3A_595 {strides = array<i32>} : memref<528xi32, #tpu.memory_space<vmem>>, vector<16xi32>,
        %broadcast_in_dim3A_598 = arith.constant 0.000000e+00 : f32
        %broadcast_in_dim3A_599 = vector.broadcast %broadcast_in_dim3A_598 : f32 to vector<16xf32>
        %select_n3A_600 = arith.select %and3A_585, %get3A_575, %broadcast_in_dim3A_599 : vector<16xi1>, vector<16xf32>
        %swap3A_601 = arith.constant 224 : index
        %swap3A_602 = tpu.vector_load %arg11[%swap3A_601] {strides = array<i32>} : memref<528xf32, #tpu.memory_space<vmem>>, vector<16xf32>,
        tpu.vector_store %arg11[%swap3A_601], %select_n3A_600 {strides = array<i32>} : memref<528xf32, #tpu.memory_space<vmem>>, vector<16xf32>,
        %add3A_603 = arith.constant 240 : i32
        %add3A_604 = arith.addi %multiple_of3A, %add3A_603 : i32
        %add3A_605 = vector.broadcast %add3A_604 : i32 to vector<16xi32>
        %add3A_606 = arith.addi %add3A_605, %iota3A : vector<16xi32>
        %get3A_607 = arith.constant 240 : index
        %get3A_608 = tpu.vector_load %arg8[%get3A_607] {strides = array<i32>} : memref<528xi32, #tpu.memory_space<vmem>>, vector<16xi32>,
        %get3A_609 = arith.constant 240 : index
        %get3A_610 = tpu.vector_load %arg9[%get3A_609] {strides = array<i32>} : memref<528xf32, #tpu.memory_space<vmem>>, vector<16xf32>,
        %ge3A_611 = vector.broadcast %add3A_80 : i32 to vector<16xi32>
        %ge3A_612 = arith.cmpi sge, %add3A_606, %ge3A_611 : vector<16xi32>
        %add3A_613 = arith.constant 512 : i32
        %add3A_614 = arith.addi %add3A_80, %add3A_613 : i32
        %lt3A_615 = vector.broadcast %add3A_614 : i32 to vector<16xi32>
        %lt3A_616 = arith.cmpi slt, %add3A_606, %lt3A_615 : vector<16xi32>
        %and3A_617 = arith.andi %ge3A_612, %lt3A_616 : vector<16xi1>
        %lt3A_618 = vector.broadcast %reduce_max3A_37 : i32 to vector<16xi32>
        %lt3A_619 = arith.cmpi slt, %add3A_606, %lt3A_618 : vector<16xi32>
        %and3A_620 = arith.andi %and3A_617, %lt3A_619 : vector<16xi1>
        %sub3A_621 = vector.broadcast %mul3A_12 : i32 to vector<16xi32>
        %sub3A_622 = arith.subi %get3A_608, %sub3A_621 : vector<16xi32>
        %mul3A_623 = arith.constant 240 : i32
        %mul3A_624 = vector.broadcast %mul3A_623 : i32 to vector<16xi32>
        %mul3A_625 = arith.muli %mul3A_624, %broadcast_in_dim3A_0 : vector<16xi32>
        %mul3A_626 = arith.constant 16 : i32
        %mul3A_627 = vector.broadcast %mul3A_626 : i32 to vector<16xi32>
        %mul3A_628 = arith.muli %iota3A, %mul3A_627 : vector<16xi32>
        %add3A_629 = arith.addi %mul3A_625, %mul3A_628 : vector<16xi32>
        %select_n3A_630 = arith.select %and3A_620, %sub3A_622, %add3A_629 : vector<16xi1>, vector<16xi32>
        %swap3A_631 = arith.constant 240 : index
        %swap3A_632 = tpu.vector_load %arg10[%swap3A_631] {strides = array<i32>} : memref<528xi32, #tpu.memory_space<vmem>>, vector<16xi32>,
        tpu.vector_store %arg10[%swap3A_631], %select_n3A_630 {strides = array<i32>} : memref<528xi32, #tpu.memory_space<vmem>>, vector<16xi32>,
        %broadcast_in_dim3A_633 = arith.constant 0.000000e+00 : f32
        %broadcast_in_dim3A_634 = vector.broadcast %broadcast_in_dim3A_633 : f32 to vector<16xf32>
        %select_n3A_635 = arith.select %and3A_620, %get3A_610, %broadcast_in_dim3A_634 : vector<16xi1>, vector<16xf32>
        %swap3A_636 = arith.constant 240 : index
        %swap3A_637 = tpu.vector_load %arg11[%swap3A_636] {strides = array<i32>} : memref<528xf32, #tpu.memory_space<vmem>>, vector<16xf32>,
        tpu.vector_store %arg11[%swap3A_636], %select_n3A_635 {strides = array<i32>} : memref<528xf32, #tpu.memory_space<vmem>>, vector<16xf32>,
        %add3A_638 = arith.constant 256 : i32
        %add3A_639 = arith.addi %multiple_of3A, %add3A_638 : i32
        %add3A_640 = vector.broadcast %add3A_639 : i32 to vector<16xi32>
        %add3A_641 = arith.addi %add3A_640, %iota3A : vector<16xi32>
        %get3A_642 = arith.constant 256 : index
        %get3A_643 = tpu.vector_load %arg8[%get3A_642] {strides = array<i32>} : memref<528xi32, #tpu.memory_space<vmem>>, vector<16xi32>,
        %get3A_644 = arith.constant 256 : index
        %get3A_645 = tpu.vector_load %arg9[%get3A_644] {strides = array<i32>} : memref<528xf32, #tpu.memory_space<vmem>>, vector<16xf32>,
        %ge3A_646 = vector.broadcast %add3A_80 : i32 to vector<16xi32>
        %ge3A_647 = arith.cmpi sge, %add3A_641, %ge3A_646 : vector<16xi32>
        %add3A_648 = arith.constant 512 : i32
        %add3A_649 = arith.addi %add3A_80, %add3A_648 : i32
        %lt3A_650 = vector.broadcast %add3A_649 : i32 to vector<16xi32>
        %lt3A_651 = arith.cmpi slt, %add3A_641, %lt3A_650 : vector<16xi32>
        %and3A_652 = arith.andi %ge3A_647, %lt3A_651 : vector<16xi1>
        %lt3A_653 = vector.broadcast %reduce_max3A_37 : i32 to vector<16xi32>
        %lt3A_654 = arith.cmpi slt, %add3A_641, %lt3A_653 : vector<16xi32>
        %and3A_655 = arith.andi %and3A_652, %lt3A_654 : vector<16xi1>
        %sub3A_656 = vector.broadcast %mul3A_12 : i32 to vector<16xi32>
        %sub3A_657 = arith.subi %get3A_643, %sub3A_656 : vector<16xi32>
        %mul3A_658 = arith.constant 256 : i32
        %mul3A_659 = vector.broadcast %mul3A_658 : i32 to vector<16xi32>
        %mul3A_660 = arith.muli %mul3A_659, %broadcast_in_dim3A_0 : vector<16xi32>
        %mul3A_661 = arith.constant 16 : i32
        %mul3A_662 = vector.broadcast %mul3A_661 : i32 to vector<16xi32>
        %mul3A_663 = arith.muli %iota3A, %mul3A_662 : vector<16xi32>
        %add3A_664 = arith.addi %mul3A_660, %mul3A_663 : vector<16xi32>
        %select_n3A_665 = arith.select %and3A_655, %sub3A_657, %add3A_664 : vector<16xi1>, vector<16xi32>
        %swap3A_666 = arith.constant 256 : index
        %swap3A_667 = tpu.vector_load %arg10[%swap3A_666] {strides = array<i32>} : memref<528xi32, #tpu.memory_space<vmem>>, vector<16xi32>,
        tpu.vector_store %arg10[%swap3A_666], %select_n3A_665 {strides = array<i32>} : memref<528xi32, #tpu.memory_space<vmem>>, vector<16xi32>,
        %broadcast_in_dim3A_668 = arith.constant 0.000000e+00 : f32
        %broadcast_in_dim3A_669 = vector.broadcast %broadcast_in_dim3A_668 : f32 to vector<16xf32>
        %select_n3A_670 = arith.select %and3A_655, %get3A_645, %broadcast_in_dim3A_669 : vector<16xi1>, vector<16xf32>
        %swap3A_671 = arith.constant 256 : index
        %swap3A_672 = tpu.vector_load %arg11[%swap3A_671] {strides = array<i32>} : memref<528xf32, #tpu.memory_space<vmem>>, vector<16xf32>,
        tpu.vector_store %arg11[%swap3A_671], %select_n3A_670 {strides = array<i32>} : memref<528xf32, #tpu.memory_space<vmem>>, vector<16xf32>,
        %add3A_673 = arith.constant 272 : i32
        %add3A_674 = arith.addi %multiple_of3A, %add3A_673 : i32
        %add3A_675 = vector.broadcast %add3A_674 : i32 to vector<16xi32>
        %add3A_676 = arith.addi %add3A_675, %iota3A : vector<16xi32>
        %get3A_677 = arith.constant 272 : index
        %get3A_678 = tpu.vector_load %arg8[%get3A_677] {strides = array<i32>} : memref<528xi32, #tpu.memory_space<vmem>>, vector<16xi32>,
        %get3A_679 = arith.constant 272 : index
        %get3A_680 = tpu.vector_load %arg9[%get3A_679] {strides = array<i32>} : memref<528xf32, #tpu.memory_space<vmem>>, vector<16xf32>,
        %ge3A_681 = vector.broadcast %add3A_80 : i32 to vector<16xi32>
        %ge3A_682 = arith.cmpi sge, %add3A_676, %ge3A_681 : vector<16xi32>
        %add3A_683 = arith.constant 512 : i32
        %add3A_684 = arith.addi %add3A_80, %add3A_683 : i32
        %lt3A_685 = vector.broadcast %add3A_684 : i32 to vector<16xi32>
        %lt3A_686 = arith.cmpi slt, %add3A_676, %lt3A_685 : vector<16xi32>
        %and3A_687 = arith.andi %ge3A_682, %lt3A_686 : vector<16xi1>
        %lt3A_688 = vector.broadcast %reduce_max3A_37 : i32 to vector<16xi32>
        %lt3A_689 = arith.cmpi slt, %add3A_676, %lt3A_688 : vector<16xi32>
        %and3A_690 = arith.andi %and3A_687, %lt3A_689 : vector<16xi1>
        %sub3A_691 = vector.broadcast %mul3A_12 : i32 to vector<16xi32>
        %sub3A_692 = arith.subi %get3A_678, %sub3A_691 : vector<16xi32>
        %mul3A_693 = arith.constant 272 : i32
        %mul3A_694 = vector.broadcast %mul3A_693 : i32 to vector<16xi32>
        %mul3A_695 = arith.muli %mul3A_694, %broadcast_in_dim3A_0 : vector<16xi32>
        %mul3A_696 = arith.constant 16 : i32
        %mul3A_697 = vector.broadcast %mul3A_696 : i32 to vector<16xi32>
        %mul3A_698 = arith.muli %iota3A, %mul3A_697 : vector<16xi32>
        %add3A_699 = arith.addi %mul3A_695, %mul3A_698 : vector<16xi32>
        %select_n3A_700 = arith.select %and3A_690, %sub3A_692, %add3A_699 : vector<16xi1>, vector<16xi32>
        %swap3A_701 = arith.constant 272 : index
        %swap3A_702 = tpu.vector_load %arg10[%swap3A_701] {strides = array<i32>} : memref<528xi32, #tpu.memory_space<vmem>>, vector<16xi32>,
        tpu.vector_store %arg10[%swap3A_701], %select_n3A_700 {strides = array<i32>} : memref<528xi32, #tpu.memory_space<vmem>>, vector<16xi32>,
        %broadcast_in_dim3A_703 = arith.constant 0.000000e+00 : f32
        %broadcast_in_dim3A_704 = vector.broadcast %broadcast_in_dim3A_703 : f32 to vector<16xf32>
        %select_n3A_705 = arith.select %and3A_690, %get3A_680, %broadcast_in_dim3A_704 : vector<16xi1>, vector<16xf32>
        %swap3A_706 = arith.constant 272 : index
        %swap3A_707 = tpu.vector_load %arg11[%swap3A_706] {strides = array<i32>} : memref<528xf32, #tpu.memory_space<vmem>>, vector<16xf32>,
        tpu.vector_store %arg11[%swap3A_706], %select_n3A_705 {strides = array<i32>} : memref<528xf32, #tpu.memory_space<vmem>>, vector<16xf32>,
        %add3A_708 = arith.constant 288 : i32
        %add3A_709 = arith.addi %multiple_of3A, %add3A_708 : i32
        %add3A_710 = vector.broadcast %add3A_709 : i32 to vector<16xi32>
        %add3A_711 = arith.addi %add3A_710, %iota3A : vector<16xi32>
        %get3A_712 = arith.constant 288 : index
        %get3A_713 = tpu.vector_load %arg8[%get3A_712] {strides = array<i32>} : memref<528xi32, #tpu.memory_space<vmem>>, vector<16xi32>,
        %get3A_714 = arith.constant 288 : index
        %get3A_715 = tpu.vector_load %arg9[%get3A_714] {strides = array<i32>} : memref<528xf32, #tpu.memory_space<vmem>>, vector<16xf32>,
        %ge3A_716 = vector.broadcast %add3A_80 : i32 to vector<16xi32>
        %ge3A_717 = arith.cmpi sge, %add3A_711, %ge3A_716 : vector<16xi32>
        %add3A_718 = arith.constant 512 : i32
        %add3A_719 = arith.addi %add3A_80, %add3A_718 : i32
        %lt3A_720 = vector.broadcast %add3A_719 : i32 to vector<16xi32>
        %lt3A_721 = arith.cmpi slt, %add3A_711, %lt3A_720 : vector<16xi32>
        %and3A_722 = arith.andi %ge3A_717, %lt3A_721 : vector<16xi1>
        %lt3A_723 = vector.broadcast %reduce_max3A_37 : i32 to vector<16xi32>
        %lt3A_724 = arith.cmpi slt, %add3A_711, %lt3A_723 : vector<16xi32>
        %and3A_725 = arith.andi %and3A_722, %lt3A_724 : vector<16xi1>
        %sub3A_726 = vector.broadcast %mul3A_12 : i32 to vector<16xi32>
        %sub3A_727 = arith.subi %get3A_713, %sub3A_726 : vector<16xi32>
        %mul3A_728 = arith.constant 288 : i32
        %mul3A_729 = vector.broadcast %mul3A_728 : i32 to vector<16xi32>
        %mul3A_730 = arith.muli %mul3A_729, %broadcast_in_dim3A_0 : vector<16xi32>
        %mul3A_731 = arith.constant 16 : i32
        %mul3A_732 = vector.broadcast %mul3A_731 : i32 to vector<16xi32>
        %mul3A_733 = arith.muli %iota3A, %mul3A_732 : vector<16xi32>
        %add3A_734 = arith.addi %mul3A_730, %mul3A_733 : vector<16xi32>
        %select_n3A_735 = arith.select %and3A_725, %sub3A_727, %add3A_734 : vector<16xi1>, vector<16xi32>
        %swap3A_736 = arith.constant 288 : index
        %swap3A_737 = tpu.vector_load %arg10[%swap3A_736] {strides = array<i32>} : memref<528xi32, #tpu.memory_space<vmem>>, vector<16xi32>,
        tpu.vector_store %arg10[%swap3A_736], %select_n3A_735 {strides = array<i32>} : memref<528xi32, #tpu.memory_space<vmem>>, vector<16xi32>,
        %broadcast_in_dim3A_738 = arith.constant 0.000000e+00 : f32
        %broadcast_in_dim3A_739 = vector.broadcast %broadcast_in_dim3A_738 : f32 to vector<16xf32>
        %select_n3A_740 = arith.select %and3A_725, %get3A_715, %broadcast_in_dim3A_739 : vector<16xi1>, vector<16xf32>
        %swap3A_741 = arith.constant 288 : index
        %swap3A_742 = tpu.vector_load %arg11[%swap3A_741] {strides = array<i32>} : memref<528xf32, #tpu.memory_space<vmem>>, vector<16xf32>,
        tpu.vector_store %arg11[%swap3A_741], %select_n3A_740 {strides = array<i32>} : memref<528xf32, #tpu.memory_space<vmem>>, vector<16xf32>,
        %add3A_743 = arith.constant 304 : i32
        %add3A_744 = arith.addi %multiple_of3A, %add3A_743 : i32
        %add3A_745 = vector.broadcast %add3A_744 : i32 to vector<16xi32>
        %add3A_746 = arith.addi %add3A_745, %iota3A : vector<16xi32>
        %get3A_747 = arith.constant 304 : index
        %get3A_748 = tpu.vector_load %arg8[%get3A_747] {strides = array<i32>} : memref<528xi32, #tpu.memory_space<vmem>>, vector<16xi32>,
        %get3A_749 = arith.constant 304 : index
        %get3A_750 = tpu.vector_load %arg9[%get3A_749] {strides = array<i32>} : memref<528xf32, #tpu.memory_space<vmem>>, vector<16xf32>,
        %ge3A_751 = vector.broadcast %add3A_80 : i32 to vector<16xi32>
        %ge3A_752 = arith.cmpi sge, %add3A_746, %ge3A_751 : vector<16xi32>
        %add3A_753 = arith.constant 512 : i32
        %add3A_754 = arith.addi %add3A_80, %add3A_753 : i32
        %lt3A_755 = vector.broadcast %add3A_754 : i32 to vector<16xi32>
        %lt3A_756 = arith.cmpi slt, %add3A_746, %lt3A_755 : vector<16xi32>
        %and3A_757 = arith.andi %ge3A_752, %lt3A_756 : vector<16xi1>
        %lt3A_758 = vector.broadcast %reduce_max3A_37 : i32 to vector<16xi32>
        %lt3A_759 = arith.cmpi slt, %add3A_746, %lt3A_758 : vector<16xi32>
        %and3A_760 = arith.andi %and3A_757, %lt3A_759 : vector<16xi1>
        %sub3A_761 = vector.broadcast %mul3A_12 : i32 to vector<16xi32>
        %sub3A_762 = arith.subi %get3A_748, %sub3A_761 : vector<16xi32>
        %mul3A_763 = arith.constant 304 : i32
        %mul3A_764 = vector.broadcast %mul3A_763 : i32 to vector<16xi32>
        %mul3A_765 = arith.muli %mul3A_764, %broadcast_in_dim3A_0 : vector<16xi32>
        %mul3A_766 = arith.constant 16 : i32
        %mul3A_767 = vector.broadcast %mul3A_766 : i32 to vector<16xi32>
        %mul3A_768 = arith.muli %iota3A, %mul3A_767 : vector<16xi32>
        %add3A_769 = arith.addi %mul3A_765, %mul3A_768 : vector<16xi32>
        %select_n3A_770 = arith.select %and3A_760, %sub3A_762, %add3A_769 : vector<16xi1>, vector<16xi32>
        %swap3A_771 = arith.constant 304 : index
        %swap3A_772 = tpu.vector_load %arg10[%swap3A_771] {strides = array<i32>} : memref<528xi32, #tpu.memory_space<vmem>>, vector<16xi32>,
        tpu.vector_store %arg10[%swap3A_771], %select_n3A_770 {strides = array<i32>} : memref<528xi32, #tpu.memory_space<vmem>>, vector<16xi32>,
        %broadcast_in_dim3A_773 = arith.constant 0.000000e+00 : f32
        %broadcast_in_dim3A_774 = vector.broadcast %broadcast_in_dim3A_773 : f32 to vector<16xf32>
        %select_n3A_775 = arith.select %and3A_760, %get3A_750, %broadcast_in_dim3A_774 : vector<16xi1>, vector<16xf32>
        %swap3A_776 = arith.constant 304 : index
        %swap3A_777 = tpu.vector_load %arg11[%swap3A_776] {strides = array<i32>} : memref<528xf32, #tpu.memory_space<vmem>>, vector<16xf32>,
        tpu.vector_store %arg11[%swap3A_776], %select_n3A_775 {strides = array<i32>} : memref<528xf32, #tpu.memory_space<vmem>>, vector<16xf32>,
        %add3A_778 = arith.constant 320 : i32
        %add3A_779 = arith.addi %multiple_of3A, %add3A_778 : i32
        %add3A_780 = vector.broadcast %add3A_779 : i32 to vector<16xi32>
        %add3A_781 = arith.addi %add3A_780, %iota3A : vector<16xi32>
        %get3A_782 = arith.constant 320 : index
        %get3A_783 = tpu.vector_load %arg8[%get3A_782] {strides = array<i32>} : memref<528xi32, #tpu.memory_space<vmem>>, vector<16xi32>,
        %get3A_784 = arith.constant 320 : index
        %get3A_785 = tpu.vector_load %arg9[%get3A_784] {strides = array<i32>} : memref<528xf32, #tpu.memory_space<vmem>>, vector<16xf32>,
        %ge3A_786 = vector.broadcast %add3A_80 : i32 to vector<16xi32>
        %ge3A_787 = arith.cmpi sge, %add3A_781, %ge3A_786 : vector<16xi32>
        %add3A_788 = arith.constant 512 : i32
        %add3A_789 = arith.addi %add3A_80, %add3A_788 : i32
        %lt3A_790 = vector.broadcast %add3A_789 : i32 to vector<16xi32>
        %lt3A_791 = arith.cmpi slt, %add3A_781, %lt3A_790 : vector<16xi32>
        %and3A_792 = arith.andi %ge3A_787, %lt3A_791 : vector<16xi1>
        %lt3A_793 = vector.broadcast %reduce_max3A_37 : i32 to vector<16xi32>
        %lt3A_794 = arith.cmpi slt, %add3A_781, %lt3A_793 : vector<16xi32>
        %and3A_795 = arith.andi %and3A_792, %lt3A_794 : vector<16xi1>
        %sub3A_796 = vector.broadcast %mul3A_12 : i32 to vector<16xi32>
        %sub3A_797 = arith.subi %get3A_783, %sub3A_796 : vector<16xi32>
        %mul3A_798 = arith.constant 320 : i32
        %mul3A_799 = vector.broadcast %mul3A_798 : i32 to vector<16xi32>
        %mul3A_800 = arith.muli %mul3A_799, %broadcast_in_dim3A_0 : vector<16xi32>
        %mul3A_801 = arith.constant 16 : i32
        %mul3A_802 = vector.broadcast %mul3A_801 : i32 to vector<16xi32>
        %mul3A_803 = arith.muli %iota3A, %mul3A_802 : vector<16xi32>
        %add3A_804 = arith.addi %mul3A_800, %mul3A_803 : vector<16xi32>
        %select_n3A_805 = arith.select %and3A_795, %sub3A_797, %add3A_804 : vector<16xi1>, vector<16xi32>
        %swap3A_806 = arith.constant 320 : index
        %swap3A_807 = tpu.vector_load %arg10[%swap3A_806] {strides = array<i32>} : memref<528xi32, #tpu.memory_space<vmem>>, vector<16xi32>,
        tpu.vector_store %arg10[%swap3A_806], %select_n3A_805 {strides = array<i32>} : memref<528xi32, #tpu.memory_space<vmem>>, vector<16xi32>,
        %broadcast_in_dim3A_808 = arith.constant 0.000000e+00 : f32
        %broadcast_in_dim3A_809 = vector.broadcast %broadcast_in_dim3A_808 : f32 to vector<16xf32>
        %select_n3A_810 = arith.select %and3A_795, %get3A_785, %broadcast_in_dim3A_809 : vector<16xi1>, vector<16xf32>
        %swap3A_811 = arith.constant 320 : index
        %swap3A_812 = tpu.vector_load %arg11[%swap3A_811] {strides = array<i32>} : memref<528xf32, #tpu.memory_space<vmem>>, vector<16xf32>,
        tpu.vector_store %arg11[%swap3A_811], %select_n3A_810 {strides = array<i32>} : memref<528xf32, #tpu.memory_space<vmem>>, vector<16xf32>,
        %add3A_813 = arith.constant 336 : i32
        %add3A_814 = arith.addi %multiple_of3A, %add3A_813 : i32
        %add3A_815 = vector.broadcast %add3A_814 : i32 to vector<16xi32>
        %add3A_816 = arith.addi %add3A_815, %iota3A : vector<16xi32>
        %get3A_817 = arith.constant 336 : index
        %get3A_818 = tpu.vector_load %arg8[%get3A_817] {strides = array<i32>} : memref<528xi32, #tpu.memory_space<vmem>>, vector<16xi32>,
        %get3A_819 = arith.constant 336 : index
        %get3A_820 = tpu.vector_load %arg9[%get3A_819] {strides = array<i32>} : memref<528xf32, #tpu.memory_space<vmem>>, vector<16xf32>,
        %ge3A_821 = vector.broadcast %add3A_80 : i32 to vector<16xi32>
        %ge3A_822 = arith.cmpi sge, %add3A_816, %ge3A_821 : vector<16xi32>
        %add3A_823 = arith.constant 512 : i32
        %add3A_824 = arith.addi %add3A_80, %add3A_823 : i32
        %lt3A_825 = vector.broadcast %add3A_824 : i32 to vector<16xi32>
        %lt3A_826 = arith.cmpi slt, %add3A_816, %lt3A_825 : vector<16xi32>
        %and3A_827 = arith.andi %ge3A_822, %lt3A_826 : vector<16xi1>
        %lt3A_828 = vector.broadcast %reduce_max3A_37 : i32 to vector<16xi32>
        %lt3A_829 = arith.cmpi slt, %add3A_816, %lt3A_828 : vector<16xi32>
        %and3A_830 = arith.andi %and3A_827, %lt3A_829 : vector<16xi1>
        %sub3A_831 = vector.broadcast %mul3A_12 : i32 to vector<16xi32>
        %sub3A_832 = arith.subi %get3A_818, %sub3A_831 : vector<16xi32>
        %mul3A_833 = arith.constant 336 : i32
        %mul3A_834 = vector.broadcast %mul3A_833 : i32 to vector<16xi32>
        %mul3A_835 = arith.muli %mul3A_834, %broadcast_in_dim3A_0 : vector<16xi32>
        %mul3A_836 = arith.constant 16 : i32
        %mul3A_837 = vector.broadcast %mul3A_836 : i32 to vector<16xi32>
        %mul3A_838 = arith.muli %iota3A, %mul3A_837 : vector<16xi32>
        %add3A_839 = arith.addi %mul3A_835, %mul3A_838 : vector<16xi32>
        %select_n3A_840 = arith.select %and3A_830, %sub3A_832, %add3A_839 : vector<16xi1>, vector<16xi32>
        %swap3A_841 = arith.constant 336 : index
        %swap3A_842 = tpu.vector_load %arg10[%swap3A_841] {strides = array<i32>} : memref<528xi32, #tpu.memory_space<vmem>>, vector<16xi32>,
        tpu.vector_store %arg10[%swap3A_841], %select_n3A_840 {strides = array<i32>} : memref<528xi32, #tpu.memory_space<vmem>>, vector<16xi32>,
        %broadcast_in_dim3A_843 = arith.constant 0.000000e+00 : f32
        %broadcast_in_dim3A_844 = vector.broadcast %broadcast_in_dim3A_843 : f32 to vector<16xf32>
        %select_n3A_845 = arith.select %and3A_830, %get3A_820, %broadcast_in_dim3A_844 : vector<16xi1>, vector<16xf32>
        %swap3A_846 = arith.constant 336 : index
        %swap3A_847 = tpu.vector_load %arg11[%swap3A_846] {strides = array<i32>} : memref<528xf32, #tpu.memory_space<vmem>>, vector<16xf32>,
        tpu.vector_store %arg11[%swap3A_846], %select_n3A_845 {strides = array<i32>} : memref<528xf32, #tpu.memory_space<vmem>>, vector<16xf32>,
        %add3A_848 = arith.constant 352 : i32
        %add3A_849 = arith.addi %multiple_of3A, %add3A_848 : i32
        %add3A_850 = vector.broadcast %add3A_849 : i32 to vector<16xi32>
        %add3A_851 = arith.addi %add3A_850, %iota3A : vector<16xi32>
        %get3A_852 = arith.constant 352 : index
        %get3A_853 = tpu.vector_load %arg8[%get3A_852] {strides = array<i32>} : memref<528xi32, #tpu.memory_space<vmem>>, vector<16xi32>,
        %get3A_854 = arith.constant 352 : index
        %get3A_855 = tpu.vector_load %arg9[%get3A_854] {strides = array<i32>} : memref<528xf32, #tpu.memory_space<vmem>>, vector<16xf32>,
        %ge3A_856 = vector.broadcast %add3A_80 : i32 to vector<16xi32>
        %ge3A_857 = arith.cmpi sge, %add3A_851, %ge3A_856 : vector<16xi32>
        %add3A_858 = arith.constant 512 : i32
        %add3A_859 = arith.addi %add3A_80, %add3A_858 : i32
        %lt3A_860 = vector.broadcast %add3A_859 : i32 to vector<16xi32>
        %lt3A_861 = arith.cmpi slt, %add3A_851, %lt3A_860 : vector<16xi32>
        %and3A_862 = arith.andi %ge3A_857, %lt3A_861 : vector<16xi1>
        %lt3A_863 = vector.broadcast %reduce_max3A_37 : i32 to vector<16xi32>
        %lt3A_864 = arith.cmpi slt, %add3A_851, %lt3A_863 : vector<16xi32>
        %and3A_865 = arith.andi %and3A_862, %lt3A_864 : vector<16xi1>
        %sub3A_866 = vector.broadcast %mul3A_12 : i32 to vector<16xi32>
        %sub3A_867 = arith.subi %get3A_853, %sub3A_866 : vector<16xi32>
        %mul3A_868 = arith.constant 352 : i32
        %mul3A_869 = vector.broadcast %mul3A_868 : i32 to vector<16xi32>
        %mul3A_870 = arith.muli %mul3A_869, %broadcast_in_dim3A_0 : vector<16xi32>
        %mul3A_871 = arith.constant 16 : i32
        %mul3A_872 = vector.broadcast %mul3A_871 : i32 to vector<16xi32>
        %mul3A_873 = arith.muli %iota3A, %mul3A_872 : vector<16xi32>
        %add3A_874 = arith.addi %mul3A_870, %mul3A_873 : vector<16xi32>
        %select_n3A_875 = arith.select %and3A_865, %sub3A_867, %add3A_874 : vector<16xi1>, vector<16xi32>
        %swap3A_876 = arith.constant 352 : index
        %swap3A_877 = tpu.vector_load %arg10[%swap3A_876] {strides = array<i32>} : memref<528xi32, #tpu.memory_space<vmem>>, vector<16xi32>,
        tpu.vector_store %arg10[%swap3A_876], %select_n3A_875 {strides = array<i32>} : memref<528xi32, #tpu.memory_space<vmem>>, vector<16xi32>,
        %broadcast_in_dim3A_878 = arith.constant 0.000000e+00 : f32
        %broadcast_in_dim3A_879 = vector.broadcast %broadcast_in_dim3A_878 : f32 to vector<16xf32>
        %select_n3A_880 = arith.select %and3A_865, %get3A_855, %broadcast_in_dim3A_879 : vector<16xi1>, vector<16xf32>
        %swap3A_881 = arith.constant 352 : index
        %swap3A_882 = tpu.vector_load %arg11[%swap3A_881] {strides = array<i32>} : memref<528xf32, #tpu.memory_space<vmem>>, vector<16xf32>,
        tpu.vector_store %arg11[%swap3A_881], %select_n3A_880 {strides = array<i32>} : memref<528xf32, #tpu.memory_space<vmem>>, vector<16xf32>,
        %add3A_883 = arith.constant 368 : i32
        %add3A_884 = arith.addi %multiple_of3A, %add3A_883 : i32
        %add3A_885 = vector.broadcast %add3A_884 : i32 to vector<16xi32>
        %add3A_886 = arith.addi %add3A_885, %iota3A : vector<16xi32>
        %get3A_887 = arith.constant 368 : index
        %get3A_888 = tpu.vector_load %arg8[%get3A_887] {strides = array<i32>} : memref<528xi32, #tpu.memory_space<vmem>>, vector<16xi32>,
        %get3A_889 = arith.constant 368 : index
        %get3A_890 = tpu.vector_load %arg9[%get3A_889] {strides = array<i32>} : memref<528xf32, #tpu.memory_space<vmem>>, vector<16xf32>,
        %ge3A_891 = vector.broadcast %add3A_80 : i32 to vector<16xi32>
        %ge3A_892 = arith.cmpi sge, %add3A_886, %ge3A_891 : vector<16xi32>
        %add3A_893 = arith.constant 512 : i32
        %add3A_894 = arith.addi %add3A_80, %add3A_893 : i32
        %lt3A_895 = vector.broadcast %add3A_894 : i32 to vector<16xi32>
        %lt3A_896 = arith.cmpi slt, %add3A_886, %lt3A_895 : vector<16xi32>
        %and3A_897 = arith.andi %ge3A_892, %lt3A_896 : vector<16xi1>
        %lt3A_898 = vector.broadcast %reduce_max3A_37 : i32 to vector<16xi32>
        %lt3A_899 = arith.cmpi slt, %add3A_886, %lt3A_898 : vector<16xi32>
        %and3A_900 = arith.andi %and3A_897, %lt3A_899 : vector<16xi1>
        %sub3A_901 = vector.broadcast %mul3A_12 : i32 to vector<16xi32>
        %sub3A_902 = arith.subi %get3A_888, %sub3A_901 : vector<16xi32>
        %mul3A_903 = arith.constant 368 : i32
        %mul3A_904 = vector.broadcast %mul3A_903 : i32 to vector<16xi32>
        %mul3A_905 = arith.muli %mul3A_904, %broadcast_in_dim3A_0 : vector<16xi32>
        %mul3A_906 = arith.constant 16 : i32
        %mul3A_907 = vector.broadcast %mul3A_906 : i32 to vector<16xi32>
        %mul3A_908 = arith.muli %iota3A, %mul3A_907 : vector<16xi32>
        %add3A_909 = arith.addi %mul3A_905, %mul3A_908 : vector<16xi32>
        %select_n3A_910 = arith.select %and3A_900, %sub3A_902, %add3A_909 : vector<16xi1>, vector<16xi32>
        %swap3A_911 = arith.constant 368 : index
        %swap3A_912 = tpu.vector_load %arg10[%swap3A_911] {strides = array<i32>} : memref<528xi32, #tpu.memory_space<vmem>>, vector<16xi32>,
        tpu.vector_store %arg10[%swap3A_911], %select_n3A_910 {strides = array<i32>} : memref<528xi32, #tpu.memory_space<vmem>>, vector<16xi32>,
        %broadcast_in_dim3A_913 = arith.constant 0.000000e+00 : f32
        %broadcast_in_dim3A_914 = vector.broadcast %broadcast_in_dim3A_913 : f32 to vector<16xf32>
        %select_n3A_915 = arith.select %and3A_900, %get3A_890, %broadcast_in_dim3A_914 : vector<16xi1>, vector<16xf32>
        %swap3A_916 = arith.constant 368 : index
        %swap3A_917 = tpu.vector_load %arg11[%swap3A_916] {strides = array<i32>} : memref<528xf32, #tpu.memory_space<vmem>>, vector<16xf32>,
        tpu.vector_store %arg11[%swap3A_916], %select_n3A_915 {strides = array<i32>} : memref<528xf32, #tpu.memory_space<vmem>>, vector<16xf32>,
        %add3A_918 = arith.constant 384 : i32
        %add3A_919 = arith.addi %multiple_of3A, %add3A_918 : i32
        %add3A_920 = vector.broadcast %add3A_919 : i32 to vector<16xi32>
        %add3A_921 = arith.addi %add3A_920, %iota3A : vector<16xi32>
        %get3A_922 = arith.constant 384 : index
        %get3A_923 = tpu.vector_load %arg8[%get3A_922] {strides = array<i32>} : memref<528xi32, #tpu.memory_space<vmem>>, vector<16xi32>,
        %get3A_924 = arith.constant 384 : index
        %get3A_925 = tpu.vector_load %arg9[%get3A_924] {strides = array<i32>} : memref<528xf32, #tpu.memory_space<vmem>>, vector<16xf32>,
        %ge3A_926 = vector.broadcast %add3A_80 : i32 to vector<16xi32>
        %ge3A_927 = arith.cmpi sge, %add3A_921, %ge3A_926 : vector<16xi32>
        %add3A_928 = arith.constant 512 : i32
        %add3A_929 = arith.addi %add3A_80, %add3A_928 : i32
        %lt3A_930 = vector.broadcast %add3A_929 : i32 to vector<16xi32>
        %lt3A_931 = arith.cmpi slt, %add3A_921, %lt3A_930 : vector<16xi32>
        %and3A_932 = arith.andi %ge3A_927, %lt3A_931 : vector<16xi1>
        %lt3A_933 = vector.broadcast %reduce_max3A_37 : i32 to vector<16xi32>
        %lt3A_934 = arith.cmpi slt, %add3A_921, %lt3A_933 : vector<16xi32>
        %and3A_935 = arith.andi %and3A_932, %lt3A_934 : vector<16xi1>
        %sub3A_936 = vector.broadcast %mul3A_12 : i32 to vector<16xi32>
        %sub3A_937 = arith.subi %get3A_923, %sub3A_936 : vector<16xi32>
        %mul3A_938 = arith.constant 384 : i32
        %mul3A_939 = vector.broadcast %mul3A_938 : i32 to vector<16xi32>
        %mul3A_940 = arith.muli %mul3A_939, %broadcast_in_dim3A_0 : vector<16xi32>
        %mul3A_941 = arith.constant 16 : i32
        %mul3A_942 = vector.broadcast %mul3A_941 : i32 to vector<16xi32>
        %mul3A_943 = arith.muli %iota3A, %mul3A_942 : vector<16xi32>
        %add3A_944 = arith.addi %mul3A_940, %mul3A_943 : vector<16xi32>
        %select_n3A_945 = arith.select %and3A_935, %sub3A_937, %add3A_944 : vector<16xi1>, vector<16xi32>
        %swap3A_946 = arith.constant 384 : index
        %swap3A_947 = tpu.vector_load %arg10[%swap3A_946] {strides = array<i32>} : memref<528xi32, #tpu.memory_space<vmem>>, vector<16xi32>,
        tpu.vector_store %arg10[%swap3A_946], %select_n3A_945 {strides = array<i32>} : memref<528xi32, #tpu.memory_space<vmem>>, vector<16xi32>,
        %broadcast_in_dim3A_948 = arith.constant 0.000000e+00 : f32
        %broadcast_in_dim3A_949 = vector.broadcast %broadcast_in_dim3A_948 : f32 to vector<16xf32>
        %select_n3A_950 = arith.select %and3A_935, %get3A_925, %broadcast_in_dim3A_949 : vector<16xi1>, vector<16xf32>
        %swap3A_951 = arith.constant 384 : index
        %swap3A_952 = tpu.vector_load %arg11[%swap3A_951] {strides = array<i32>} : memref<528xf32, #tpu.memory_space<vmem>>, vector<16xf32>,
        tpu.vector_store %arg11[%swap3A_951], %select_n3A_950 {strides = array<i32>} : memref<528xf32, #tpu.memory_space<vmem>>, vector<16xf32>,
        %add3A_953 = arith.constant 400 : i32
        %add3A_954 = arith.addi %multiple_of3A, %add3A_953 : i32
        %add3A_955 = vector.broadcast %add3A_954 : i32 to vector<16xi32>
        %add3A_956 = arith.addi %add3A_955, %iota3A : vector<16xi32>
        %get3A_957 = arith.constant 400 : index
        %get3A_958 = tpu.vector_load %arg8[%get3A_957] {strides = array<i32>} : memref<528xi32, #tpu.memory_space<vmem>>, vector<16xi32>,
        %get3A_959 = arith.constant 400 : index
        %get3A_960 = tpu.vector_load %arg9[%get3A_959] {strides = array<i32>} : memref<528xf32, #tpu.memory_space<vmem>>, vector<16xf32>,
        %ge3A_961 = vector.broadcast %add3A_80 : i32 to vector<16xi32>
        %ge3A_962 = arith.cmpi sge, %add3A_956, %ge3A_961 : vector<16xi32>
        %add3A_963 = arith.constant 512 : i32
        %add3A_964 = arith.addi %add3A_80, %add3A_963 : i32
        %lt3A_965 = vector.broadcast %add3A_964 : i32 to vector<16xi32>
        %lt3A_966 = arith.cmpi slt, %add3A_956, %lt3A_965 : vector<16xi32>
        %and3A_967 = arith.andi %ge3A_962, %lt3A_966 : vector<16xi1>
        %lt3A_968 = vector.broadcast %reduce_max3A_37 : i32 to vector<16xi32>
        %lt3A_969 = arith.cmpi slt, %add3A_956, %lt3A_968 : vector<16xi32>
        %and3A_970 = arith.andi %and3A_967, %lt3A_969 : vector<16xi1>
        %sub3A_971 = vector.broadcast %mul3A_12 : i32 to vector<16xi32>
        %sub3A_972 = arith.subi %get3A_958, %sub3A_971 : vector<16xi32>
        %mul3A_973 = arith.constant 400 : i32
        %mul3A_974 = vector.broadcast %mul3A_973 : i32 to vector<16xi32>
        %mul3A_975 = arith.muli %mul3A_974, %broadcast_in_dim3A_0 : vector<16xi32>
        %mul3A_976 = arith.constant 16 : i32
        %mul3A_977 = vector.broadcast %mul3A_976 : i32 to vector<16xi32>
        %mul3A_978 = arith.muli %iota3A, %mul3A_977 : vector<16xi32>
        %add3A_979 = arith.addi %mul3A_975, %mul3A_978 : vector<16xi32>
        %select_n3A_980 = arith.select %and3A_970, %sub3A_972, %add3A_979 : vector<16xi1>, vector<16xi32>
        %swap3A_981 = arith.constant 400 : index
        %swap3A_982 = tpu.vector_load %arg10[%swap3A_981] {strides = array<i32>} : memref<528xi32, #tpu.memory_space<vmem>>, vector<16xi32>,
        tpu.vector_store %arg10[%swap3A_981], %select_n3A_980 {strides = array<i32>} : memref<528xi32, #tpu.memory_space<vmem>>, vector<16xi32>,
        %broadcast_in_dim3A_983 = arith.constant 0.000000e+00 : f32
        %broadcast_in_dim3A_984 = vector.broadcast %broadcast_in_dim3A_983 : f32 to vector<16xf32>
        %select_n3A_985 = arith.select %and3A_970, %get3A_960, %broadcast_in_dim3A_984 : vector<16xi1>, vector<16xf32>
        %swap3A_986 = arith.constant 400 : index
        %swap3A_987 = tpu.vector_load %arg11[%swap3A_986] {strides = array<i32>} : memref<528xf32, #tpu.memory_space<vmem>>, vector<16xf32>,
        tpu.vector_store %arg11[%swap3A_986], %select_n3A_985 {strides = array<i32>} : memref<528xf32, #tpu.memory_space<vmem>>, vector<16xf32>,
        %add3A_988 = arith.constant 416 : i32
        %add3A_989 = arith.addi %multiple_of3A, %add3A_988 : i32
        %add3A_990 = vector.broadcast %add3A_989 : i32 to vector<16xi32>
        %add3A_991 = arith.addi %add3A_990, %iota3A : vector<16xi32>
        %get3A_992 = arith.constant 416 : index
        %get3A_993 = tpu.vector_load %arg8[%get3A_992] {strides = array<i32>} : memref<528xi32, #tpu.memory_space<vmem>>, vector<16xi32>,
        %get3A_994 = arith.constant 416 : index
        %get3A_995 = tpu.vector_load %arg9[%get3A_994] {strides = array<i32>} : memref<528xf32, #tpu.memory_space<vmem>>, vector<16xf32>,
        %ge3A_996 = vector.broadcast %add3A_80 : i32 to vector<16xi32>
        %ge3A_997 = arith.cmpi sge, %add3A_991, %ge3A_996 : vector<16xi32>
        %add3A_998 = arith.constant 512 : i32
        %add3A_999 = arith.addi %add3A_80, %add3A_998 : i32
        %lt3A_1000 = vector.broadcast %add3A_999 : i32 to vector<16xi32>
        %lt3A_1001 = arith.cmpi slt, %add3A_991, %lt3A_1000 : vector<16xi32>
        %and3A_1002 = arith.andi %ge3A_997, %lt3A_1001 : vector<16xi1>
        %lt3A_1003 = vector.broadcast %reduce_max3A_37 : i32 to vector<16xi32>
        %lt3A_1004 = arith.cmpi slt, %add3A_991, %lt3A_1003 : vector<16xi32>
        %and3A_1005 = arith.andi %and3A_1002, %lt3A_1004 : vector<16xi1>
        %sub3A_1006 = vector.broadcast %mul3A_12 : i32 to vector<16xi32>
        %sub3A_1007 = arith.subi %get3A_993, %sub3A_1006 : vector<16xi32>
        %mul3A_1008 = arith.constant 416 : i32
        %mul3A_1009 = vector.broadcast %mul3A_1008 : i32 to vector<16xi32>
        %mul3A_1010 = arith.muli %mul3A_1009, %broadcast_in_dim3A_0 : vector<16xi32>
        %mul3A_1011 = arith.constant 16 : i32
        %mul3A_1012 = vector.broadcast %mul3A_1011 : i32 to vector<16xi32>
        %mul3A_1013 = arith.muli %iota3A, %mul3A_1012 : vector<16xi32>
        %add3A_1014 = arith.addi %mul3A_1010, %mul3A_1013 : vector<16xi32>
        %select_n3A_1015 = arith.select %and3A_1005, %sub3A_1007, %add3A_1014 : vector<16xi1>, vector<16xi32>
        %swap3A_1016 = arith.constant 416 : index
        %swap3A_1017 = tpu.vector_load %arg10[%swap3A_1016] {strides = array<i32>} : memref<528xi32, #tpu.memory_space<vmem>>, vector<16xi32>,
        tpu.vector_store %arg10[%swap3A_1016], %select_n3A_1015 {strides = array<i32>} : memref<528xi32, #tpu.memory_space<vmem>>, vector<16xi32>,
        %broadcast_in_dim3A_1018 = arith.constant 0.000000e+00 : f32
        %broadcast_in_dim3A_1019 = vector.broadcast %broadcast_in_dim3A_1018 : f32 to vector<16xf32>
        %select_n3A_1020 = arith.select %and3A_1005, %get3A_995, %broadcast_in_dim3A_1019 : vector<16xi1>, vector<16xf32>
        %swap3A_1021 = arith.constant 416 : index
        %swap3A_1022 = tpu.vector_load %arg11[%swap3A_1021] {strides = array<i32>} : memref<528xf32, #tpu.memory_space<vmem>>, vector<16xf32>,
        tpu.vector_store %arg11[%swap3A_1021], %select_n3A_1020 {strides = array<i32>} : memref<528xf32, #tpu.memory_space<vmem>>, vector<16xf32>,
        %add3A_1023 = arith.constant 432 : i32
        %add3A_1024 = arith.addi %multiple_of3A, %add3A_1023 : i32
        %add3A_1025 = vector.broadcast %add3A_1024 : i32 to vector<16xi32>
        %add3A_1026 = arith.addi %add3A_1025, %iota3A : vector<16xi32>
        %get3A_1027 = arith.constant 432 : index
        %get3A_1028 = tpu.vector_load %arg8[%get3A_1027] {strides = array<i32>} : memref<528xi32, #tpu.memory_space<vmem>>, vector<16xi32>,
        %get3A_1029 = arith.constant 432 : index
        %get3A_1030 = tpu.vector_load %arg9[%get3A_1029] {strides = array<i32>} : memref<528xf32, #tpu.memory_space<vmem>>, vector<16xf32>,
        %ge3A_1031 = vector.broadcast %add3A_80 : i32 to vector<16xi32>
        %ge3A_1032 = arith.cmpi sge, %add3A_1026, %ge3A_1031 : vector<16xi32>
        %add3A_1033 = arith.constant 512 : i32
        %add3A_1034 = arith.addi %add3A_80, %add3A_1033 : i32
        %lt3A_1035 = vector.broadcast %add3A_1034 : i32 to vector<16xi32>
        %lt3A_1036 = arith.cmpi slt, %add3A_1026, %lt3A_1035 : vector<16xi32>
        %and3A_1037 = arith.andi %ge3A_1032, %lt3A_1036 : vector<16xi1>
        %lt3A_1038 = vector.broadcast %reduce_max3A_37 : i32 to vector<16xi32>
        %lt3A_1039 = arith.cmpi slt, %add3A_1026, %lt3A_1038 : vector<16xi32>
        %and3A_1040 = arith.andi %and3A_1037, %lt3A_1039 : vector<16xi1>
        %sub3A_1041 = vector.broadcast %mul3A_12 : i32 to vector<16xi32>
        %sub3A_1042 = arith.subi %get3A_1028, %sub3A_1041 : vector<16xi32>
        %mul3A_1043 = arith.constant 432 : i32
        %mul3A_1044 = vector.broadcast %mul3A_1043 : i32 to vector<16xi32>
        %mul3A_1045 = arith.muli %mul3A_1044, %broadcast_in_dim3A_0 : vector<16xi32>
        %mul3A_1046 = arith.constant 16 : i32
        %mul3A_1047 = vector.broadcast %mul3A_1046 : i32 to vector<16xi32>
        %mul3A_1048 = arith.muli %iota3A, %mul3A_1047 : vector<16xi32>
        %add3A_1049 = arith.addi %mul3A_1045, %mul3A_1048 : vector<16xi32>
        %select_n3A_1050 = arith.select %and3A_1040, %sub3A_1042, %add3A_1049 : vector<16xi1>, vector<16xi32>
        %swap3A_1051 = arith.constant 432 : index
        %swap3A_1052 = tpu.vector_load %arg10[%swap3A_1051] {strides = array<i32>} : memref<528xi32, #tpu.memory_space<vmem>>, vector<16xi32>,
        tpu.vector_store %arg10[%swap3A_1051], %select_n3A_1050 {strides = array<i32>} : memref<528xi32, #tpu.memory_space<vmem>>, vector<16xi32>,
        %broadcast_in_dim3A_1053 = arith.constant 0.000000e+00 : f32
        %broadcast_in_dim3A_1054 = vector.broadcast %broadcast_in_dim3A_1053 : f32 to vector<16xf32>
        %select_n3A_1055 = arith.select %and3A_1040, %get3A_1030, %broadcast_in_dim3A_1054 : vector<16xi1>, vector<16xf32>
        %swap3A_1056 = arith.constant 432 : index
        %swap3A_1057 = tpu.vector_load %arg11[%swap3A_1056] {strides = array<i32>} : memref<528xf32, #tpu.memory_space<vmem>>, vector<16xf32>,
        tpu.vector_store %arg11[%swap3A_1056], %select_n3A_1055 {strides = array<i32>} : memref<528xf32, #tpu.memory_space<vmem>>, vector<16xf32>,
        %add3A_1058 = arith.constant 448 : i32
        %add3A_1059 = arith.addi %multiple_of3A, %add3A_1058 : i32
        %add3A_1060 = vector.broadcast %add3A_1059 : i32 to vector<16xi32>
        %add3A_1061 = arith.addi %add3A_1060, %iota3A : vector<16xi32>
        %get3A_1062 = arith.constant 448 : index
        %get3A_1063 = tpu.vector_load %arg8[%get3A_1062] {strides = array<i32>} : memref<528xi32, #tpu.memory_space<vmem>>, vector<16xi32>,
        %get3A_1064 = arith.constant 448 : index
        %get3A_1065 = tpu.vector_load %arg9[%get3A_1064] {strides = array<i32>} : memref<528xf32, #tpu.memory_space<vmem>>, vector<16xf32>,
        %ge3A_1066 = vector.broadcast %add3A_80 : i32 to vector<16xi32>
        %ge3A_1067 = arith.cmpi sge, %add3A_1061, %ge3A_1066 : vector<16xi32>
        %add3A_1068 = arith.constant 512 : i32
        %add3A_1069 = arith.addi %add3A_80, %add3A_1068 : i32
        %lt3A_1070 = vector.broadcast %add3A_1069 : i32 to vector<16xi32>
        %lt3A_1071 = arith.cmpi slt, %add3A_1061, %lt3A_1070 : vector<16xi32>
        %and3A_1072 = arith.andi %ge3A_1067, %lt3A_1071 : vector<16xi1>
        %lt3A_1073 = vector.broadcast %reduce_max3A_37 : i32 to vector<16xi32>
        %lt3A_1074 = arith.cmpi slt, %add3A_1061, %lt3A_1073 : vector<16xi32>
        %and3A_1075 = arith.andi %and3A_1072, %lt3A_1074 : vector<16xi1>
        %sub3A_1076 = vector.broadcast %mul3A_12 : i32 to vector<16xi32>
        %sub3A_1077 = arith.subi %get3A_1063, %sub3A_1076 : vector<16xi32>
        %mul3A_1078 = arith.constant 448 : i32
        %mul3A_1079 = vector.broadcast %mul3A_1078 : i32 to vector<16xi32>
        %mul3A_1080 = arith.muli %mul3A_1079, %broadcast_in_dim3A_0 : vector<16xi32>
        %mul3A_1081 = arith.constant 16 : i32
        %mul3A_1082 = vector.broadcast %mul3A_1081 : i32 to vector<16xi32>
        %mul3A_1083 = arith.muli %iota3A, %mul3A_1082 : vector<16xi32>
        %add3A_1084 = arith.addi %mul3A_1080, %mul3A_1083 : vector<16xi32>
        %select_n3A_1085 = arith.select %and3A_1075, %sub3A_1077, %add3A_1084 : vector<16xi1>, vector<16xi32>
        %swap3A_1086 = arith.constant 448 : index
        %swap3A_1087 = tpu.vector_load %arg10[%swap3A_1086] {strides = array<i32>} : memref<528xi32, #tpu.memory_space<vmem>>, vector<16xi32>,
        tpu.vector_store %arg10[%swap3A_1086], %select_n3A_1085 {strides = array<i32>} : memref<528xi32, #tpu.memory_space<vmem>>, vector<16xi32>,
        %broadcast_in_dim3A_1088 = arith.constant 0.000000e+00 : f32
        %broadcast_in_dim3A_1089 = vector.broadcast %broadcast_in_dim3A_1088 : f32 to vector<16xf32>
        %select_n3A_1090 = arith.select %and3A_1075, %get3A_1065, %broadcast_in_dim3A_1089 : vector<16xi1>, vector<16xf32>
        %swap3A_1091 = arith.constant 448 : index
        %swap3A_1092 = tpu.vector_load %arg11[%swap3A_1091] {strides = array<i32>} : memref<528xf32, #tpu.memory_space<vmem>>, vector<16xf32>,
        tpu.vector_store %arg11[%swap3A_1091], %select_n3A_1090 {strides = array<i32>} : memref<528xf32, #tpu.memory_space<vmem>>, vector<16xf32>,
        %add3A_1093 = arith.constant 464 : i32
        %add3A_1094 = arith.addi %multiple_of3A, %add3A_1093 : i32
        %add3A_1095 = vector.broadcast %add3A_1094 : i32 to vector<16xi32>
        %add3A_1096 = arith.addi %add3A_1095, %iota3A : vector<16xi32>
        %get3A_1097 = arith.constant 464 : index
        %get3A_1098 = tpu.vector_load %arg8[%get3A_1097] {strides = array<i32>} : memref<528xi32, #tpu.memory_space<vmem>>, vector<16xi32>,
        %get3A_1099 = arith.constant 464 : index
        %get3A_1100 = tpu.vector_load %arg9[%get3A_1099] {strides = array<i32>} : memref<528xf32, #tpu.memory_space<vmem>>, vector<16xf32>,
        %ge3A_1101 = vector.broadcast %add3A_80 : i32 to vector<16xi32>
        %ge3A_1102 = arith.cmpi sge, %add3A_1096, %ge3A_1101 : vector<16xi32>
        %add3A_1103 = arith.constant 512 : i32
        %add3A_1104 = arith.addi %add3A_80, %add3A_1103 : i32
        %lt3A_1105 = vector.broadcast %add3A_1104 : i32 to vector<16xi32>
        %lt3A_1106 = arith.cmpi slt, %add3A_1096, %lt3A_1105 : vector<16xi32>
        %and3A_1107 = arith.andi %ge3A_1102, %lt3A_1106 : vector<16xi1>
        %lt3A_1108 = vector.broadcast %reduce_max3A_37 : i32 to vector<16xi32>
        %lt3A_1109 = arith.cmpi slt, %add3A_1096, %lt3A_1108 : vector<16xi32>
        %and3A_1110 = arith.andi %and3A_1107, %lt3A_1109 : vector<16xi1>
        %sub3A_1111 = vector.broadcast %mul3A_12 : i32 to vector<16xi32>
        %sub3A_1112 = arith.subi %get3A_1098, %sub3A_1111 : vector<16xi32>
        %mul3A_1113 = arith.constant 464 : i32
        %mul3A_1114 = vector.broadcast %mul3A_1113 : i32 to vector<16xi32>
        %mul3A_1115 = arith.muli %mul3A_1114, %broadcast_in_dim3A_0 : vector<16xi32>
        %mul3A_1116 = arith.constant 16 : i32
        %mul3A_1117 = vector.broadcast %mul3A_1116 : i32 to vector<16xi32>
        %mul3A_1118 = arith.muli %iota3A, %mul3A_1117 : vector<16xi32>
        %add3A_1119 = arith.addi %mul3A_1115, %mul3A_1118 : vector<16xi32>
        %select_n3A_1120 = arith.select %and3A_1110, %sub3A_1112, %add3A_1119 : vector<16xi1>, vector<16xi32>
        %swap3A_1121 = arith.constant 464 : index
        %swap3A_1122 = tpu.vector_load %arg10[%swap3A_1121] {strides = array<i32>} : memref<528xi32, #tpu.memory_space<vmem>>, vector<16xi32>,
        tpu.vector_store %arg10[%swap3A_1121], %select_n3A_1120 {strides = array<i32>} : memref<528xi32, #tpu.memory_space<vmem>>, vector<16xi32>,
        %broadcast_in_dim3A_1123 = arith.constant 0.000000e+00 : f32
        %broadcast_in_dim3A_1124 = vector.broadcast %broadcast_in_dim3A_1123 : f32 to vector<16xf32>
        %select_n3A_1125 = arith.select %and3A_1110, %get3A_1100, %broadcast_in_dim3A_1124 : vector<16xi1>, vector<16xf32>
        %swap3A_1126 = arith.constant 464 : index
        %swap3A_1127 = tpu.vector_load %arg11[%swap3A_1126] {strides = array<i32>} : memref<528xf32, #tpu.memory_space<vmem>>, vector<16xf32>,
        tpu.vector_store %arg11[%swap3A_1126], %select_n3A_1125 {strides = array<i32>} : memref<528xf32, #tpu.memory_space<vmem>>, vector<16xf32>,
        %add3A_1128 = arith.constant 480 : i32
        %add3A_1129 = arith.addi %multiple_of3A, %add3A_1128 : i32
        %add3A_1130 = vector.broadcast %add3A_1129 : i32 to vector<16xi32>
        %add3A_1131 = arith.addi %add3A_1130, %iota3A : vector<16xi32>
        %get3A_1132 = arith.constant 480 : index
        %get3A_1133 = tpu.vector_load %arg8[%get3A_1132] {strides = array<i32>} : memref<528xi32, #tpu.memory_space<vmem>>, vector<16xi32>,
        %get3A_1134 = arith.constant 480 : index
        %get3A_1135 = tpu.vector_load %arg9[%get3A_1134] {strides = array<i32>} : memref<528xf32, #tpu.memory_space<vmem>>, vector<16xf32>,
        %ge3A_1136 = vector.broadcast %add3A_80 : i32 to vector<16xi32>
        %ge3A_1137 = arith.cmpi sge, %add3A_1131, %ge3A_1136 : vector<16xi32>
        %add3A_1138 = arith.constant 512 : i32
        %add3A_1139 = arith.addi %add3A_80, %add3A_1138 : i32
        %lt3A_1140 = vector.broadcast %add3A_1139 : i32 to vector<16xi32>
        %lt3A_1141 = arith.cmpi slt, %add3A_1131, %lt3A_1140 : vector<16xi32>
        %and3A_1142 = arith.andi %ge3A_1137, %lt3A_1141 : vector<16xi1>
        %lt3A_1143 = vector.broadcast %reduce_max3A_37 : i32 to vector<16xi32>
        %lt3A_1144 = arith.cmpi slt, %add3A_1131, %lt3A_1143 : vector<16xi32>
        %and3A_1145 = arith.andi %and3A_1142, %lt3A_1144 : vector<16xi1>
        %sub3A_1146 = vector.broadcast %mul3A_12 : i32 to vector<16xi32>
        %sub3A_1147 = arith.subi %get3A_1133, %sub3A_1146 : vector<16xi32>
        %mul3A_1148 = arith.constant 480 : i32
        %mul3A_1149 = vector.broadcast %mul3A_1148 : i32 to vector<16xi32>
        %mul3A_1150 = arith.muli %mul3A_1149, %broadcast_in_dim3A_0 : vector<16xi32>
        %mul3A_1151 = arith.constant 16 : i32
        %mul3A_1152 = vector.broadcast %mul3A_1151 : i32 to vector<16xi32>
        %mul3A_1153 = arith.muli %iota3A, %mul3A_1152 : vector<16xi32>
        %add3A_1154 = arith.addi %mul3A_1150, %mul3A_1153 : vector<16xi32>
        %select_n3A_1155 = arith.select %and3A_1145, %sub3A_1147, %add3A_1154 : vector<16xi1>, vector<16xi32>
        %swap3A_1156 = arith.constant 480 : index
        %swap3A_1157 = tpu.vector_load %arg10[%swap3A_1156] {strides = array<i32>} : memref<528xi32, #tpu.memory_space<vmem>>, vector<16xi32>,
        tpu.vector_store %arg10[%swap3A_1156], %select_n3A_1155 {strides = array<i32>} : memref<528xi32, #tpu.memory_space<vmem>>, vector<16xi32>,
        %broadcast_in_dim3A_1158 = arith.constant 0.000000e+00 : f32
        %broadcast_in_dim3A_1159 = vector.broadcast %broadcast_in_dim3A_1158 : f32 to vector<16xf32>
        %select_n3A_1160 = arith.select %and3A_1145, %get3A_1135, %broadcast_in_dim3A_1159 : vector<16xi1>, vector<16xf32>
        %swap3A_1161 = arith.constant 480 : index
        %swap3A_1162 = tpu.vector_load %arg11[%swap3A_1161] {strides = array<i32>} : memref<528xf32, #tpu.memory_space<vmem>>, vector<16xf32>,
        tpu.vector_store %arg11[%swap3A_1161], %select_n3A_1160 {strides = array<i32>} : memref<528xf32, #tpu.memory_space<vmem>>, vector<16xf32>,
        %add3A_1163 = arith.constant 496 : i32
        %add3A_1164 = arith.addi %multiple_of3A, %add3A_1163 : i32
        %add3A_1165 = vector.broadcast %add3A_1164 : i32 to vector<16xi32>
        %add3A_1166 = arith.addi %add3A_1165, %iota3A : vector<16xi32>
        %get3A_1167 = arith.constant 496 : index
        %get3A_1168 = tpu.vector_load %arg8[%get3A_1167] {strides = array<i32>} : memref<528xi32, #tpu.memory_space<vmem>>, vector<16xi32>,
        %get3A_1169 = arith.constant 496 : index
        %get3A_1170 = tpu.vector_load %arg9[%get3A_1169] {strides = array<i32>} : memref<528xf32, #tpu.memory_space<vmem>>, vector<16xf32>,
        %ge3A_1171 = vector.broadcast %add3A_80 : i32 to vector<16xi32>
        %ge3A_1172 = arith.cmpi sge, %add3A_1166, %ge3A_1171 : vector<16xi32>
        %add3A_1173 = arith.constant 512 : i32
        %add3A_1174 = arith.addi %add3A_80, %add3A_1173 : i32
        %lt3A_1175 = vector.broadcast %add3A_1174 : i32 to vector<16xi32>
        %lt3A_1176 = arith.cmpi slt, %add3A_1166, %lt3A_1175 : vector<16xi32>
        %and3A_1177 = arith.andi %ge3A_1172, %lt3A_1176 : vector<16xi1>
        %lt3A_1178 = vector.broadcast %reduce_max3A_37 : i32 to vector<16xi32>
        %lt3A_1179 = arith.cmpi slt, %add3A_1166, %lt3A_1178 : vector<16xi32>
        %and3A_1180 = arith.andi %and3A_1177, %lt3A_1179 : vector<16xi1>
        %sub3A_1181 = vector.broadcast %mul3A_12 : i32 to vector<16xi32>
        %sub3A_1182 = arith.subi %get3A_1168, %sub3A_1181 : vector<16xi32>
        %mul3A_1183 = arith.constant 496 : i32
        %mul3A_1184 = vector.broadcast %mul3A_1183 : i32 to vector<16xi32>
        %mul3A_1185 = arith.muli %mul3A_1184, %broadcast_in_dim3A_0 : vector<16xi32>
        %mul3A_1186 = arith.constant 16 : i32
        %mul3A_1187 = vector.broadcast %mul3A_1186 : i32 to vector<16xi32>
        %mul3A_1188 = arith.muli %iota3A, %mul3A_1187 : vector<16xi32>
        %add3A_1189 = arith.addi %mul3A_1185, %mul3A_1188 : vector<16xi32>
        %select_n3A_1190 = arith.select %and3A_1180, %sub3A_1182, %add3A_1189 : vector<16xi1>, vector<16xi32>
        %swap3A_1191 = arith.constant 496 : index
        %swap3A_1192 = tpu.vector_load %arg10[%swap3A_1191] {strides = array<i32>} : memref<528xi32, #tpu.memory_space<vmem>>, vector<16xi32>,
        tpu.vector_store %arg10[%swap3A_1191], %select_n3A_1190 {strides = array<i32>} : memref<528xi32, #tpu.memory_space<vmem>>, vector<16xi32>,
        %broadcast_in_dim3A_1193 = arith.constant 0.000000e+00 : f32
        %broadcast_in_dim3A_1194 = vector.broadcast %broadcast_in_dim3A_1193 : f32 to vector<16xf32>
        %select_n3A_1195 = arith.select %and3A_1180, %get3A_1170, %broadcast_in_dim3A_1194 : vector<16xi1>, vector<16xf32>
        %swap3A_1196 = arith.constant 496 : index
        %swap3A_1197 = tpu.vector_load %arg11[%swap3A_1196] {strides = array<i32>} : memref<528xf32, #tpu.memory_space<vmem>>, vector<16xf32>,
        tpu.vector_store %arg11[%swap3A_1196], %select_n3A_1195 {strides = array<i32>} : memref<528xf32, #tpu.memory_space<vmem>>, vector<16xf32>,
        %add3A_1198 = arith.constant 512 : i32
        %add3A_1199 = arith.addi %multiple_of3A, %add3A_1198 : i32
        %add3A_1200 = vector.broadcast %add3A_1199 : i32 to vector<16xi32>
        %add3A_1201 = arith.addi %add3A_1200, %iota3A : vector<16xi32>
        %get3A_1202 = arith.constant 512 : index
        %get3A_1203 = tpu.vector_load %arg8[%get3A_1202] {strides = array<i32>} : memref<528xi32, #tpu.memory_space<vmem>>, vector<16xi32>,
        %get3A_1204 = arith.constant 512 : index
        %get3A_1205 = tpu.vector_load %arg9[%get3A_1204] {strides = array<i32>} : memref<528xf32, #tpu.memory_space<vmem>>, vector<16xf32>,
        %ge3A_1206 = vector.broadcast %add3A_80 : i32 to vector<16xi32>
        %ge3A_1207 = arith.cmpi sge, %add3A_1201, %ge3A_1206 : vector<16xi32>
        %add3A_1208 = arith.constant 512 : i32
        %add3A_1209 = arith.addi %add3A_80, %add3A_1208 : i32
        %lt3A_1210 = vector.broadcast %add3A_1209 : i32 to vector<16xi32>
        %lt3A_1211 = arith.cmpi slt, %add3A_1201, %lt3A_1210 : vector<16xi32>
        %and3A_1212 = arith.andi %ge3A_1207, %lt3A_1211 : vector<16xi1>
        %lt3A_1213 = vector.broadcast %reduce_max3A_37 : i32 to vector<16xi32>
        %lt3A_1214 = arith.cmpi slt, %add3A_1201, %lt3A_1213 : vector<16xi32>
        %and3A_1215 = arith.andi %and3A_1212, %lt3A_1214 : vector<16xi1>
        %sub3A_1216 = vector.broadcast %mul3A_12 : i32 to vector<16xi32>
        %sub3A_1217 = arith.subi %get3A_1203, %sub3A_1216 : vector<16xi32>
        %mul3A_1218 = arith.constant 512 : i32
        %mul3A_1219 = vector.broadcast %mul3A_1218 : i32 to vector<16xi32>
        %mul3A_1220 = arith.muli %mul3A_1219, %broadcast_in_dim3A_0 : vector<16xi32>
        %mul3A_1221 = arith.constant 16 : i32
        %mul3A_1222 = vector.broadcast %mul3A_1221 : i32 to vector<16xi32>
        %mul3A_1223 = arith.muli %iota3A, %mul3A_1222 : vector<16xi32>
        %add3A_1224 = arith.addi %mul3A_1220, %mul3A_1223 : vector<16xi32>
        %select_n3A_1225 = arith.select %and3A_1215, %sub3A_1217, %add3A_1224 : vector<16xi1>, vector<16xi32>
        %swap3A_1226 = arith.constant 512 : index
        %swap3A_1227 = tpu.vector_load %arg10[%swap3A_1226] {strides = array<i32>} : memref<528xi32, #tpu.memory_space<vmem>>, vector<16xi32>,
        tpu.vector_store %arg10[%swap3A_1226], %select_n3A_1225 {strides = array<i32>} : memref<528xi32, #tpu.memory_space<vmem>>, vector<16xi32>,
        %broadcast_in_dim3A_1228 = arith.constant 0.000000e+00 : f32
        %broadcast_in_dim3A_1229 = vector.broadcast %broadcast_in_dim3A_1228 : f32 to vector<16xf32>
        %select_n3A_1230 = arith.select %and3A_1215, %get3A_1205, %broadcast_in_dim3A_1229 : vector<16xi1>, vector<16xf32>
        %swap3A_1231 = arith.constant 512 : index
        %swap3A_1232 = tpu.vector_load %arg11[%swap3A_1231] {strides = array<i32>} : memref<528xf32, #tpu.memory_space<vmem>>, vector<16xf32>,
        tpu.vector_store %arg11[%swap3A_1231], %select_n3A_1230 {strides = array<i32>} : memref<528xf32, #tpu.memory_space<vmem>>, vector<16xf32>,
        %dma_start3A_1233 = arith.constant 0 : i32
        %dma_start3A_1234 = tpu.memref_slice %arg7[%dma_start3A_1233] : memref<1048576xf32, #tpu.memory_space<vmem_shared>> -> memref<1048576xf32, #tpu.memory_space<vmem_shared>>
        tpu.enqueue_indirect_dma source(%arg11 : memref<528xf32, #tpu.memory_space<vmem>>) target(%dma_start3A_1234 : memref<1048576xf32, #tpu.memory_space<vmem_shared>>) offsets(%arg10 : memref<528xi32, #tpu.memory_space<vmem>>) semaphore(%arg14 : memref<!tpu.dma_semaphore, #tpu.memory_space<semaphore_mem>>) {add = true}
        %dma_wait3A_1235 = arith.constant 0 : i32
        %dma_wait3A_1236 = tpu.memref_slice %arg7[%dma_wait3A_1235] : memref<1048576xf32, #tpu.memory_space<vmem_shared>> -> memref<1048576xf32, #tpu.memory_space<vmem_shared>>
        tpu.wait_indirect_dma semaphore(%arg14 : memref<!tpu.dma_semaphore, #tpu.memory_space<semaphore_mem>>) src(%arg11 : memref<528xf32, #tpu.memory_space<vmem>>) dst(%dma_wait3A_1236 : memref<1048576xf32, #tpu.memory_space<vmem_shared>>)
      }
      %barrier3A_65 = arith.constant 0 : index
      tpu.barrier barrier_id(%barrier3A_65)
      %add3A_66 = arith.addi %mul3A_12, %mul3A_14 : i32
      %dma_start3A_67 = tpu.memref_slice %arg6[%add3A_66] : memref<67108864xf32, #tpu.memory_space<hbm>> -> memref<65536xf32, #tpu.memory_space<hbm>>
      %dma_start3A_68 = tpu.memref_slice %arg7[%mul3A_14] : memref<1048576xf32, #tpu.memory_space<vmem_shared>> -> memref<65536xf32, #tpu.memory_space<vmem_shared>>
      tpu.enqueue_dma source(%dma_start3A_68 : memref<65536xf32, #tpu.memory_space<vmem_shared>>) target(%dma_start3A_67 : memref<65536xf32, #tpu.memory_space<hbm>>) target_semaphore(%arg15 : memref<!tpu.dma_semaphore, #tpu.memory_space<semaphore_mem>>)
      %dma_wait3A_69 = tpu.memref_slice %arg6[%add3A_66] : memref<67108864xf32, #tpu.memory_space<hbm>> -> memref<65536xf32, #tpu.memory_space<hbm>>
      %dma_wait3A_70 = tpu.memref_slice %arg7[%mul3A_14] : memref<1048576xf32, #tpu.memory_space<vmem_shared>> -> memref<65536xf32, #tpu.memory_space<vmem_shared>>
      tpu.wait_dma2 semaphore(%arg15 : memref<!tpu.dma_semaphore, #tpu.memory_space<semaphore_mem>>) src(%dma_wait3A_70 : memref<65536xf32, #tpu.memory_space<vmem_shared>>) dst(%dma_wait3A_69 : memref<65536xf32, #tpu.memory_space<hbm>>)
      %barrier3A_71 = arith.constant 0 : index
      tpu.barrier barrier_id(%barrier3A_71)
    }
    %scan3A_4 = arith.constant 32 : i32
    return
  }
}

</mosaic_0001>

<sc_bundles>
// kernel: kernel.3.cloned.1.call-start
scs
__scs_entry_jumppad:
0x0: {  	(pc) =	sbr.rel $0x88, $3  }
0x1: {  	(tag) =	ssettag $0x0;
	lr =	simm.s32 $0x1  }
0x2: {  	[smem:$0x3F9E] =	sst lr;
	_ =	strace $0xD0000000  }
0x3: {  	_ = 	snop  }
0x4: {  	_ = 	snop  }
0x5: {  	_ = 	snop  }
0x6: {  	_ = 	snop  }
0x7: {  	_ = 	snop  }
__scs_overlays_trampoline_lowered:
0x8: {  	[smem:$0x3FAD] =	sst s0  }
0x9: {  	[smem:$0x3FAE] =	sst s1  }
0xa: {  	[smem:$0x3FAF] =	sst s2  }
0xb: {  	[smem:$0x3FB0] =	sst s3  }
0xc: {  	[smem:$0x3FB1] =	sst s4  }
0xd: {  	[smem:$0x3FB2] =	sst s5  }
0xe: {  	[smem:$0x3FB3] =	sst s6  }
0xf: {  	[smem:$0x3FB4] =	sst s7  }
0x10: {  	[smem:$0x3FB5] =	sst s8  }
0x11: {  	[smem:$0x3FB6] =	sst s9;
	s0 =	simm.s32 @!p0 $0x0  }
0x12: {  	s1 =	sld [smem:$0x3F9C];
	s0 =	simm.s32 @p0 $0x1  }
0x13: {  	[smem:$0x3FB7] =	sst s0;
	s0 =	simm.s32 @!p1 $0x0  }
0x14: {  	s2 =	sld [smem:$0x3F9B];
	s0 =	simm.s32 @p1 $0x1  }
0x15: {  	[smem:$0x3FB8] =	sst s0;
	s0 =	simm.s32 @!p2 $0x0  }
0x16: {  	s3 =	sld [smem:$0x3FDB];
	s0 =	simm.s32 @p2 $0x1  }
0x17: {  	s4 =	simm.s32 $0x1BF5;
	[smem:$0x3FBA] =	sst s0  }
0x18: {  	s0 =	sld [smem:$0x3F9D];
	_ =	swait.ge [sflag:s4], $0x0  }
0x19: {  	s7 =	sld [smem:$0x3F9E]  }
0x1a: {  	s8 =	sadd.s32 $0xFFFFE003, lr  }
0x1b: {  	s9 =	sadd.s32 $0xFFFFFEF7, lr;
	s5 =	simm.s32 $0xFFFFFFFF;
	p2 =	slt.u32 s8, $0xFFFFF086  }
0x1c: {  	p1 =	slt.u32 s9, $0xF7A;
	s5 =	simm.s32 @!p2 $0x0  }
0x1d: {  	s5 =	simm.s32 @p1 $0x1;
	p0 =	seq.s32 s7, s2  }
0x1e: {  	s7 =	smul.u32 @!p0 $0xF7A, s2;
	p2 =	seq.s32 @!p0 s5, $0x0  }
0x1f: {  	s9 =	smul.u32 $0xF7A, s1;
	s8 =	simm.s32 @!p0 $0x1BF5;
	p2 =	por !p2, p0  }
0x20: {  	[sflag:s8] =	ssyncset.s32 @!p0 $0xFFFFF086;
	s6 =	sadd.s32 @!p0 s3, s7;
	s7 =	simm.s32 @!p0 $0x108  }
0x21: {  	s3 =	sadd.s32 s3, s9;
	s6 =	sadd.s32 @!p0 $0x88, s6;
	s7 =	simm.s32 @p2 $0x1082  }
0x22: {  	[simem:s7], [sflag:s8] =	dma.local @!p0 [hbm:s6], $0xF7A  }
0x23: {  	s9 =	sor.u32 $0xD0000000, s2;
	s6 =	simm.s32 $0x108;
	_ =	swait.ge @!p0 [sflag:s8], $0x0  }
0x24: {  	s3 =	sadd.s32 $0x88, s3;
	s6 =	simm.s32 @!p1 $0x1082;
	[sflag:s4] =	ssyncset.s32 $0xFFFFF086  }
0x25: {  	[simem:s6], [sflag:s4] =	dma.local [hbm:s3], $0xF7A  }
0x26: {  	[smem:$0x3F9E] =	sst s1;
	(tag) =	ssettag s2;
	_ =	strace s9  }
0x27: {  	s1 =	sld [smem:$0x3FAE]  }
0x28: {  	s2 =	sld [smem:$0x3FAF]  }
0x29: {  	s4 =	sld [smem:$0x3FB1]  }
0x2a: {  	p0 =	seq.s32 s5, $0x0;
	s5 =	sld [smem:$0x3FB2]  }
0x2b: {  	s6 =	sld [smem:$0x3FB3]  }
0x2c: {  	s7 =	sld [smem:$0x3FB4]  }
0x2d: {  	s3 =	simm.s32 $0x108;
	s8 =	sld [smem:$0x3FB5]  }
0x2e: {  	s3 =	simm.s32 @!p0 $0x1082;
	s9 =	sld [smem:$0x3FB6]  }
0x2f: {  	lr =	sadd.s32 s0, s3;
	s0 =	sld [smem:$0x3FAD]  }
0x30: {  	s3 =	sld [smem:$0x3FB0]  }
0x31: {  	[smem:$0x3FB9] =	sst s10  }
0x32: {  	s10 =	sld [smem:$0x3FB7];
	_ =	sdelay $0x3  }
0x33: {  	p0 =	seq.s32 s10, $0x1;
	s10 =	sld [smem:$0x3FB9];
	_ =	sdelay $0x3  }
0x34: {  	[smem:$0x3FB9] =	sst s10  }
0x35: {  	s10 =	sld [smem:$0x3FB8];
	_ =	sdelay $0x3  }
0x36: {  	p1 =	seq.s32 s10, $0x1;
	s10 =	sld [smem:$0x3FB9];
	_ =	sdelay $0x3  }
0x37: {  	[smem:$0x3FB9] =	sst s10  }
0x38: {  	s10 =	sld [smem:$0x3FBA]  }
0x39: {  	_ = 	snop;
	(pc) =	sbr.ind lr, $3  }
0x3a: {  	_ = 	snop  }
0x3b: {  	_ = 	snop  }
0x3c: {  	p2 =	seq.s32 s10, $0x1;
	s10 =	sld [smem:$0x3FB9]  }
0x3d: {  	_ =	shalt  }
0x3e: {  	_ =	shalt  }
0x3f: {  	_ =	shalt  }
0x40: {  	_ =	shalt  }
0x41: {  	_ =	shalt  }
0x42: {  	_ =	shalt  }
0x43: {  	_ =	shalt  }
0x44: {  	_ =	shalt  }
0x45: {  	_ =	shalt  }
0x46: {  	_ =	shalt  }
0x47: {  	_ =	shalt  }
0x48: {  	_ =	shalt  }
0x49: {  	_ =	shalt  }
0x4a: {  	_ =	shalt  }
0x4b: {  	_ =	shalt  }
0x4c: {  	_ =	shalt  }
0x4d: {  	_ =	shalt  }
0x4e: {  	_ =	shalt  }
0x4f: {  	_ =	shalt  }
0x50: {  	_ =	shalt  }
0x51: {  	_ =	shalt  }
0x52: {  	_ =	shalt  }
0x53: {  	_ =	shalt  }
0x54: {  	_ =	shalt  }
0x55: {  	_ =	shalt  }
0x56: {  	_ =	shalt  }
0x57: {  	_ =	shalt  }
0x58: {  	_ =	shalt  }
0x59: {  	_ =	shalt  }
0x5a: {  	_ =	shalt  }
0x5b: {  	_ =	shalt  }
0x5c: {  	_ =	shalt  }
0x5d: {  	_ =	shalt  }
0x5e: {  	_ =	shalt  }
0x5f: {  	_ =	shalt  }
0x60: {  	_ =	shalt  }
0x61: {  	_ =	shalt  }
0x62: {  	_ =	shalt  }
0x63: {  	_ =	shalt  }
0x64: {  	_ =	shalt  }
0x65: {  	_ =	shalt  }
0x66: {  	_ =	shalt  }
0x67: {  	_ =	shalt  }
0x68: {  	_ =	shalt  }
0x69: {  	_ =	shalt  }
0x6a: {  	_ =	shalt  }
0x6b: {  	_ =	shalt  }
0x6c: {  	_ =	shalt  }
0x6d: {  	_ =	shalt  }
0x6e: {  	_ =	shalt  }
0x6f: {  	_ =	shalt  }
0x70: {  	_ =	shalt  }
0x71: {  	_ =	shalt  }
0x72: {  	_ =	shalt  }
0x73: {  	_ =	shalt  }
0x74: {  	_ =	shalt  }
0x75: {  	_ =	shalt  }
0x76: {  	_ =	shalt  }
0x77: {  	_ =	shalt  }
0x78: {  	_ =	shalt  }
0x79: {  	_ =	shalt  }
0x7a: {  	_ =	shalt  }
0x7b: {  	_ =	shalt  }
0x7c: {  	_ =	shalt  }
0x7d: {  	_ =	shalt  }
0x7e: {  	_ =	shalt  }
0x7f: {  	_ =	shalt  }
0x80: {  	_ =	shalt  }
0x81: {  	_ =	shalt  }
0x82: {  	_ =	shalt  }
0x83: {  	_ =	shalt  }
0x84: {  	_ =	shalt  }
0x85: {  	_ =	shalt  }
0x86: {  	_ =	shalt  }
0x87: {  	_ =	shalt  }
.Lfunc_end0:
.L_simem_size_0:
called_computation.1_lowered:
.L_overlay_start_0:
0x88: {  	s2 =	sld [smem:$0x3FD9]  }
0x89: {  	s3 =	sld [smem:$0x3FFE];
	_ =	sdelay $0x1  }
0x8a: {  	s1 =	srdreg.scid  }
0x8b: {  	s0 =	sand.u32 $0x1, s1  }
0x8c: {  	s17 =	sshll.u32 s0, $0xA;
	s2 =	sadd.s32 s3, s2  }
0x8d: {  	s2 =	sadd.s32 s2, s17  }
0x8e: {  	[smem:$0x3FC5] =	sst s2  }
0x8f: {  	_ = 	snop  }
0x90: {  	s2 =	sld [smem:$0x3FC8]  }
0x91: {  	s18 =	sld [smem:$0x3FC7]  }
0x92: {  	s4 =	sld [smem:$0x3FD0];
	(tm) =	ssettm $0x1  }
0x93: {  	s5 =	sld [smem:$0x3FFB];
	_ =	sdelay $0x3  }
0x94: {  	_ =	strace s5  }
0x95: {  	s5 =	sld [smem:$0x3FFC];
	_ =	sdelay $0x3  }
0x96: {  	_ =	strace s5  }
0x97: {  	s5 =	sld [smem:$0x3FFD];
	_ =	sdelay $0x3  }
0x98: {  	_ =	strace s5  }
0x99: {  	_ =	strace $0x8FFFFFFF  }
0x9a: {  	s19 =	sld [smem:$0x3FDB];
	_ =	sdelay $0x1  }
0x9b: {  	s6 =	simm.s32 $_scs_section_size  }
0x9c: {  	s7 =	simm.s32 $_size__tile_overlayer_lowered;
	s8 =	simm.s32 $_tile_overlayer_lowered  }
0x9d: {  	s22 =	simm.s32 $0x1BFF;
	s21 =	sshll.u32 s8, $0x1;
	s5 =	sadd.s32 s6, s19  }
0x9e: {  	s9 =	simm.s32 $0x0;
	s20 =	sshll.u32 s7, $0x1;
	s7 =	sadd.s32 s21, s5  }
0x9f: {  	[timem:s9], [sflag:s22] =	dma.local [hbm:s7], s20  }
0xa0: {  	_ =	swait.ge [sflag:s22], s20  }
0xa1: {  	s6 =	ssub.s32 $0x0, s20;
	[sflag:s22] =	ssyncset.done $0x0  }
0xa2: {  	[sflag:s22] =	ssyncadd.s32 s6;
	_ =	sdelay $0x1  }
0xa3: {  	s23 =	simm.s32 $0x1B8B  }
0xa4: {  	_ =	swait.ge [sflag:s23], $0x1  }
0xa5: {  	[sflag:s23] =	ssyncset.done $0x0  }
0xa6: {  	s25 =	simm.s32 $0x1B8E;
	s24 =	sld [smem:$0x3FFE];
	[sflag:s23] =	ssyncadd.s32 $0xFFFFFFFF  }
0xa7: {  	s26 =	simm.s32 $execute0_lowered;
	[smem:$0x3FD2] =	sst s25  }
0xa8: {  	s7 =	sshll.u32 s26, $0x1;
	_ =	strace $0x80000049;
	[dreg:$0x1] =	wrdreg $0xFFFFFFFF  }
0xa9: {  	s28 =	simm.s32 $_size_execute0_lowered;
	s5 =	sadd.s32 s5, s7;
	[dreg:$0x0] =	wrdreg $0x0  }
0xaa: {  	s7 =	sshll.u32 s28, $0x1;
	[dreg:$0x2] =	wrdreg s5  }
0xab: {  	[dreg:$0x3] =	wrdreg s7  }
0xac: {  	[dreg:$0x4] =	wrdreg $0xC0  }
0xad: {  	_ =	task [dreg:s9], $0x5FFFF  }
0xae: {  	[dreg:$0x1] =	wrdreg $0xFFFFFFFF  }
0xaf: {  	[dreg:$0x0] =	wrdreg $0x60  }
0xb0: {  	[dreg:$0x2] =	wrdreg s4  }
0xb1: {  	[dreg:$0x3] =	wrdreg s18  }
0xb2: {  	[dreg:$0x4] =	wrdreg s2  }
0xb3: {  	[dreg:$0x5] =	wrdreg s24  }
0xb4: {  	[dreg:$0x6] =	wrdreg $0x0  }
0xb5: {  	[dreg:$0x7] =	wrdreg $0x9  }
0xb6: {  	_ =	task.clear_ibuf [dreg:s9], $0x8FFFF;
	_ =	strace $0x90000049  }
0xb7: {  	s29 =	simm.s32 $0x9;
	_ =	strace $0x8000004B  }
0xb8: {  	_ =	swait.ge [sflag:s29], $0x1  }
0xb9: {  	[sflag:s29] =	ssyncadd.s32 $0xFFFFFFFF  }
0xba: {  	_ =	strace $0x9000004B  }
0xbb: {  	_ =	sfence  }
0xbc: {  	s30 =	sld [smem:$0x0];
	_ =	sdelay $0x2  }
0xbd: {  	s31 =	sshll.u32 s1, $0xD;
	s1 =	sshrl.u32 s1, $0x2  }
0xbe: {  	s3 =	sand.u32 $0x4000, s31;
	s1 =	sadd.s32 s1, s30  }
0xbf: {  	s0 =	sor.u32 s3, s0;
	s1 =	sshll.u32 s1, $0x11  }
0xc0: {  	s0 =	sor.u32 s1, s0  }
0xc1: {  	s0 =	sadd.s32 $0x8F2B, s0  }
0xc2: {  	[sflag:s0] =	ssyncadd.remote.s32 $0x1  }
0xc3: {  	_ =	sfence.sel $0xFFFF  }
0xc4: {  	[dreg:$0x0] =	wrdreg $0xFFFFFFFF;
	(pc) =	sbr.abs _section_cstart, $3  }
0xc5: {  	[dreg:$0x1] =	wrdreg $0xFFFFFFFF  }
0xc6: {  	_ =	task.clear_ibuf [dreg:s9], $0x2FFFF;
	_ =	strace $0x9FFFFFFF  }
0xc7: {  	(tm) =	ssettm $0x7FFFFFFF  }
tec
execute0_lowered:
.L_overlay_start_1:
0x0: {  	(tag) =	ssettag $0x1  }
0x1: {  	s0 =	rddreg [dreg:$0x0]  }
0x2: {  	s1 =	rddreg [dreg:$0x1]  }
0x3: {  	s31 =	rddreg [dreg:$0x2]  }
0x4: {  	s7 =	rddreg [dreg:$0x3]  }
0x5: {  	s2 =	rddreg [dreg:$0x4];
	v0 =	vlaneseq.u32;
	s3 =	simm.s32 $0x0  }
0x6: {  	s4 =	srdreg.scid;
	s5 =	stileid.u32;
	s13 =	simm.s32 $0x10000;
	v1 =	vmul.u32 $0x10, v0  }
0x7: {  	s12 =	simm.s32 $0x10A00;
	s14 =	simm.s32 $0x10280;
	[dreg:$0x6] =	wrdreg s1  }
0x8: {  	s15 =	simm.s32 $0x210;
	s17 =	simm.s32 $0x10500;
	[dreg:$0x8] =	wrdreg s31;
	v2 =	vor.u32 $0x100, v1;
	v3 =	vor.u32 $0x200, v1  }
0x9: {  	s18 =	simm.s32 $0x10780;
	s19 =	simm.s32 $0x3;
	s1 =	rddreg [dreg:$0x5];
	v4 =	vor.u32 $0x300, v1;
	v5 =	vor.u32 $0x400, v1;
	v6 =	vor.u32 $0x500, v1  }
0xa: {  	s20 =	simm.s32 $0x0;
	[smem:$0x7FF] =	sst s3;
	s4 =	sand.u32 $0x1, s4;
	v7 =	vor.u32 $0x600, v1;
	v8 =	vor.u32 $0x700, v1;
	v9 =	vor.u32 $0x800, v1  }
0xb: {  	s6 =	sadd.s32 $0xC00, s7;
	s7 =	sadd.s32 $0xE00, s7;
	s11 =	sshll.u32 s5, $0x9;
	v10 =	vor.u32 $0x900, v1;
	v11 =	vor.u32 $0xA00, v1;
	v12 =	vor.u32 $0xB00, v1  }
0xc: {  	_ =	strace $0x8000004A;
	s8 =	ssub.s32 $0x2, s4;
	[dreg:$0x7] =	wrdreg s13;
	v13 =	vor.u32 $0xC00, v1;
	v14 =	vor.u32 $0xD00, v1;
	v15 =	vor.u32 $0xE00, v1  }
0xd: {  	s11 =	sor.u32 $0x80000000, s11;
	s13 =	simm.s32 $0x4;
	[dreg:$0x9] =	wrdreg s14;
	v16 =	vor.u32 $0xF00, v1;
	v17 =	vor.u32 $0x1000, v1;
	v18 =	vor.u32 $0x1100, v1  }
.Ltmp0:
0xe: {  	s14 =	sshll.u32 s5, $0x6;
	[dreg:$0xc] =	wrdreg s15;
	v19 =	vor.u32 $0x1200, v1;
	v20 =	vor.u32 $0x1300, v1;
	v21 =	vor.u32 $0x1400, v1;
	(pc) =	sbr.rel .LBB2_1-.Ltmp0, $4  }
0xf: {  	[dreg:$0xb] =	wrdreg s17;
	s17 =	simm.s32 $0x1;
	s9 =	sshrl.u32 s8, $0x1;
	v22 =	vor.u32 $0x1500, v1;
	v23 =	vor.u32 $0x1600, v1;
	v24 =	vor.u32 $0x1700, v1  }
0x10: {  	[dreg:$0xa] =	wrdreg s18;
	v25 =	vor.u32 $0x1800, v1;
	v26 =	vor.u32 $0x1900, v1;
	v27 =	vor.u32 $0x1A00, v1;
	s10 =	ssub.s32 s8, s9;
	s8 =	sshll.u32 s5, $0x10  }
0x11: {  	s18 =	simm.s32 $0x2;
	s15 =	sor.u32 $0x1C01, s14;
	v28 =	vor.u32 $0x1B00, v1;
	v29 =	vor.u32 $0x1C00, v1;
	v30 =	vor.u32 $0x1D00, v1;
	s16 =	sadd.s32 s8, s2  }
0x12: {  	v31 =	vor.u32 $0x1E00, v1;
	v32 =	vor.u32 $0x1F00, v1;
	v33 =	vor.u32 $0x2000, v1;
	s9 =	sxor.u32 $0xF, s5;
	s10 =	smax.u32 s10, $0x1;
	s16 =	sshrl.u32 s16, $0x3  }
.LBB2_6:
0x13: {  	s20 =	sadd.s32 $0x1, s20  }
0x14: {  	p0 =	sne.s32 s20, s10  }
.Ltmp1:
0x15: {  	_ = 	snop;
	(pc) =	sbr.rel @!p0 .LBB2_7-.Ltmp1, $1  }
0x16: {  	_ =	sdelay $0x3  }
.LBB2_1:
.Ltmp2:
0x17: {  	(pc) =	sbr.rel .LBB2_2-.Ltmp2, $4  }
0x18: {  	[tilespmem:s12], [sflag:$0x4] =	stream.linear.gather [hbm4b:s6+s3], $0x80, $0x38;
	[tilespmem:$0x10A80] =	vst v63  }
0x19: {  	_ =	swait.ge [sflag:s13], $0x80  }
0x1a: {  	[sflag:s13] =	ssyncset.done $0x0  }
0x1b: {  	s21 =	simm.s32 $0x0;
	[sflag:s13] =	ssyncadd.s32 $0xFFFFFF80  }
.LBB2_5:
0x1c: {  	[bflag:$0x0] =	sbarrier.arrive $0xFFFF  }
0x1d: {  	s22 =	sadd.s32 s7, s22;
	s23 =	sor.u32 $0x1C03, s14;
	s21 =	sadd.s32 $0x1, s21  }
0x1e: {  	[hbm:s22], [sflag:s23] =	dma.local [spmem:s16], $0x2000  }
0x1f: {  	p0 =	sne.s32 s21, $0x20  }
.Ltmp3:
0x20: {  	_ =	swait.ge [sflag:s19], $0x2000;
	(pc) =	sbr.rel @!p0 .LBB2_6-.Ltmp3, $3  }
0x21: {  	[sflag:s19] =	ssyncset.done $0x0  }
0x22: {  	[sflag:s19] =	ssyncadd.s32 $0xFFFFE000  }
0x23: {  	[bflag:$0x0] =	sbarrier.arrive $0xFFFF;
	_ =	sdelay $0x1  }
.LBB2_2:
0x24: {  	s22 =	sshll.u32 s21, $0x1  }
0x25: {  	s23 =	sor.u32 s4, s22  }
0x26: {  	s24 =	sshll.u32 s23, $0x14  }
0x27: {  	s29 =	sor.u32 s8, s24  }
0x28: {  	s22 =	sshrl.u32 s29, $0x3  }
0x29: {  	v34 =	vmov s23;
	s23 =	sadd.s32 $0x1, s23;
	s25 =	sadd.s32 s0, s22  }
0x2a: {  	[spmem:s16], [sflag:s15] =	dma.local [hbm:s25], $0x2000  }
0x2b: {  	v35 =	vmov s23;
	_ =	swait.ge [sflag:s17], $0x2000  }
0x2c: {  	[sflag:s17] =	ssyncset.done $0x0  }
0x2d: {  	[sflag:s17] =	ssyncadd.s32 $0xFFFFE000  }
0x2e: {  	[bflag:$0x0] =	sbarrier.arrive $0xFFFF  }
0x2f: {  	v34 =	vld.idx.msk [tilespmem:v34+s12+$0x0], $0xffff  }
0x30: {  	v35 =	vld.idx.msk [tilespmem:v35+s12+$0x0], $0xffff;
	_ =	sdelay $0x3  }
0x31: {  	v34 =	vxor.u32 $0x80000000, v34  }
0x32: {  	v61 =	vxor.u32 $0x80000000, v35;
	(xrf0) =	vmax.scan.msk.u32 $0xffff, v34  }
0x33: {  	(xrf0) =	vmax.scan.msk.u32 $0xffff, v61;
	_ =	sdelay $0x4  }
0x34: {  	v62, _, _ =	vpop (xrf0)  }
0x35: {  	(v2sf) =	vpush v62, $0xF;
	v63, _, _ =	vpop (xrf0)  }
0x36: {  	(v2sf) =	vpush v63, $0xF;
	_ =	sdelay $0xd  }
0x37: {  	s25 =	spop (v2sf)  }
0x38: {  	s30 =	spop (v2sf)  }
0x39: {  	s28 =	sxor.u32 $0x80000000, s25;
	s26 =	sxor.u32 $0x80000000, s30  }
0x3a: {  	s23 =	ssub.s32 s26, s28  }
0x3b: {  	s23 =	sadd.s32 $0x1FF, s23  }
0x3c: {  	s31 =	sshra.s32 s23, $0x1F  }
0x3d: {  	s28 =	sshrl.u32 s31, $0x17  }
0x3e: {  	s23 =	sadd.s32 s28, s23  }
0x3f: {  	s23 =	sshra.s32 s23, $0x9  }
0x40: {  	s23 =	sadd.s32 s23, s9  }
0x41: {  	p0 =	slt.s32 s23, $0x10  }
.Ltmp4:
0x42: {  	_ = 	snop;
	(pc) =	sbr.rel @p0 .LBB2_5-.Ltmp4, $1  }
0x43: {  	_ =	sdelay $0x3  }
0x44: {  	s28 =	sshrl.u32 s23, $0x1C  }
0x45: {  	s23 =	sadd.s32 s28, s23  }
0x46: {  	v34 =	vmov s26;
	v35 =	vmov s24;
	s24 =	sadd.s32 s25, s11;
	s23 =	sshra.s32 s23, $0x4  }
.LBB2_4:
0x47: {  	s25 =	sshra.s32 s24, $0x1F  }
0x48: {  	s25 =	sshrl.u32 s25, $0x1D  }
0x49: {  	s25 =	sadd.s32 s25, s24  }
0x4a: {  	s25 =	sand.u32 $0xFFFFFFF8, s25  }
0x4b: {  	p0 =	slt.s32 s25, $0xA3B60  }
0x4c: {  	s25 =	simm.s32 @!p0 $0xA3B60  }
0x4d: {  	s26 =	rddreg [dreg:$0x6];
	s29 =	sshrl.u32 s25, $0x3  }
0x4e: {  	s28 =	rddreg [dreg:$0x7];
	s26 =	sadd.s32 s26, s29  }
0x4f: {  	[tilespmem:s28], [sflag:$0x4] =	stream.linear.gather [hbm4b:s26+s3], $0x210, $0x38;
	[tilespmem:$0x10A80] =	vst v63  }
0x50: {  	_ =	swait.ge [sflag:s13], $0x210  }
0x51: {  	s31 =	rddreg [dreg:$0x8];
	[sflag:s13] =	ssyncset.done $0x0  }
0x52: {  	s30 =	rddreg [dreg:$0x9];
	[sflag:s13] =	ssyncadd.s32 $0xFFFFFDF0;
	s26 =	sadd.s32 s31, s29  }
0x53: {  	[tilespmem:s30], [sflag:$0x4] =	stream.linear.gather [hbm4b:s26+s3], $0x210, $0x38;
	[tilespmem:$0x10A80] =	vst v63  }
0x54: {  	_ =	swait.ge [sflag:s13], $0x210  }
0x55: {  	v37 =	vadd.s32 s25, v0;
	[sflag:s13] =	ssyncset.done $0x0  }
0x56: {  	vm1 =	vlt.s32 v37, v34;
	s31 =	sadd.s32 $0x10, s25;
	s29 =	sadd.s32 $0x20, s25;
	[sflag:s13] =	ssyncadd.s32 $0xFFFFFDF0  }
0x57: {  	vm2 =	vge.s32 v37, s24;
	s26 =	sadd.s32 $0x200, s24;
	v39 =	vadd.s32 s31, v0;
	v41 =	vadd.s32 s29, v0;
	v36 =	vld [tilespmem:$0x10000]  }
0x58: {  	vm0 =	vlt.s32 v37, s26;
	vm8 =	vlt.s32 v39, s26;
	vm9 =	vlt.s32 v39, v34;
	v38 =	vld [tilespmem:$0x10280]  }
0x59: {  	s30 =	sadd.s32 $0x30, s25;
	s31 =	sadd.s32 $0x40, s25;
	vm10 =	vge.s32 v39, s24;
	vm12 =	vlt.s32 v41, s26;
	vm13 =	vlt.s32 v41, v34;
	v53 =	vld [tilespmem:$0x10010]  }
0x5a: {  	s29 =	sadd.s32 $0x50, s25;
	vm14 =	vge.s32 v41, s24;
	v43 =	vadd.s32 s30, v0;
	v45 =	vadd.s32 s31, v0;
	v40 =	vld [tilespmem:$0x10290]  }
0x5b: {  	v47 =	vadd.s32 s29, v0;
	vm0 =	vmand vm0, vm1;
	vm1 =	vmand vm8, vm9;
	v54 =	vld [tilespmem:$0x10020]  }
0x5c: {  	s30 =	sadd.s32 $0x60, s25;
	vm4 =	vlt.s32 v43, s26;
	vm5 =	vlt.s32 v43, v34;
	vm6 =	vge.s32 v43, s24;
	v42 =	vld [tilespmem:$0x102A0]  }
0x5d: {  	s31 =	sadd.s32 $0x70, s25;
	vm8 =	vlt.s32 v45, s26;
	vm9 =	vlt.s32 v45, v34;
	v49 =	vadd.s32 s30, v0;
	v55 =	vld [tilespmem:$0x10030]  }
0x5e: {  	v51 =	vadd.s32 s31, v0;
	vm0 =	vmand vm0, vm2;
	vm11 =	vmand vm1, vm10;
	v44 =	vld [tilespmem:$0x102B0]  }
0x5f: {  	vm1 =	vmand vm12, vm13;
	vm10 =	vge.s32 v45, s24;
	vm12 =	vlt.s32 v47, s26;
	v56 =	vld [tilespmem:$0x10040]  }
0x60: {  	vm13 =	vlt.s32 v47, v34;
	vm15 =	vmand vm1, vm14;
	vm1 =	vmand vm4, vm5;
	v57 =	vld [tilespmem:$0x10050]  }
0x61: {  	vm14 =	vge.s32 v47, s24;
	v58 =	vld [tilespmem:$0x10060];
	vm4 =	vlt.s32 v49, s26;
	vm5 =	vlt.s32 v49, v34  }
0x62: {  	v59 =	vld [tilespmem:$0x10070];
	vm7 =	vmand vm1, vm6;
	vm1 =	vmand vm8, vm9;
	vm6 =	vge.s32 v49, s24  }
0x63: {  	vm8 =	vlt.s32 v51, s26;
	vm9 =	vlt.s32 v51, v34;
	v36 =	vsub.s32 v36, v35  }
0x64: {  	v38 =	vnsel vm0, $0x0, v38;
	v37 =	vsub.s32 v53, v35;
	v40 =	vnsel vm11, $0x0, v40  }
0x65: {  	v39 =	vsub.s32 v54, v35;
	v42 =	vnsel vm15, $0x0, v42;
	v41 =	vsub.s32 v55, v35  }
0x66: {  	s29 =	sadd.s32 $0x80, s25;
	v60 =	vld [tilespmem:$0x10080];
	v44 =	vnsel vm7, $0x0, v44;
	v43 =	vsub.s32 v56, v35;
	v45 =	vsub.s32 v57, v35  }
0x67: {  	s30 =	sadd.s32 $0x90, s25;
	s31 =	sadd.s32 $0xA0, s25;
	v46 =	vld [tilespmem:$0x102C0];
	v47 =	vsub.s32 v58, v35;
	v53 =	vadd.s32 s29, v0;
	v49 =	vsub.s32 v59, v35  }
0x68: {  	v55 =	vadd.s32 s30, v0;
	v57 =	vadd.s32 s31, v0;
	v36 =	vsel vm0, v36, v1  }
0x69: {  	v61 =	vld [tilespmem:$0x10090];
	v37 =	vsel vm11, v37, v2;
	v39 =	vsel vm15, v39, v3;
	v41 =	vsel vm7, v41, v4  }
0x6a: {  	v48 =	vld [tilespmem:$0x102D0];
	vm11 =	vmand vm1, vm10;
	vm1 =	vmand vm12, vm13;
	vm10 =	vge.s32 v51, s24  }
0x6b: {  	s29 =	sadd.s32 $0xB0, s25;
	vm12 =	vlt.s32 v53, s26;
	vm13 =	vlt.s32 v53, v34;
	v51 =	vsub.s32 v60, v35  }
0x6c: {  	v62 =	vld [tilespmem:$0x100A0];
	v59 =	vadd.s32 s29, v0;
	v43 =	vsel vm11, v43, v5;
	v46 =	vnsel vm11, $0x0, v46  }
0x6d: {  	v50 =	vld [tilespmem:$0x102E0];
	vm15 =	vmand vm1, vm14;
	vm1 =	vmand vm4, vm5;
	vm14 =	vge.s32 v53, s24  }
0x6e: {  	s30 =	sadd.s32 $0xC0, s25;
	vm4 =	vlt.s32 v55, s26;
	vm5 =	vlt.s32 v55, v34;
	v53 =	vsub.s32 v61, v35  }
0x6f: {  	v52 =	vld [tilespmem:$0x102F0];
	v61 =	vadd.s32 s30, v0;
	v45 =	vsel vm15, v45, v6;
	v48 =	vnsel vm15, $0x0, v48  }
0x70: {  	vm7 =	vmand vm1, vm6;
	vm1 =	vmand vm8, vm9;
	vm6 =	vge.s32 v55, s24  }
0x71: {  	v54 =	vld [tilespmem:$0x10300];
	vm8 =	vlt.s32 v57, s26;
	vm9 =	vlt.s32 v57, v34;
	v55 =	vsub.s32 v62, v35  }
0x72: {  	[tilespmem:$0x10780] =	vst v38;
	v38 =	vld [tilespmem:$0x100D0];
	v47 =	vsel vm7, v47, v7;
	v50 =	vnsel vm7, $0x0, v50;
	vm11 =	vmand vm1, vm10  }
0x73: {  	[tilespmem:$0x10790] =	vst v40;
	v40 =	vld [tilespmem:$0x100E0];
	vm1 =	vmand vm12, vm13;
	vm10 =	vge.s32 v57, s24;
	vm12 =	vlt.s32 v59, s26  }
0x74: {  	v56 =	vld [tilespmem:$0x10310];
	vm13 =	vlt.s32 v59, v34;
	v49 =	vsel vm11, v49, v8;
	v52 =	vnsel vm11, $0x0, v52  }
0x75: {  	v58 =	vld [tilespmem:$0x10320];
	vm15 =	vmand vm1, vm14;
	vm1 =	vmand vm4, vm5;
	vm14 =	vge.s32 v59, s24  }
0x76: {  	v57 =	vld [tilespmem:$0x100B0];
	vm4 =	vlt.s32 v61, s26;
	vm5 =	vlt.s32 v61, v34;
	v51 =	vsel vm15, v51, v9  }
0x77: {  	v60 =	vld [tilespmem:$0x10330];
	v54 =	vnsel vm15, $0x0, v54;
	vm7 =	vmand vm1, vm6;
	vm1 =	vmand vm8, vm9  }
0x78: {  	v59 =	vld [tilespmem:$0x100C0];
	vm6 =	vge.s32 v61, s24;
	v38 =	vsub.s32 v38, v35;
	v40 =	vsub.s32 v40, v35  }
0x79: {  	v53 =	vsel vm7, v53, v10;
	v56 =	vnsel vm7, $0x0, v56;
	vm11 =	vmand vm1, vm10  }
0x7a: {  	vm1 =	vmand vm12, vm13;
	v55 =	vsel vm11, v55, v11;
	v58 =	vnsel vm11, $0x0, v58  }
0x7b: {  	s31 =	sadd.s32 $0xD0, s25;
	[tilespmem:$0x10510] =	vst v37;
	v62 =	vld [tilespmem:$0x10350];
	vm15 =	vmand vm1, vm14;
	vm1 =	vmand vm4, vm5;
	v63 =	vsub.s32 v57, v35  }
0x7c: {  	[tilespmem:$0x10810] =	vst v56;
	v56 =	vld [tilespmem:$0x10160];
	v37 =	vnsel vm15, $0x0, v60;
	vm7 =	vmand vm1, vm6;
	v60 =	vadd.s32 s31, v0  }
0x7d: {  	s29 =	sadd.s32 $0xE0, s25;
	[tilespmem:$0x10500] =	vst v36;
	v57 =	vld [tilespmem:$0x10340];
	v36 =	vsel vm15, v63, v12;
	v61 =	vsub.s32 v59, v35;
	vm8 =	vlt.s32 v60, s26  }
0x7e: {  	[tilespmem:$0x10820] =	vst v58;
	v58 =	vld [tilespmem:$0x10140];
	vm9 =	vlt.s32 v60, v34;
	vm10 =	vge.s32 v60, s24;
	v63 =	vadd.s32 s29, v0  }
0x7f: {  	[tilespmem:$0x10520] =	vst v39;
	v60 =	vld [tilespmem:$0x10360];
	v39 =	vsel vm7, v61, v13;
	vm1 =	vmand vm8, vm9;
	vm12 =	vlt.s32 v63, s26  }
0x80: {  	[tilespmem:$0x107A0] =	vst v42;
	v59 =	vld [tilespmem:$0x10100];
	vm13 =	vlt.s32 v63, v34;
	vm14 =	vge.s32 v63, s24;
	vm11 =	vmand vm1, vm10  }
0x81: {  	s30 =	sadd.s32 $0xF0, s25;
	[tilespmem:$0x10540] =	vst v43;
	v61 =	vld [tilespmem:$0x100F0];
	vm1 =	vmand vm12, vm13;
	v38 =	vsel vm11, v38, v14;
	v43 =	vnsel vm11, $0x0, v62  }
0x82: {  	[tilespmem:$0x107B0] =	vst v44;
	vm15 =	vmand vm1, vm14;
	v62 =	vadd.s32 s30, v0;
	v42 =	vnsel vm7, $0x0, v57  }
0x83: {  	[tilespmem:$0x10800] =	vst v54;
	vm4 =	vlt.s32 v62, s26;
	vm5 =	vlt.s32 v62, v34;
	v40 =	vsel vm15, v40, v15  }
0x84: {  	s31 =	sadd.s32 $0x100, s25;
	v63 =	vld [tilespmem:$0x10370];
	vm6 =	vge.s32 v62, s24;
	[tilespmem:$0x10850] =	vst v43;
	v54 =	vsub.s32 v58, v35;
	v43 =	vsub.s32 v56, v35  }
0x85: {  	[tilespmem:$0x10530] =	vst v41;
	vm1 =	vmand vm4, vm5;
	v41 =	vnsel vm15, $0x0, v60;
	v60 =	vadd.s32 s31, v0  }
0x86: {  	[tilespmem:$0x10550] =	vst v45;
	v45 =	vsub.s32 v59, v35;
	vm7 =	vmand vm1, vm6;
	v44 =	vsub.s32 v61, v35  }
0x87: {  	s30 =	sadd.s32 $0x120, s25;
	vm8 =	vlt.s32 v60, s26;
	vm9 =	vlt.s32 v60, v34;
	vm10 =	vge.s32 v60, s24  }
0x88: {  	[tilespmem:$0x107C0] =	vst v46;
	s29 =	sadd.s32 $0x110, s25;
	v62 =	vld [tilespmem:$0x10110];
	v60 =	vadd.s32 s30, v0;
	v44 =	vsel vm7, v44, v16;
	vm1 =	vmand vm8, vm9  }
0x89: {  	[tilespmem:$0x107D0] =	vst v48;
	v46 =	vnsel vm7, $0x0, v63;
	v63 =	vadd.s32 s29, v0;
	vm4 =	vlt.s32 v60, s26  }
0x8a: {  	[tilespmem:$0x10560] =	vst v47;
	v59 =	vld [tilespmem:$0x10120];
	vm5 =	vlt.s32 v60, v34;
	vm6 =	vge.s32 v60, s24;
	vm11 =	vmand vm1, vm10  }
0x8b: {  	[tilespmem:$0x107E0] =	vst v50;
	s31 =	sadd.s32 $0x130, s25;
	v61 =	vld [tilespmem:$0x10380];
	vm12 =	vlt.s32 v63, s26;
	vm13 =	vlt.s32 v63, v34;
	vm14 =	vge.s32 v63, s24  }
0x8c: {  	[tilespmem:$0x10570] =	vst v49;
	v57 =	vld [tilespmem:$0x10390];
	v63 =	vadd.s32 s31, v0;
	v45 =	vsel vm11, v45, v17;
	vm1 =	vmand vm12, vm13  }
0x8d: {  	[tilespmem:$0x107F0] =	vst v52;
	s30 =	sadd.s32 $0x150, s25;
	v48 =	vsub.s32 v62, v35;
	vm8 =	vlt.s32 v63, s26;
	vm9 =	vlt.s32 v63, v34  }
0x8e: {  	[tilespmem:$0x10580] =	vst v51;
	s29 =	sadd.s32 $0x140, s25;
	vm10 =	vge.s32 v63, s24;
	v63 =	vadd.s32 s30, v0;
	vm15 =	vmand vm1, vm14  }
0x8f: {  	[tilespmem:$0x10590] =	vst v53;
	vm1 =	vmand vm4, vm5;
	v49 =	vsub.s32 v59, v35;
	v59 =	vadd.s32 s29, v0  }
0x90: {  	[tilespmem:$0x105A0] =	vst v55;
	vm4 =	vlt.s32 v63, s26;
	vm5 =	vlt.s32 v63, v34;
	v47 =	vnsel vm11, $0x0, v61  }
0x91: {  	[tilespmem:$0x10830] =	vst v37;
	v62 =	vld [tilespmem:$0x10130];
	v48 =	vsel vm15, v48, v18;
	v50 =	vnsel vm15, $0x0, v57;
	vm7 =	vmand vm1, vm6  }
0x92: {  	[tilespmem:$0x105B0] =	vst v36;
	s30 =	sadd.s32 $0x180, s25;
	v61 =	vld [tilespmem:$0x103A0];
	vm1 =	vmand vm8, vm9;
	vm12 =	vlt.s32 v59, s26;
	vm13 =	vlt.s32 v59, v34  }
0x93: {  	[tilespmem:$0x105C0] =	vst v39;
	v57 =	vld [tilespmem:$0x103B0];
	vm14 =	vge.s32 v59, s24;
	vm6 =	vge.s32 v63, s24;
	v63 =	vadd.s32 s30, v0  }
0x94: {  	[tilespmem:$0x105D0] =	vst v38;
	s30 =	sadd.s32 $0x1B0, s25;
	v36 =	vsel vm7, v49, v19;
	vm11 =	vmand vm1, vm10;
	vm1 =	vmand vm12, vm13  }
0x95: {  	v59 =	vld [tilespmem:$0x10170];
	[tilespmem:$0x10610] =	vst v48;
	v48 =	vadd.s32 s30, v0;
	vm15 =	vmand vm1, vm14;
	vm1 =	vmand vm4, vm5  }
0x96: {  	[tilespmem:$0x10840] =	vst v42;
	s29 =	sadd.s32 $0x170, s25;
	vm4 =	vlt.s32 v63, s26;
	vm5 =	vlt.s32 v63, v34;
	v60 =	vsub.s32 v62, v35  }
0x97: {  	v55 =	vld [tilespmem:$0x103D0];
	[tilespmem:$0x105E0] =	vst v40;
	v40 =	vsel vm15, v54, v21;
	v39 =	vsel vm11, v60, v20;
	v60 =	vadd.s32 s29, v0  }
0x98: {  	v53 =	vld [tilespmem:$0x10190];
	[tilespmem:$0x10860] =	vst v41;
	s31 =	sadd.s32 $0x160, s25;
	v37 =	vnsel vm7, $0x0, v61;
	v38 =	vnsel vm11, $0x0, v57;
	vm7 =	vmand vm1, vm6  }
0x99: {  	[tilespmem:$0x105F0] =	vst v44;
	v62 =	vld [tilespmem:$0x10150];
	v57 =	vadd.s32 s31, v0;
	vm12 =	vlt.s32 v60, s26;
	vm13 =	vlt.s32 v60, v34  }
0x9a: {  	[tilespmem:$0x10870] =	vst v46;
	s29 =	sadd.s32 $0x1A0, s25;
	vm14 =	vge.s32 v60, s24;
	v51 =	vsub.s32 v59, v35;
	vm6 =	vge.s32 v63, s24  }
0x9b: {  	v58 =	vld [tilespmem:$0x103E0];
	[tilespmem:$0x10600] =	vst v45;
	s31 =	sadd.s32 $0x190, s25;
	v60 =	vadd.s32 s29, v0;
	vm8 =	vlt.s32 v57, s26;
	vm9 =	vlt.s32 v57, v34  }
0x9c: {  	[tilespmem:$0x10880] =	vst v47;
	v61 =	vld [tilespmem:$0x103C0];
	vm10 =	vge.s32 v57, s24;
	v45 =	vnsel vm7, $0x0, v55;
	v55 =	vadd.s32 s31, v0  }
0x9d: {  	[tilespmem:$0x108A0] =	vst v37;
	v37 =	vsub.s32 v53, v35;
	s31 =	sadd.s32 $0x1C0, s25;
	vm1 =	vmand vm8, vm9;
	vm8 =	vlt.s32 v55, s26  }
0x9e: {  	[tilespmem:$0x10890] =	vst v50;
	vm9 =	vlt.s32 v55, v34;
	v53 =	vadd.s32 s31, v0;
	v42 =	vsub.s32 v62, v35  }
0x9f: {  	[tilespmem:$0x10620] =	vst v36;
	vm11 =	vmand vm1, vm10;
	vm1 =	vmand vm12, vm13;
	vm10 =	vge.s32 v55, s24  }
0xa0: {  	v52 =	vld [tilespmem:$0x10400];
	[tilespmem:$0x10640] =	vst v40;
	vm12 =	vlt.s32 v60, s26;
	vm13 =	vlt.s32 v60, v34;
	v42 =	vsel vm7, v42, v22  }
0xa1: {  	[tilespmem:$0x10630] =	vst v39;
	v57 =	vld [tilespmem:$0x10410];
	v43 =	vsel vm11, v43, v23;
	v44 =	vnsel vm11, $0x0, v58;
	v41 =	vnsel vm15, $0x0, v61  }
0xa2: {  	[tilespmem:$0x108B0] =	vst v38;
	v62 =	vld [tilespmem:$0x10180];
	vm15 =	vmand vm1, vm14;
	vm1 =	vmand vm4, vm5;
	vm14 =	vge.s32 v60, s24  }
0xa3: {  	[tilespmem:$0x108D0] =	vst v45;
	v58 =	vld [tilespmem:$0x101A0];
	vm4 =	vlt.s32 v48, s26;
	vm5 =	vlt.s32 v48, v34;
	v36 =	vsel vm15, v51, v24  }
0xa4: {  	v61 =	vld [tilespmem:$0x103F0];
	[tilespmem:$0x10650] =	vst v42;
	vm7 =	vmand vm1, vm6;
	vm1 =	vmand vm8, vm9;
	vm6 =	vge.s32 v48, s24  }
0xa5: {  	[tilespmem:$0x10660] =	vst v43;
	vm8 =	vlt.s32 v53, s26;
	vm9 =	vlt.s32 v53, v34;
	v59 =	vnsel vm7, $0x0, v52  }
0xa6: {  	[tilespmem:$0x108E0] =	vst v44;
	vm11 =	vmand vm1, vm10;
	vm1 =	vmand vm12, vm13;
	vm10 =	vge.s32 v53, s24  }
0xa7: {  	s29 =	sadd.s32 $0x1D0, s25;
	[tilespmem:$0x108C0] =	vst v41;
	v51 =	vld [tilespmem:$0x101C0];
	v56 =	vsub.s32 v62, v35;
	v37 =	vsel vm11, v37, v26;
	v63 =	vnsel vm11, $0x0, v57  }
0xa8: {  	s30 =	sadd.s32 $0x1E0, s25;
	v48 =	vld [tilespmem:$0x101F0];
	[tilespmem:$0x10670] =	vst v36;
	v38 =	vsel vm7, v56, v25;
	v40 =	vsub.s32 v58, v35;
	v58 =	vadd.s32 s29, v0  }
0xa9: {  	v49 =	vld [tilespmem:$0x10430];
	[tilespmem:$0x10910] =	vst v63;
	v63 =	vadd.s32 s30, v0;
	v54 =	vnsel vm15, $0x0, v61;
	vm15 =	vmand vm1, vm14  }
0xaa: {  	v62 =	vld [tilespmem:$0x101B0];
	[tilespmem:$0x10900] =	vst v59;
	vm1 =	vmand vm4, vm5;
	vm12 =	vlt.s32 v58, s26;
	vm13 =	vlt.s32 v58, v34  }
0xab: {  	v55 =	vld [tilespmem:$0x10440];
	[tilespmem:$0x10690] =	vst v37;
	vm14 =	vge.s32 v58, s24;
	vm4 =	vlt.s32 v63, s26;
	vm5 =	vlt.s32 v63, v34  }
0xac: {  	v56 =	vld [tilespmem:$0x101D0];
	[tilespmem:$0x10680] =	vst v38;
	v50 =	vsel vm15, v40, v27;
	vm7 =	vmand vm1, vm6;
	vm1 =	vmand vm8, vm9  }
0xad: {  	v61 =	vld [tilespmem:$0x10420];
	[tilespmem:$0x108F0] =	vst v54;
	v40 =	vsub.s32 v51, v35;
	vm6 =	vge.s32 v63, s24;
	v58 =	vsub.s32 v48, v35  }
0xae: {  	s31 =	sadd.s32 $0x1F0, s25;
	v57 =	vnsel vm7, $0x0, v49;
	vm11 =	vmand vm1, vm10;
	[tilespmem:$0x106A0] =	vst v50;
	vm1 =	vmand vm12, vm13  }
0xaf: {  	v59 =	vld [tilespmem:$0x10450];
	v50 =	vadd.s32 s31, v0;
	v54 =	vsub.s32 v62, v35;
	v60 =	vsel vm11, v40, v29;
	[tilespmem:$0x10930] =	vst v57  }
0xb0: {  	v46 =	vld [tilespmem:$0x10460];
	v62 =	vnsel vm11, $0x0, v55;
	vm8 =	vlt.s32 v50, s26;
	vm9 =	vlt.s32 v50, v34;
	[tilespmem:$0x106C0] =	vst v60  }
0xb1: {  	s25 =	sadd.s32 $0x200, s25;
	v51 =	vld [tilespmem:$0x10470];
	vm10 =	vge.s32 v50, s24;
	v38 =	vsel vm7, v54, v28;
	v45 =	vsub.s32 v56, v35;
	[tilespmem:$0x10940] =	vst v62  }
0xb2: {  	v57 =	vld [tilespmem:$0x10480];
	v56 =	vadd.s32 s25, v0;
	v52 =	vnsel vm15, $0x0, v61;
	vm15 =	vmand vm1, vm14;
	[tilespmem:$0x106B0] =	vst v38  }
0xb3: {  	v61 =	vld [tilespmem:$0x101E0];
	vm1 =	vmand vm4, vm5;
	vm12 =	vlt.s32 v56, s26;
	[tilespmem:$0x10920] =	vst v52;
	v47 =	vsel vm15, v45, v30  }
0xb4: {  	v53 =	vld [tilespmem:$0x10200];
	v49 =	vnsel vm15, $0x0, v59;
	vm7 =	vmand vm1, vm6;
	vm1 =	vmand vm8, vm9;
	[tilespmem:$0x106D0] =	vst v47  }
0xb5: {  	vm13 =	vlt.s32 v56, v34;
	[tilespmem:$0x10950] =	vst v49;
	v55 =	vnsel vm7, $0x0, v46;
	vm11 =	vmand vm1, vm10  }
0xb6: {  	vm14 =	vge.s32 v56, s24;
	vm1 =	vmand vm12, vm13;
	[tilespmem:$0x10960] =	vst v55;
	v59 =	vsel vm11, v58, v32  }
0xb7: {  	v60 =	vnsel vm11, $0x0, v51;
	vm15 =	vmand vm1, vm14;
	[tilespmem:$0x106F0] =	vst v59  }
0xb8: {  	[tilespmem:$0x10970] =	vst v60;
	v63 =	vnsel vm15, $0x0, v57;
	v52 =	vsub.s32 v61, v35  }
0xb9: {  	s29 =	rddreg [dreg:$0xa];
	v61 =	vsub.s32 v53, v35;
	[tilespmem:$0x10980] =	vst v63;
	v54 =	vsel vm7, v52, v31  }
0xba: {  	p0 =	sne.s32 s23, $0x1;
	s30 =	rddreg [dreg:$0xb];
	v62 =	vsel vm15, v61, v33;
	[tilespmem:$0x106E0] =	vst v54  }
.Ltmp5:
0xbb: {  	s31 =	rddreg [dreg:$0xc];
	[tilespmem:$0x10700] =	vst v62;
	(pc) =	sbr.rel @p0 .LBB2_4-.Ltmp5, $4  }
0xbc: {  	[spmem:s2] =	stream.indirect.scatter.add.f32 [tilespmem:s29], [sflag:$0x2], $0x1, s30, s31, $0xb8;
	[tilespmem:$0x10A80] =	vst v63  }
0xbd: {  	_ =	swait.ge [sflag:s18], $0x210  }
0xbe: {  	[sflag:s18] =	ssyncset.done $0x0  }
0xbf: {  	s23 =	sadd.s32 $0xFFFFFFFF, s23;
	s24 =	sadd.s32 $0x2000, s24;
	[sflag:s18] =	ssyncadd.s32 $0xFFFFFDF0  }
.Ltmp6:
0xc0: {  	_ = 	snop;
	(pc) =	sbr.rel .LBB2_5-.Ltmp6, $1  }
0xc1: {  	_ =	sdelay $0x3  }
.LBB2_7:
0xc2: {  	_ =	sfence.sel $0x180000  }
0xc3: {  	[bflag:$0x0] =	sbarrier.arrive $0xFFFF  }
0xc4: {  	p0 =	sne.s32 s5, $0x0;
	_ =	strace $0x9000004A  }
0xc5: {  	s0 =	sadd.s32 @!p0 $0x100000, s1;
	[bflag:$0x2] =	sbarrier.arrive $0xFFFF  }
0xc6: {  	[sflag:s0] =	ssyncadd.tile.s32 @!p0 $0x1;
	_ =	shalt  }
.Lfunc_end2:
_tile_overlayer_lowered:
.L_overlay_start_2:
0xc7: {  	(tag) =	ssettag $0x2  }
0xc8: {  	s0 =	rddreg [dreg:$0x0];
	s2 =	stileid.u32  }
0xc9: {  	s1 =	rddreg [dreg:$0x1];
	p0 =	sne.s32 s2, $0x0  }
0xca: {  	s3 =	rddreg [dreg:$0x2];
	[bflag:$0x3] =	sbarrier.arrive $0xFFFF;
	s2 =	simm.s32 @!p0 $0x1C04  }
0xcb: {  	[timem:s3], [sflag:s2] =	dma.local @!p0 [hbm:s0], s1  }
0xcc: {  	s0 =	simm.s32 @!p0 $0x4  }
0xcd: {  	_ =	swait.ge @!p0 [sflag:s0], s1  }
0xce: {  	s1 =	ssub.s32 @!p0 $0x0, s1;
	[sflag:s0] =	ssyncset.done @!p0 $0x0  }
0xcf: {  	[sflag:s0] =	ssyncadd.s32 @!p0 s1  }
0xd0: {  	[bflag:$0x3] =	sbarrier.arrive $0xFFFF  }
0xd1: {  	_ =	shalt  }

// kernel: sparse-core-data-format-call.cloned.1.call-start
scs
called_computation_lowered:
.L_overlay_start_0:
0x0: {  	s2 =	sld [smem:$0x3FD9]  }
0x1: {  	s3 =	sld [smem:$0x3FFE];
	_ =	sdelay $0x1  }
0x2: {  	s1 =	srdreg.scid  }
0x3: {  	s0 =	sand.u32 $0x1, s1  }
0x4: {  	s19 =	sshll.u32 s0, $0xA;
	s2 =	sadd.s32 s3, s2  }
0x5: {  	s2 =	sadd.s32 s2, s19  }
0x6: {  	[smem:$0x3FC5] =	sst s2  }
0x7: {  	_ = 	snop  }
0x8: {  	s2 =	sld [smem:$0x3FC9]  }
0x9: {  	s20 =	sld [smem:$0x3FD0];
	(tm) =	ssettm $0x1  }
0xa: {  	s4 =	sld [smem:$0x3FFB];
	_ =	sdelay $0x3  }
0xb: {  	_ =	strace s4  }
0xc: {  	s4 =	sld [smem:$0x3FFC];
	_ =	sdelay $0x3  }
0xd: {  	_ =	strace s4  }
0xe: {  	s4 =	sld [smem:$0x3FFD];
	_ =	sdelay $0x3  }
0xf: {  	_ =	strace s4  }
0x10: {  	_ =	strace $0x8FFFFFFF  }
0x11: {  	s21 =	sld [smem:$0x3FDB];
	_ =	sdelay $0x1  }
0x12: {  	s5 =	simm.s32 $_scs_section_size  }
0x13: {  	s6 =	simm.s32 $_size__tile_overlayer_lowered;
	s7 =	simm.s32 $_tile_overlayer_lowered  }
0x14: {  	s24 =	simm.s32 $0x1BFF;
	s23 =	sshll.u32 s7, $0x1;
	s4 =	sadd.s32 s5, s21  }
0x15: {  	s8 =	simm.s32 $0x0;
	s22 =	sshll.u32 s6, $0x1;
	s6 =	sadd.s32 s23, s4  }
0x16: {  	[timem:s8], [sflag:s24] =	dma.local [hbm:s6], s22  }
0x17: {  	_ =	swait.ge [sflag:s24], s22  }
0x18: {  	s5 =	ssub.s32 $0x0, s22;
	[sflag:s24] =	ssyncset.done $0x0  }
0x19: {  	[sflag:s24] =	ssyncadd.s32 s5;
	_ =	sdelay $0x1  }
0x1a: {  	s25 =	simm.s32 $0x1B8B  }
0x1b: {  	_ =	swait.ge [sflag:s25], $0x1  }
0x1c: {  	[sflag:s25] =	ssyncset.done $0x0  }
0x1d: {  	s26 =	simm.s32 $0x1B8E;
	[sflag:s25] =	ssyncadd.s32 $0xFFFFFFFF  }
0x1e: {  	s27 =	simm.s32 $execute0_lowered;
	[smem:$0x3FD2] =	sst s26  }
0x1f: {  	s5 =	sshll.u32 s27, $0x1;
	_ =	strace $0x80000046;
	[dreg:$0x1] =	wrdreg $0xFFFFFFFF  }
0x20: {  	s28 =	simm.s32 $_size_execute0_lowered;
	s4 =	sadd.s32 s4, s5;
	[dreg:$0x0] =	wrdreg $0x0  }
0x21: {  	s5 =	sshll.u32 s28, $0x1;
	[dreg:$0x2] =	wrdreg s4  }
0x22: {  	[dreg:$0x3] =	wrdreg s5  }
0x23: {  	[dreg:$0x4] =	wrdreg $0xC0  }
0x24: {  	_ =	task [dreg:s8], $0x5FFFF  }
0x25: {  	[dreg:$0x1] =	wrdreg $0xFFFFFFFF  }
0x26: {  	[dreg:$0x0] =	wrdreg $0x60  }
0x27: {  	[dreg:$0x2] =	wrdreg s2  }
0x28: {  	[dreg:$0x3] =	wrdreg s20  }
0x29: {  	[dreg:$0x4] =	wrdreg $0x9  }
0x2a: {  	_ =	task.clear_ibuf [dreg:s8], $0x5FFFF;
	_ =	strace $0x90000046  }
0x2b: {  	s29 =	simm.s32 $0x9;
	_ =	strace $0x80000048  }
0x2c: {  	_ =	swait.ge [sflag:s29], $0x1  }
0x2d: {  	[sflag:s29] =	ssyncadd.s32 $0xFFFFFFFF  }
0x2e: {  	_ =	strace $0x90000048  }
0x2f: {  	_ =	sfence  }
0x30: {  	s30 =	sld [smem:$0x0];
	_ =	sdelay $0x2  }
0x31: {  	s31 =	sshll.u32 s1, $0xD;
	s1 =	sshrl.u32 s1, $0x2  }
0x32: {  	s3 =	sand.u32 $0x4000, s31;
	s1 =	sadd.s32 s1, s30  }
0x33: {  	s0 =	sor.u32 s3, s0;
	s1 =	sshll.u32 s1, $0x11  }
0x34: {  	s0 =	sor.u32 s1, s0  }
0x35: {  	s0 =	sadd.s32 $0x8F2B, s0  }
0x36: {  	[sflag:s0] =	ssyncadd.remote.s32 $0x1  }
0x37: {  	_ =	sfence.sel $0xFFFF  }
0x38: {  	[dreg:$0x0] =	wrdreg $0xFFFFFFFF;
	(pc) =	sbr.abs _section_cstart, $3  }
0x39: {  	[dreg:$0x1] =	wrdreg $0xFFFFFFFF  }
0x3a: {  	_ =	task.clear_ibuf [dreg:s8], $0x2FFFF;
	_ =	strace $0x9FFFFFFF  }
0x3b: {  	(tm) =	ssettm $0x7FFFFFFF  }
tec
execute0_lowered:
.L_overlay_start_1:
0x0: {  	(tag) =	ssettag $0x1  }
0x1: {  	s2 =	rddreg [dreg:$0x0]  }
0x2: {  	s3 =	rddreg [dreg:$0x1]  }
0x3: {  	s0 =	rddreg [dreg:$0x2];
	_ =	strace $0x80000047  }
0x4: {  	s4 =	srdreg.scid;
	s1 =	stileid.u32;
	s6 =	simm.s32 $0x2  }
.Ltmp0:
0x5: {  	s11 =	simm.s32 $0x0;
	p0 =	por $0x0, $0x0;
	(pc) =	sbr.rel .LBB1_1-.Ltmp0, $4  }
0x6: {  	s7 =	simm.s32 $0x4000;
	s12 =	simm.s32 $0x0;
	s5 =	sshll.u32 s4, $0x4  }
0x7: {  	s9 =	simm.s32 $0x0;
	s4 =	simm.s32 $0x1;
	s5 =	sand.u32 $0x10, s5  }
0x8: {  	s8 =	simm.s32 $0x0;
	[sflag:s4] =	ssyncpa.u1 $0x0;
	s5 =	sor.u32 s1, s5  }
0x9: {  	[sflag:s6] =	ssyncpa.u1 $0x0;
	s6 =	simm.s32 $0x800;
	s10 =	smov.u32 s5  }
.LBB1_7:
0xa: {  	s13 =	sadd.s32 $0x10, s9  }
0xb: {  	s11 =	sadd.s32 $0x20, s10;
	s15 =	smov.u32 s10;
	p2 =	sgt.s32 s13, $0x7F  }
0xc: {  	p1 =	slt.u32 s8, $0x2;
	s15 =	smov.u32 @p2 s11  }
0xd: {  	s8 =	sadd.s32 $0x1, s8;
	s13 =	simm.s32 @p2 $0x0;
	p2 =	sgt.s32 s15, $0x1FF  }
0xe: {  	s15 =	smov.u32 @p2 s5;
	p2 =	sne.s32 s8, $0x82  }
.Ltmp1:
0xf: {  	_ = 	snop;
	(pc) =	sbr.rel @!p2 .LBB1_8-.Ltmp1, $4  }
0x10: {  	s14 =	simm.s32 @!p1 $0x2  }
0x11: {  	s12 =	smov.u32 s10;
	_ =	swait.ge @!p1 [sflag:s14], $0x4000  }
0x12: {  	p0 =	por !p0, !p0;
	s11 =	smov.u32 s9;
	[sflag:s14] =	ssyncset.done @!p1 $0x0  }
0x13: {  	s9 =	smov.u32 s13;
	[sflag:s14] =	ssyncadd.s32 @!p1 $0xFFFFC000;
	s10 =	smov.u32 s15  }
.LBB1_1:
0x14: {  	p1 =	sgt.u32 s8, $0x7F  }
0x15: {  	s13 =	sxor.u32 @!p1 $0xFFFFFFFF, s8;
	s14 =	sshll.u32 @!p1 s10, $0xE  }
0x16: {  	s15 =	sshll.u32 @!p1 s9, $0x7;
	s13 =	sshll.u32 @!p1 s13, $0xE;
	s14 =	sadd.s32 @!p1 s2, s14  }
0x17: {  	s13 =	sand.u32 @!p1 $0x4000, s13;
	s14 =	sadd.s32 @!p1 s15, s14;
	s15 =	simm.s32 @!p1 $0x0  }
0x18: {  	[tilespmem:s13], [sflag:$0x1] =	stream.linear.gather @!p1 [hbm4b:s14+s15], $0x4000, $0x38;
	[tilespmem:$0x10000] =	vst v63  }
0x19: {  	p1 =	seq.s32 s8, $0x0  }
0x1a: {  	p2 =	seq.s32 @!p1 s8, $0x81  }
0x1b: {  	p1 =	por p1, p2  }
.Ltmp2:
0x1c: {  	_ = 	snop;
	(pc) =	sbr.rel @p1 .LBB1_7-.Ltmp2, $1  }
0x1d: {  	_ =	sdelay $0x3  }
0x1e: {  	s13 =	simm.s32 $0x1;
	_ =	swait.ge [sflag:s4], $0x4000;
	s16 =	sshll.u32 s8, $0xE  }
0x1f: {  	s13 =	simm.s32 @!p0 $0x0;
	[sflag:s4] =	ssyncset.done $0x0;
	s31 =	sand.u32 $0x4000, s16  }
0x20: {  	s16 =	simm.s32 $0x0;
	s14 =	sshll.u32 s13, $0xE;
	[sflag:s4] =	ssyncadd.s32 $0xFFFFC000  }
0x21: {  	s13 =	sor.u32 $0x8040, s14;
	s15 =	sor.u32 $0x40, s14;
	s14 =	sor.u32 $0x8000, s31  }
.LBB1_3:
0x22: {  	v0 =	vmov s15;
	_ =	sdelay $0x3  }
0x23: {  	s18 =	simm.s32 $0x0  }
0x24: {  	v6 =	vld.idx.msk [tilespmem:v0+s18+$0x30 ss:$0x1], $0xffff  }
0x25: {  	v7 =	vld.idx.msk [tilespmem:v0+s18+$0xFFFFFFC0 ss:$0x1], $0xffff  }
0x26: {  	v5 =	vld.idx.msk [tilespmem:v0+s18+$0xFFFFFFD0 ss:$0x1], $0xffff  }
0x27: {  	v4 =	vld.idx.msk [tilespmem:v0+s18+$0xFFFFFFE0 ss:$0x1], $0xffff  }
0x28: {  	v3 =	vld.idx.msk [tilespmem:v0+s18+$0xFFFFFFF0 ss:$0x1], $0xffff  }
0x29: {  	v1 =	vld.idx.msk [tilespmem:v0+s18+$0x0 ss:$0x1], $0xffff  }
0x2a: {  	v2 =	vld.idx.msk [tilespmem:v0+s18+$0x10 ss:$0x1], $0xffff;
	[tilespmem:s13+$0x30] =	vst v6  }
0x2b: {  	s17 =	simm.s32 $0x80;
	s19 =	simm.s32 $0x400;
	[tilespmem:s13+$0xFFFFFFC0] =	vst v7;
	v6 =	vld.idx.msk [tilespmem:v0+s18+$0x20 ss:$0x1], $0xffff;
	s18 =	smov.u32 s13  }
.LBB1_4:
0x2c: {  	p1 =	sne.s32 s19, $0xE00;
	v7 =	vld.idx.msk [tilespmem:v0+s17+$0x30 ss:$0x1], $0xffff;
	[tilespmem:s18+$0xFFFFFFD0] =	vst v5  }
0x2d: {  	v8 =	vld.idx.msk [tilespmem:v0+s17+$0xFFFFFFC0 ss:$0x1], $0xffff;
	[tilespmem:s18+$0xFFFFFFE0] =	vst v4  }
0x2e: {  	v5 =	vld.idx.msk [tilespmem:v0+s17+$0xFFFFFFD0 ss:$0x1], $0xffff;
	[tilespmem:s18+$0xFFFFFFF0] =	vst v3  }
.Ltmp3:
0x2f: {  	v4 =	vld.idx.msk [tilespmem:v0+s17+$0xFFFFFFE0 ss:$0x1], $0xffff;
	[tilespmem:s18+$0x0] =	vst v1;
	(pc) =	sbr.rel @p1 .LBB1_4-.Ltmp3, $4  }
0x30: {  	v3 =	vld.idx.msk [tilespmem:v0+s17+$0xFFFFFFF0 ss:$0x1], $0xffff;
	[tilespmem:s18+$0x10] =	vst v2  }
0x31: {  	v1 =	vld.idx.msk [tilespmem:v0+s17+$0x0 ss:$0x1], $0xffff;
	[tilespmem:s18+$0x20] =	vst v6;
	s18 =	sadd.s32 $0x800, s18  }
0x32: {  	v2 =	vld.idx.msk [tilespmem:v0+s17+$0x10 ss:$0x1], $0xffff;
	[tilespmem:s18+$0x30] =	vst v7  }
0x33: {  	[tilespmem:s18+$0xFFFFFFC0] =	vst v8;
	v6 =	vld.idx.msk [tilespmem:v0+s17+$0x20 ss:$0x1], $0xffff;
	s17 =	sshra.s32 s19, $0x2;
	s19 =	sadd.s32 $0x200, s19  }
0x34: {  	_ =	sdelay $0x2  }
0x35: {  	[tilespmem:s18+$0xFFFFFFD0] =	vst v5  }
0x36: {  	v56 =	vld.idx.msk [tilespmem:v0+s17+$0x30 ss:$0x1], $0xffff;
	[tilespmem:s18+$0xFFFFFFE0] =	vst v4  }
0x37: {  	v57 =	vld.idx.msk [tilespmem:v0+s17+$0xFFFFFFC0 ss:$0x1], $0xffff;
	[tilespmem:s18+$0xFFFFFFF0] =	vst v3  }
0x38: {  	v58 =	vld.idx.msk [tilespmem:v0+s17+$0xFFFFFFD0 ss:$0x1], $0xffff;
	[tilespmem:s18+$0x0] =	vst v1  }
0x39: {  	v59 =	vld.idx.msk [tilespmem:v0+s17+$0xFFFFFFE0 ss:$0x1], $0xffff;
	[tilespmem:s18+$0x10] =	vst v2  }
0x3a: {  	v60 =	vld.idx.msk [tilespmem:v0+s17+$0xFFFFFFF0 ss:$0x1], $0xffff;
	s31 =	sadd.s32 $0x800, s18;
	[tilespmem:s18+$0x20] =	vst v6  }
0x3b: {  	v61 =	vld.idx.msk [tilespmem:v0+s17+$0x0 ss:$0x1], $0xffff;
	[tilespmem:s31+$0x30] =	vst v56  }
0x3c: {  	v62 =	vld.idx.msk [tilespmem:v0+s17+$0x10 ss:$0x1], $0xffff;
	s16 =	sadd.s32 $0x1, s16;
	[tilespmem:s31+$0xFFFFFFC0] =	vst v57  }
0x3d: {  	v63 =	vld.idx.msk [tilespmem:v0+s17+$0x20 ss:$0x1], $0xffff;
	p1 =	sne.s32 s16, $0x10;
	[tilespmem:s31+$0xFFFFFFD0] =	vst v58  }
.Ltmp4:
0x3e: {  	[tilespmem:s31+$0xFFFFFFE0] =	vst v59;
	(pc) =	sbr.rel @p1 .LBB1_3-.Ltmp4, $4  }
0x3f: {  	[tilespmem:s31+$0xFFFFFFF0] =	vst v60  }
0x40: {  	[tilespmem:s31+$0x0] =	vst v61  }
0x41: {  	[tilespmem:s31+$0x10] =	vst v62  }
0x42: {  	s13 =	sadd.s32 $0x80, s13;
	s15 =	sadd.s32 $0x400, s15;
	[tilespmem:s31+$0x20] =	vst v63  }
.Ltmp5:
0x43: {  	(pc) =	sbr.rel .LBB1_7-.Ltmp5, $4  }
0x44: {  	s12 =	sshll.u32 s12, $0xE;
	s11 =	sshll.u32 s11, $0x4  }
0x45: {  	s11 =	sand.u32 $0x7F0, s11;
	s12 =	sadd.s32 s3, s12  }
0x46: {  	s11 =	sadd.s32 s11, s12  }
0x47: {  	[hbm4b:s11+s6] =	stream.strided.scatter [tilespmem:s14], [sflag:$0x2], $0x4000, s7, s6, $0x38;
	[tilespmem:$0x10000] =	vst v63  }
.LBB1_8:
0x48: {  	_ =	sfence.sel $0x180000  }
0x49: {  	s2 =	simm.s32 $0x1;
	[bflag:$0x0] =	sbarrier.arrive $0xFFFF  }
0x4a: {  	s31 =	simm.s32 $0x2;
	[sflag:s2] =	ssyncpa.u1 $0x1  }
0x4b: {  	[sflag:s31] =	ssyncpa.u1 $0x1  }
0x4c: {  	p0 =	sne.s32 s1, $0x0;
	_ =	strace $0x90000047  }
0x4d: {  	s0 =	sadd.s32 @!p0 $0x100000, s0;
	[bflag:$0x2] =	sbarrier.arrive $0xFFFF  }
0x4e: {  	[sflag:s0] =	ssyncadd.tile.s32 @!p0 $0x1;
	_ =	shalt  }
.Lfunc_end1:
_tile_overlayer_lowered:
.L_overlay_start_2:
0x4f: {  	(tag) =	ssettag $0x2  }
0x50: {  	s0 =	rddreg [dreg:$0x0];
	s2 =	stileid.u32  }
0x51: {  	s1 =	rddreg [dreg:$0x1];
	p0 =	sne.s32 s2, $0x0  }
0x52: {  	s3 =	rddreg [dreg:$0x2];
	[bflag:$0x3] =	sbarrier.arrive $0xFFFF;
	s2 =	simm.s32 @!p0 $0x1C01  }
0x53: {  	[timem:s3], [sflag:s2] =	dma.local @!p0 [hbm:s0], s1  }
0x54: {  	s0 =	simm.s32 @!p0 $0x1  }
0x55: {  	_ =	swait.ge @!p0 [sflag:s0], s1  }
0x56: {  	s1 =	ssub.s32 @!p0 $0x0, s1;
	[sflag:s0] =	ssyncset.done @!p0 $0x0  }
0x57: {  	[sflag:s0] =	ssyncadd.s32 @!p0 s1  }
0x58: {  	[bflag:$0x3] =	sbarrier.arrive $0xFFFF  }
0x59: {  	_ =	shalt  }

</sc_bundles>
